<compile_context>
chip_gen: v7x
topology: tpu7x:2x2x1
jax: 0.10.2.dev20260603
libtpu: 0.0.44.dev20260713+nightly
codegen_flags: <defaults>
</compile_context>

<pallas_src>
import dataclasses
import functools

import jax
import jax.numpy as jnp
from jax import lax
from jax.experimental import pallas as pl
from jax.experimental.pallas import tpu as pltpu
from jax.experimental.pallas import tpu_sc as plsc

NC = 2
NS = 16
NW = NC * NS
L = 16

CH = 128
SB = 32


def _sc_segment_sum(feat, pairs, n_groups):
    n_nodes = feat.shape[0]
    iters = (n_groups + NW - 1) // NW
    per_sub = (n_nodes // NS) // 8 * 8
    last_sub = n_nodes - per_sub * (NS - 1)

    mesh = plsc.VectorSubcoreMesh(core_axis_name="c", subcore_axis_name="s")

    @functools.partial(
        pl.kernel, mesh=mesh,
        out_type=[jax.ShapeDtypeStruct((NC, n_nodes, 128), jnp.float32)],
        scratch_types=[
            pltpu.VMEM((16, SB), jnp.int32),
            pltpu.VMEM((2 * SB, 128), jnp.float32),
            pltpu.VMEM((2 * SB, 128), jnp.float32),
            pltpu.VMEM((SB, 128), jnp.float32),
            pltpu.VMEM_SHARED((n_nodes, 128), jnp.float32),
            pltpu.SemaphoreType.DMA,
            pltpu.SemaphoreType.DMA,
        ])
    def run(feat_hbm, pairs_hbm, agg_hbm, pv, r0, r1, r2, agg_s, gsem, ssem):
        c = lax.axis_index("c")
        s = lax.axis_index("s")
        wid = s * NC + c

        ZB = 2 * SB
        @pl.loop(0, ZB)
        def _(i):
            @pl.loop(0, 128, step=L)
            def _(j):
                r0[i, pl.ds(j, L)] = jnp.zeros((L,), jnp.float32)

        base = pl.multiple_of(s * per_sub, 8)
        for off in range(0, per_sub - ZB, ZB):
            pltpu.sync_copy(r0, agg_s.at[pl.ds(base + off, ZB)])
        pltpu.sync_copy(r0, agg_s.at[pl.ds(base + per_sub - ZB, ZB)])

        @pl.when(s == NS - 1)
        def _():
            off2 = pl.multiple_of(base + last_sub - ZB, 8)
            pltpu.sync_copy(r0, agg_s.at[pl.ds(off2, ZB)])

        plsc.subcore_barrier()

        slots = [r0.at[pl.ds(0, SB)], r0.at[pl.ds(SB, SB)],
                 r1.at[pl.ds(0, SB)], r1.at[pl.ds(SB, SB)], r2]

        @pl.loop(0, iters)
        def _(i):
            g = wid + NW * i

            @pl.when(g < n_groups)
            def _():
                pltpu.sync_copy(pairs_hbm.at[g], pv)
                gds = [None] * 8
                sds = [None] * 8
                for k in range(3):
                    gds[k] = pltpu.async_copy(
                        feat_hbm.at[pv.at[2 * k]], slots[k], gsem)
                for k in range(8):
                    gds[k].wait()
                    if k < 5:
                        if k >= 2:
                            sds[k - 2].wait()
                        gds[k + 3] = pltpu.async_copy(
                            feat_hbm.at[pv.at[2 * (k + 3)]],
                            slots[(k + 3) % 5], gsem)
                    sds[k] = pltpu.async_copy(
                        slots[k % 5], agg_s.at[pv.at[2 * k + 1]], ssem,
                        add=True)
                for k in range(4, 8):
                    sds[k].wait()

        plsc.subcore_barrier()

        @pl.when(s < NS - 1)
        def _():
            pltpu.sync_copy(agg_s.at[pl.ds(base, per_sub)],
                            agg_hbm.at[c].at[pl.ds(base, per_sub)])

        @pl.when(s == NS - 1)
        def _():
            pltpu.sync_copy(agg_s.at[pl.ds(base, last_sub)],
                            agg_hbm.at[c].at[pl.ds(base, last_sub)])

    return run(feat, pairs)


def _sc_degree(dst1d, n_nodes):
    n_edges = dst1d.shape[0]
    per_w = n_edges // NW
    DBLK = 1024
    n_full = per_w // DBLK
    tail = per_w - n_full * DBLK

    mesh = plsc.VectorSubcoreMesh(core_axis_name="c", subcore_axis_name="s")

    cp = pltpu.CompilerParams()
    if "needs_layout_passes" in pltpu.CompilerParams.__dataclass_fields__:
        cp = dataclasses.replace(cp, needs_layout_passes=False)

    @functools.partial(
        pl.kernel, mesh=mesh, compiler_params=cp,
        out_type=jax.ShapeDtypeStruct((NW, n_nodes), jnp.float32),
        scratch_types=[
            pltpu.VMEM((DBLK,), jnp.int32),
            pltpu.VMEM((n_nodes,), jnp.float32),
        ])
    def run(dst_hbm, deg_hbm, dst_v, hist):
        c = lax.axis_index("c")
        s = lax.axis_index("s")
        wid = s * NC + c

        @pl.loop(0, n_nodes, step=L)
        def _(i):
            hist[pl.ds(i, L)] = jnp.zeros((L,), jnp.float32)

        ones = jnp.ones((L,), jnp.float32)
        e_base = pl.multiple_of(wid * per_w, 8)

        @pl.loop(0, n_full)
        def _(j):
            e0 = pl.multiple_of(e_base + j * DBLK, 8)
            pltpu.sync_copy(dst_hbm.at[pl.ds(e0, DBLK)], dst_v)

            @pl.loop(0, DBLK, step=L)
            def _(t):
                plsc.addupdate_scatter(hist, [dst_v[pl.ds(t, L)]], ones)

        if tail:
            e1 = pl.multiple_of(e_base + n_full * DBLK, 8)
            pltpu.sync_copy(dst_hbm.at[pl.ds(e1, tail)],
                            dst_v.at[pl.ds(0, tail)])

            @pl.loop(0, tail, step=L)
            def _(t):
                plsc.addupdate_scatter(hist, [dst_v[pl.ds(t, L)]], ones)

        pltpu.sync_copy(hist, deg_hbm.at[wid])

    return run(dst1d)


def _tc_sage_layer(h, agg, deg, w_self, w_neigh, b):
    n_nodes = h.shape[0]
    blk = 400
    grid = n_nodes // blk

    def body(h_ref, agg_ref, deg_ref, ws_ref, wn_ref, b_ref, o_ref):
        hb = h_ref[...]
        aggb = agg_ref[0] + agg_ref[1]
        degb = jnp.maximum(jnp.sum(deg_ref[...], axis=1), 1.0)
        hn = aggb / degb[:, None]
        acc = jnp.dot(hb, ws_ref[...], preferred_element_type=jnp.float32)
        acc += jnp.dot(hn, wn_ref[...], preferred_element_type=jnp.float32)
        o_ref[...] = jnp.maximum(acc + b_ref[...][None, :], 0.0)

    return pl.pallas_call(
        body,
        grid=(grid,),
        in_specs=[
            pl.BlockSpec((blk, 128), lambda i: (i, 0)),
            pl.BlockSpec((NC, blk, 128), lambda i: (0, i, 0)),
            pl.BlockSpec((blk, NW), lambda i: (i, 0)),
            pl.BlockSpec((128, 128), lambda i: (0, 0)),
            pl.BlockSpec((128, 128), lambda i: (0, 0)),
            pl.BlockSpec((128,), lambda i: (0,)),
        ],
        out_specs=pl.BlockSpec((blk, 128), lambda i: (i, 0)),
        out_shape=jax.ShapeDtypeStruct((n_nodes, 128), jnp.float32),
    )(h, agg, deg, w_self, w_neigh, b)


def _tc_sage_layer_pool(h, agg, deg, w_self, w_neigh, b):
    n_nodes = h.shape[0]
    blk = 400
    grid = n_nodes // blk

    def body(h_ref, agg_ref, deg_ref, ws_ref, wn_ref, b_ref, o_ref):
        i = pl.program_id(0)
        hb = h_ref[...]
        aggb = agg_ref[0] + agg_ref[1]
        degb = jnp.maximum(jnp.sum(deg_ref[...], axis=1), 1.0)
        hn = aggb / degb[:, None]
        acc = jnp.dot(hb, ws_ref[...], preferred_element_type=jnp.float32)
        acc += jnp.dot(hn, wn_ref[...], preferred_element_type=jnp.float32)
        hb2 = jnp.maximum(acc + b_ref[...][None, :], 0.0)
        part = jnp.sum(hb2, axis=0, keepdims=True)

        @pl.when(i == 0)
        def _():
            o_ref[...] = jnp.zeros_like(o_ref)

        o_ref[...] += part

        @pl.when(i == grid - 1)
        def _():
            o_ref[...] = o_ref[...] * (1.0 / n_nodes)

    return pl.pallas_call(
        body,
        grid=(grid,),
        in_specs=[
            pl.BlockSpec((blk, 128), lambda i: (i, 0)),
            pl.BlockSpec((NC, blk, 128), lambda i: (0, i, 0)),
            pl.BlockSpec((blk, NW), lambda i: (i, 0)),
            pl.BlockSpec((128, 128), lambda i: (0, 0)),
            pl.BlockSpec((128, 128), lambda i: (0, 0)),
            pl.BlockSpec((128,), lambda i: (0,)),
        ],
        out_specs=pl.BlockSpec((1, 128), lambda i: (0, 0)),
        out_shape=jax.ShapeDtypeStruct((1, 128), jnp.float32),
    )(h, agg, deg, w_self, w_neigh, b)


def kernel(x, edge_index, W_self1, W_neigh1, b1, W_self2, W_neigh2, b2):
    src1d = edge_index[0]
    dst1d = edge_index[1]
    n_groups = src1d.shape[0] // (8 * SB)
    pairs = jnp.stack(
        [src1d.reshape(-1, SB), dst1d.reshape(-1, SB)], axis=1
    ).reshape(n_groups, 16, SB)

    deg = _sc_degree(dst1d, x.shape[0]).T
    (agg1,) = _sc_segment_sum(x, pairs, n_groups)
    h1 = _tc_sage_layer(x, agg1, deg, W_self1, W_neigh1, b1)
    (agg2,) = _sc_segment_sum(h1, pairs, n_groups)
    return _tc_sage_layer_pool(h1, agg2, deg, W_self2, W_neigh2, b2)

# --- scband reference (transcript-rebuilt; emitter-appended) ---
"""Pipeline reference for scband-sage-66185446031414 (READ-ONLY COPY).

The authoritative reference and input builder live on the scoring server;
editing this copy changes nothing except your own understanding.
"""

import jax, jax.numpy as jnp
import numpy as np

N = 10000
E = 320000
D = 128
H = 128


def setup_inputs(seed: int = 0) -> dict:
    key = jax.random.key(seed)
    ks = jax.random.split(key, 9)
    x = jax.random.normal(ks[0], (N, D), dtype=jnp.float32)
    edge_index = jax.random.randint(ks[1], (2, E), 0, N, dtype=jnp.int32)
    s1 = 1.0 / np.sqrt(D)
    s2 = 1.0 / np.sqrt(H)
    W_self1 = jax.random.normal(ks[2], (D, H), dtype=jnp.float32) * s1
    W_neigh1 = jax.random.normal(ks[3], (D, H), dtype=jnp.float32) * s1
    b1 = jnp.zeros((H,), dtype=jnp.float32)
    W_self2 = jax.random.normal(ks[4], (H, H), dtype=jnp.float32) * s2
    W_neigh2 = jax.random.normal(ks[5], (H, H), dtype=jnp.float32) * s2
    b2 = jnp.zeros((H,), dtype=jnp.float32)
    return {"x": x, "edge_index": edge_index, "W_self1": W_self1, "W_neigh1": W_neigh1, "b1": b1, "W_self2": W_self2, "W_neigh2": W_neigh2, "b2": b2}


def _sage_conv(h, src, dst, W_self, W_neigh, b, num_nodes):
    # message: gather source node features along edges
    msg = jnp.take(h, src, axis=0)
    # mean aggregation over destination nodes (scatter-add + degree normalize)
    agg = jax.ops.segment_sum(msg, dst, num_segments=num_nodes)
    deg = jax.ops.segment_sum(jnp.ones((src.shape[0],), dtype=h.dtype), dst, num_segments=num_nodes)
    h_neigh = agg / jnp.clip(deg, 1.0)[:, None]
    # DGL SAGEConv('mean'): fc_self(h) + fc_neigh(h_neigh) + bias
    return h @ W_self + h_neigh @ W_neigh + b


def reference(x, edge_index, W_self1, W_neigh1, b1, W_self2, W_neigh2, b2):
    src = edge_index[0]
    dst = edge_index[1]
    h = jax.nn.relu(_sage_conv(x, src, dst, W_self1, W_neigh1, b1, N))
    h = jax.nn.relu(_sage_conv(h, src, dst, W_self2, W_neigh2, b2, N))
    # dgl.mean_nodes over a single graph -> [1, hidden_dim]
    hg = jnp.mean(h, axis=0, keepdims=True)
    return hg

if __name__ == "__main__":
    import jax
    _d = setup_inputs()
    print(jax.jit(kernel)(*tuple(_d.values())))

</pallas_src>

<mosaic_0001>
#map = affine_map<(d0, d1) -> (0)>
#map1 = affine_map<(d0, d1) -> (0, 0)>
module attributes {stable_mosaic.version = 14 : i64} {
  func.func @run(%arg0: i32, %arg1: i32, %arg2: memref<320000xi32, #tpu.memory_space<hbm>>, %arg3: memref<32x10000xf32, #tpu.memory_space<hbm>>, %arg4: memref<1024xi32, #tpu.memory_space<vmem>>, %arg5: memref<10000xf32, #tpu.memory_space<vmem>>) attributes {dimension_semantics = [#tpu.dimension_semantics<core_parallel>, #tpu.dimension_semantics<subcore_parallel>], iteration_bounds = array<i64: 2, 16>, scalar_prefetch = 0 : i64, scratch_operands = 2 : i64, tpu.core_type = #tpu.core_type<sc_vector_subcore>, window_params = [{transform_indices = #map}, {transform_indices = #map1}]} {
    %mul3A = arith.constant 2 : i32
    %mul3A_0 = arith.muli %arg1, %mul3A : i32
    %add3A = arith.addi %mul3A_0, %arg0 : i32
    %scan3A = arith.constant 0 : i32
    %scan3A_1 = arith.constant 625 : i32
    %scan3A_2 = arith.addi %scan3A, %scan3A_1 : i32
    %scan3A_3 = arith.constant 1 : i32
    scf.for %scan3A_21 = %scan3A to %scan3A_2 step %scan3A_3  : i32 {
      %mul3A_22 = arith.constant 16 : i32
      %mul3A_23 = arith.muli %scan3A_21, %mul3A_22 : i32
      %add3A_24 = arith.constant 0 : i32
      %add3A_25 = arith.addi %add3A_24, %mul3A_23 : i32
      %broadcast_in_dim3A_26 = arith.constant 0.000000e+00 : f32
      %broadcast_in_dim3A_27 = vector.broadcast %broadcast_in_dim3A_26 : f32 to vector<16xf32>
      %swap3A = arith.index_cast %add3A_25 : i32 to index
      %swap3A_28 = tpu.vector_load %arg5[%swap3A] {strides = array<i32>} : memref<10000xf32, #tpu.memory_space<vmem>>, vector<16xf32>,
      tpu.vector_store %arg5[%swap3A], %broadcast_in_dim3A_27 {strides = array<i32>} : memref<10000xf32, #tpu.memory_space<vmem>>, vector<16xf32>,
    }
    %scan3A_4 = arith.constant 625 : i32
    %broadcast_in_dim3A = arith.constant 1.000000e+00 : f32
    %broadcast_in_dim3A_5 = vector.broadcast %broadcast_in_dim3A : f32 to vector<16xf32>
    %mul3A_6 = arith.constant 10000 : i32
    %mul3A_7 = arith.muli %add3A, %mul3A_6 : i32
    %multiple_of3A = tpu.assume_multiple %mul3A_7, 8 : i32
    %scan3A_8 = arith.constant 0 : i32
    %scan3A_9 = arith.constant 9 : i32
    %scan3A_10 = arith.addi %scan3A_8, %scan3A_9 : i32
    %scan3A_11 = arith.constant 1 : i32
    scf.for %scan3A_21 = %scan3A_8 to %scan3A_10 step %scan3A_11  : i32 {
      %mul3A_22 = arith.constant 1 : i32
      %mul3A_23 = arith.muli %scan3A_21, %mul3A_22 : i32
      %add3A_24 = arith.constant 0 : i32
      %add3A_25 = arith.addi %add3A_24, %mul3A_23 : i32
      %mul3A_26 = arith.constant 1024 : i32
      %mul3A_27 = arith.muli %add3A_25, %mul3A_26 : i32
      %add3A_28 = arith.addi %multiple_of3A, %mul3A_27 : i32
      %multiple_of3A_29 = tpu.assume_multiple %add3A_28, 8 : i32
      "tpu.region"() ({
        %run_scoped3A = tpu.sem_alloc : memref<!tpu.dma_semaphore, #tpu.memory_space<semaphore_mem>>
        %dma_start3A = tpu.memref_slice %arg2[%multiple_of3A_29] : memref<320000xi32, #tpu.memory_space<hbm>> -> memref<1024xi32, #tpu.memory_space<hbm>>
        %dma_start3A_35 = tpu.memref_slice %arg2[%multiple_of3A_29] : memref<320000xi32, #tpu.memory_space<hbm>> -> memref<1024xi32, #tpu.memory_space<hbm>>
        tpu.enqueue_dma source(%dma_start3A_35 : memref<1024xi32, #tpu.memory_space<hbm>>) target(%arg4 : memref<1024xi32, #tpu.memory_space<vmem>>) target_semaphore(%run_scoped3A : memref<!tpu.dma_semaphore, #tpu.memory_space<semaphore_mem>>)
        %dma_wait3A = tpu.memref_slice %arg2[%multiple_of3A_29] : memref<320000xi32, #tpu.memory_space<hbm>> -> memref<1024xi32, #tpu.memory_space<hbm>>
        %dma_wait3A_36 = tpu.memref_slice %arg2[%multiple_of3A_29] : memref<320000xi32, #tpu.memory_space<hbm>> -> memref<1024xi32, #tpu.memory_space<hbm>>
        tpu.wait_dma2 semaphore(%run_scoped3A : memref<!tpu.dma_semaphore, #tpu.memory_space<semaphore_mem>>) src(%dma_wait3A_36 : memref<1024xi32, #tpu.memory_space<hbm>>) dst(%arg4 : memref<1024xi32, #tpu.memory_space<vmem>>)
        tpu.yield
      }) : () -> ()
      %scan3A_30 = arith.constant 0 : i32
      %scan3A_31 = arith.constant 64 : i32
      %scan3A_32 = arith.addi %scan3A_30, %scan3A_31 : i32
      %scan3A_33 = arith.constant 1 : i32
      scf.for %scan3A_35 = %scan3A_30 to %scan3A_32 step %scan3A_33  : i32 {
        %mul3A_36 = arith.constant 16 : i32
        %mul3A_37 = arith.muli %scan3A_35, %mul3A_36 : i32
        %add3A_38 = arith.constant 0 : i32
        %add3A_39 = arith.addi %add3A_38, %mul3A_37 : i32
        %get3A = arith.index_cast %add3A_39 : i32 to index
        %get3A_40 = tpu.vector_load %arg4[%get3A] {strides = array<i32>} : memref<1024xi32, #tpu.memory_space<vmem>>, vector<16xi32>,
        tpu.vector_store_idx %arg5[%get3A_40], %broadcast_in_dim3A_5 {add = true} : memref<10000xf32, #tpu.memory_space<vmem>>[vector<16xi32>], vector<16xf32>,
      }
      %scan3A_34 = arith.constant 64 : i32
    }
    %scan3A_12 = arith.constant 9 : i32
    %add3A_13 = arith.constant 9216 : i32
    %add3A_14 = arith.addi %multiple_of3A, %add3A_13 : i32
    %multiple_of3A_15 = tpu.assume_multiple %add3A_14, 8 : i32
    "tpu.region"() ({
      %run_scoped3A = tpu.sem_alloc : memref<!tpu.dma_semaphore, #tpu.memory_space<semaphore_mem>>
      %dma_start3A = arith.constant 0 : i32
      %dma_start3A_21 = tpu.memref_slice %arg4[%dma_start3A] : memref<1024xi32, #tpu.memory_space<vmem>> -> memref<784xi32, #tpu.memory_space<vmem>>
      %dma_start3A_22 = tpu.memref_slice %arg2[%multiple_of3A_15] : memref<320000xi32, #tpu.memory_space<hbm>> -> memref<784xi32, #tpu.memory_space<hbm>>
      %dma_start3A_23 = arith.constant 0 : i32
      %dma_start3A_24 = tpu.memref_slice %arg4[%dma_start3A_23] : memref<1024xi32, #tpu.memory_space<vmem>> -> memref<784xi32, #tpu.memory_space<vmem>>
      %dma_start3A_25 = tpu.memref_slice %arg2[%multiple_of3A_15] : memref<320000xi32, #tpu.memory_space<hbm>> -> memref<784xi32, #tpu.memory_space<hbm>>
      tpu.enqueue_dma source(%dma_start3A_25 : memref<784xi32, #tpu.memory_space<hbm>>) target(%dma_start3A_24 : memref<784xi32, #tpu.memory_space<vmem>>) target_semaphore(%run_scoped3A : memref<!tpu.dma_semaphore, #tpu.memory_space<semaphore_mem>>)
      %dma_wait3A = arith.constant 0 : i32
      %dma_wait3A_26 = tpu.memref_slice %arg4[%dma_wait3A] : memref<1024xi32, #tpu.memory_space<vmem>> -> memref<784xi32, #tpu.memory_space<vmem>>
      %dma_wait3A_27 = tpu.memref_slice %arg2[%multiple_of3A_15] : memref<320000xi32, #tpu.memory_space<hbm>> -> memref<784xi32, #tpu.memory_space<hbm>>
      %dma_wait3A_28 = arith.constant 0 : i32
      %dma_wait3A_29 = tpu.memref_slice %arg4[%dma_wait3A_28] : memref<1024xi32, #tpu.memory_space<vmem>> -> memref<784xi32, #tpu.memory_space<vmem>>
      %dma_wait3A_30 = tpu.memref_slice %arg2[%multiple_of3A_15] : memref<320000xi32, #tpu.memory_space<hbm>> -> memref<784xi32, #tpu.memory_space<hbm>>
      tpu.wait_dma2 semaphore(%run_scoped3A : memref<!tpu.dma_semaphore, #tpu.memory_space<semaphore_mem>>) src(%dma_wait3A_30 : memref<784xi32, #tpu.memory_space<hbm>>) dst(%dma_wait3A_29 : memref<784xi32, #tpu.memory_space<vmem>>)
      tpu.yield
    }) : () -> ()
    %scan3A_16 = arith.constant 0 : i32
    %scan3A_17 = arith.constant 49 : i32
    %scan3A_18 = arith.addi %scan3A_16, %scan3A_17 : i32
    %scan3A_19 = arith.constant 1 : i32
    scf.for %scan3A_21 = %scan3A_16 to %scan3A_18 step %scan3A_19  : i32 {
      %mul3A_22 = arith.constant 16 : i32
      %mul3A_23 = arith.muli %scan3A_21, %mul3A_22 : i32
      %add3A_24 = arith.constant 0 : i32
      %add3A_25 = arith.addi %add3A_24, %mul3A_23 : i32
      %get3A = arith.index_cast %add3A_25 : i32 to index
      %get3A_26 = tpu.vector_load %arg4[%get3A] {strides = array<i32>} : memref<1024xi32, #tpu.memory_space<vmem>>, vector<16xi32>,
      tpu.vector_store_idx %arg5[%get3A_26], %broadcast_in_dim3A_5 {add = true} : memref<10000xf32, #tpu.memory_space<vmem>>[vector<16xi32>], vector<16xf32>,
    }
    %scan3A_20 = arith.constant 49 : i32
    "tpu.region"() ({
      %run_scoped3A = tpu.sem_alloc : memref<!tpu.dma_semaphore, #tpu.memory_space<semaphore_mem>>
      %dma_start3A = arith.constant 0 : i32
      %dma_start3A_21 = tpu.memref_slice %arg3[%add3A, %dma_start3A] : memref<32x10000xf32, #tpu.memory_space<hbm>> -> memref<1x10000xf32, #tpu.memory_space<hbm>>
      %dma_start3A_22 = tpu.memref_squeeze %dma_start3A_21 : memref<1x10000xf32, #tpu.memory_space<hbm>> -> memref<10000xf32, #tpu.memory_space<hbm>>
      %dma_start3A_23 = arith.constant 0 : i32
      %dma_start3A_24 = tpu.memref_slice %arg3[%add3A, %dma_start3A_23] : memref<32x10000xf32, #tpu.memory_space<hbm>> -> memref<1x10000xf32, #tpu.memory_space<hbm>>
      %dma_start3A_25 = tpu.memref_squeeze %dma_start3A_24 : memref<1x10000xf32, #tpu.memory_space<hbm>> -> memref<10000xf32, #tpu.memory_space<hbm>>
      tpu.enqueue_dma source(%arg5 : memref<10000xf32, #tpu.memory_space<vmem>>) target(%dma_start3A_25 : memref<10000xf32, #tpu.memory_space<hbm>>) target_semaphore(%run_scoped3A : memref<!tpu.dma_semaphore, #tpu.memory_space<semaphore_mem>>)
      %dma_wait3A = arith.constant 0 : i32
      %dma_wait3A_26 = tpu.memref_slice %arg3[%add3A, %dma_wait3A] : memref<32x10000xf32, #tpu.memory_space<hbm>> -> memref<1x10000xf32, #tpu.memory_space<hbm>>
      %dma_wait3A_27 = tpu.memref_squeeze %dma_wait3A_26 : memref<1x10000xf32, #tpu.memory_space<hbm>> -> memref<10000xf32, #tpu.memory_space<hbm>>
      %dma_wait3A_28 = arith.constant 0 : i32
      %dma_wait3A_29 = tpu.memref_slice %arg3[%add3A, %dma_wait3A_28] : memref<32x10000xf32, #tpu.memory_space<hbm>> -> memref<1x10000xf32, #tpu.memory_space<hbm>>
      %dma_wait3A_30 = tpu.memref_squeeze %dma_wait3A_29 : memref<1x10000xf32, #tpu.memory_space<hbm>> -> memref<10000xf32, #tpu.memory_space<hbm>>
      tpu.wait_dma2 semaphore(%run_scoped3A : memref<!tpu.dma_semaphore, #tpu.memory_space<semaphore_mem>>) src(%arg5 : memref<10000xf32, #tpu.memory_space<vmem>>) dst(%dma_wait3A_30 : memref<10000xf32, #tpu.memory_space<hbm>>)
      tpu.yield
    }) : () -> ()
    return
  }
}

#map = affine_map<(d0, d1) -> (0, 0)>
#map1 = affine_map<(d0, d1) -> (0, 0, 0)>
module attributes {stable_mosaic.version = 14 : i64} {
  func.func @run(%arg0: i32, %arg1: i32, %arg2: memref<10000x128xf32, #tpu.memory_space<hbm>>, %arg3: memref<1250x16x32xi32, #tpu.memory_space<hbm>>, %arg4: memref<2x10000x128xf32, #tpu.memory_space<hbm>>, %arg5: memref<16x32xi32, #tpu.memory_space<vmem>>, %arg6: memref<64x128xf32, #tpu.memory_space<vmem>>, %arg7: memref<64x128xf32, #tpu.memory_space<vmem>>, %arg8: memref<32x128xf32, #tpu.memory_space<vmem>>, %arg9: memref<10000x128xf32, #tpu.memory_space<vmem_shared>>, %arg10: memref<!tpu.dma_semaphore, #tpu.memory_space<semaphore_mem>>, %arg11: memref<!tpu.dma_semaphore, #tpu.memory_space<semaphore_mem>>) attributes {dimension_semantics = [#tpu.dimension_semantics<core_parallel>, #tpu.dimension_semantics<subcore_parallel>], iteration_bounds = array<i64: 2, 16>, scalar_prefetch = 0 : i64, scratch_operands = 7 : i64, tpu.core_type = #tpu.core_type<sc_vector_subcore>, window_params = [{transform_indices = #map}, {transform_indices = #map1}, {transform_indices = #map1}]} {
    %mul3A = arith.constant 2 : i32
    %mul3A_0 = arith.muli %arg1, %mul3A : i32
    %add3A = arith.addi %mul3A_0, %arg0 : i32
    %scan3A = arith.constant 0 : i32
    %scan3A_1 = arith.constant 64 : i32
    %scan3A_2 = arith.addi %scan3A, %scan3A_1 : i32
    %scan3A_3 = arith.constant 1 : i32
    scf.for %scan3A_45 = %scan3A to %scan3A_2 step %scan3A_3  : i32 {
      %mul3A_46 = arith.constant 1 : i32
      %mul3A_47 = arith.muli %scan3A_45, %mul3A_46 : i32
      %add3A_48 = arith.constant 0 : i32
      %add3A_49 = arith.addi %add3A_48, %mul3A_47 : i32
      %scan3A_50 = arith.constant 0 : i32
      %scan3A_51 = arith.constant 8 : i32
      %scan3A_52 = arith.addi %scan3A_50, %scan3A_51 : i32
      %scan3A_53 = arith.constant 1 : i32
      scf.for %scan3A_55 = %scan3A_50 to %scan3A_52 step %scan3A_53  : i32 {
        %mul3A_56 = arith.constant 16 : i32
        %mul3A_57 = arith.muli %scan3A_55, %mul3A_56 : i32
        %add3A_58 = arith.constant 0 : i32
        %add3A_59 = arith.addi %add3A_58, %mul3A_57 : i32
        %broadcast_in_dim3A = arith.constant 0.000000e+00 : f32
        %broadcast_in_dim3A_60 = vector.broadcast %broadcast_in_dim3A : f32 to vector<16xf32>
        %swap3A = arith.index_cast %add3A_49 : i32 to index
        %swap3A_61 = arith.index_cast %add3A_59 : i32 to index
        %swap3A_62 = tpu.vector_load %arg6[%swap3A, %swap3A_61] {strides = array<i32>} : memref<64x128xf32, #tpu.memory_space<vmem>>, vector<1x16xf32>,
        %swap3A_63 = vector.shape_cast %swap3A_62 : vector<1x16xf32> to vector<16xf32>
        %swap3A_64 = vector.shape_cast %broadcast_in_dim3A_60 : vector<16xf32> to vector<1x16xf32>
        tpu.vector_store %arg6[%swap3A, %swap3A_61], %swap3A_64 {strides = array<i32>} : memref<64x128xf32, #tpu.memory_space<vmem>>, vector<1x16xf32>,
      }
      %scan3A_54 = arith.constant 8 : i32
    }
    %scan3A_4 = arith.constant 64 : i32
    %mul3A_5 = arith.constant 624 : i32
    %mul3A_6 = arith.muli %arg1, %mul3A_5 : i32
    %multiple_of3A = tpu.assume_multiple %mul3A_6, 8 : i32
    %add3A_7 = arith.constant 0 : i32
    %add3A_8 = arith.addi %multiple_of3A, %add3A_7 : i32
    "tpu.region"() ({
      %run_scoped3A = tpu.sem_alloc : memref<!tpu.dma_semaphore, #tpu.memory_space<semaphore_mem>>
      %dma_start3A = arith.constant 0 : i32
      %dma_start3A_45 = tpu.memref_slice %arg9[%add3A_8, %dma_start3A] : memref<10000x128xf32, #tpu.memory_space<vmem_shared>> -> memref<64x128xf32, #tpu.memory_space<vmem_shared>>
      %dma_start3A_46 = arith.constant 0 : i32
      %dma_start3A_47 = tpu.memref_slice %arg9[%add3A_8, %dma_start3A_46] : memref<10000x128xf32, #tpu.memory_space<vmem_shared>> -> memref<64x128xf32, #tpu.memory_space<vmem_shared>>
      tpu.enqueue_dma source(%arg6 : memref<64x128xf32, #tpu.memory_space<vmem>>) target(%dma_start3A_47 : memref<64x128xf32, #tpu.memory_space<vmem_shared>>) target_semaphore(%run_scoped3A : memref<!tpu.dma_semaphore, #tpu.memory_space<semaphore_mem>>)
      %dma_wait3A = arith.constant 0 : i32
      %dma_wait3A_48 = tpu.memref_slice %arg9[%add3A_8, %dma_wait3A] : memref<10000x128xf32, #tpu.memory_space<vmem_shared>> -> memref<64x128xf32, #tpu.memory_space<vmem_shared>>
      %dma_wait3A_49 = arith.constant 0 : i32
      %dma_wait3A_50 = tpu.memref_slice %arg9[%add3A_8, %dma_wait3A_49] : memref<10000x128xf32, #tpu.memory_space<vmem_shared>> -> memref<64x128xf32, #tpu.memory_space<vmem_shared>>
      tpu.wait_dma2 semaphore(%run_scoped3A : memref<!tpu.dma_semaphore, #tpu.memory_space<semaphore_mem>>) src(%arg6 : memref<64x128xf32, #tpu.memory_space<vmem>>) dst(%dma_wait3A_50 : memref<64x128xf32, #tpu.memory_space<vmem_shared>>)
      tpu.yield
    }) : () -> ()
    %add3A_9 = arith.constant 64 : i32
    %add3A_10 = arith.addi %multiple_of3A, %add3A_9 : i32
    "tpu.region"() ({
      %run_scoped3A = tpu.sem_alloc : memref<!tpu.dma_semaphore, #tpu.memory_space<semaphore_mem>>
      %dma_start3A = arith.constant 0 : i32
      %dma_start3A_45 = tpu.memref_slice %arg9[%add3A_10, %dma_start3A] : memref<10000x128xf32, #tpu.memory_space<vmem_shared>> -> memref<64x128xf32, #tpu.memory_space<vmem_shared>>
      %dma_start3A_46 = arith.constant 0 : i32
      %dma_start3A_47 = tpu.memref_slice %arg9[%add3A_10, %dma_start3A_46] : memref<10000x128xf32, #tpu.memory_space<vmem_shared>> -> memref<64x128xf32, #tpu.memory_space<vmem_shared>>
      tpu.enqueue_dma source(%arg6 : memref<64x128xf32, #tpu.memory_space<vmem>>) target(%dma_start3A_47 : memref<64x128xf32, #tpu.memory_space<vmem_shared>>) target_semaphore(%run_scoped3A : memref<!tpu.dma_semaphore, #tpu.memory_space<semaphore_mem>>)
      %dma_wait3A = arith.constant 0 : i32
      %dma_wait3A_48 = tpu.memref_slice %arg9[%add3A_10, %dma_wait3A] : memref<10000x128xf32, #tpu.memory_space<vmem_shared>> -> memref<64x128xf32, #tpu.memory_space<vmem_shared>>
      %dma_wait3A_49 = arith.constant 0 : i32
      %dma_wait3A_50 = tpu.memref_slice %arg9[%add3A_10, %dma_wait3A_49] : memref<10000x128xf32, #tpu.memory_space<vmem_shared>> -> memref<64x128xf32, #tpu.memory_space<vmem_shared>>
      tpu.wait_dma2 semaphore(%run_scoped3A : memref<!tpu.dma_semaphore, #tpu.memory_space<semaphore_mem>>) src(%arg6 : memref<64x128xf32, #tpu.memory_space<vmem>>) dst(%dma_wait3A_50 : memref<64x128xf32, #tpu.memory_space<vmem_shared>>)
      tpu.yield
    }) : () -> ()
    %add3A_11 = arith.constant 128 : i32
    %add3A_12 = arith.addi %multiple_of3A, %add3A_11 : i32
    "tpu.region"() ({
      %run_scoped3A = tpu.sem_alloc : memref<!tpu.dma_semaphore, #tpu.memory_space<semaphore_mem>>
      %dma_start3A = arith.constant 0 : i32
      %dma_start3A_45 = tpu.memref_slice %arg9[%add3A_12, %dma_start3A] : memref<10000x128xf32, #tpu.memory_space<vmem_shared>> -> memref<64x128xf32, #tpu.memory_space<vmem_shared>>
      %dma_start3A_46 = arith.constant 0 : i32
      %dma_start3A_47 = tpu.memref_slice %arg9[%add3A_12, %dma_start3A_46] : memref<10000x128xf32, #tpu.memory_space<vmem_shared>> -> memref<64x128xf32, #tpu.memory_space<vmem_shared>>
      tpu.enqueue_dma source(%arg6 : memref<64x128xf32, #tpu.memory_space<vmem>>) target(%dma_start3A_47 : memref<64x128xf32, #tpu.memory_space<vmem_shared>>) target_semaphore(%run_scoped3A : memref<!tpu.dma_semaphore, #tpu.memory_space<semaphore_mem>>)
      %dma_wait3A = arith.constant 0 : i32
      %dma_wait3A_48 = tpu.memref_slice %arg9[%add3A_12, %dma_wait3A] : memref<10000x128xf32, #tpu.memory_space<vmem_shared>> -> memref<64x128xf32, #tpu.memory_space<vmem_shared>>
      %dma_wait3A_49 = arith.constant 0 : i32
      %dma_wait3A_50 = tpu.memref_slice %arg9[%add3A_12, %dma_wait3A_49] : memref<10000x128xf32, #tpu.memory_space<vmem_shared>> -> memref<64x128xf32, #tpu.memory_space<vmem_shared>>
      tpu.wait_dma2 semaphore(%run_scoped3A : memref<!tpu.dma_semaphore, #tpu.memory_space<semaphore_mem>>) src(%arg6 : memref<64x128xf32, #tpu.memory_space<vmem>>) dst(%dma_wait3A_50 : memref<64x128xf32, #tpu.memory_space<vmem_shared>>)
      tpu.yield
    }) : () -> ()
    %add3A_13 = arith.constant 192 : i32
    %add3A_14 = arith.addi %multiple_of3A, %add3A_13 : i32
    "tpu.region"() ({
      %run_scoped3A = tpu.sem_alloc : memref<!tpu.dma_semaphore, #tpu.memory_space<semaphore_mem>>
      %dma_start3A = arith.constant 0 : i32
      %dma_start3A_45 = tpu.memref_slice %arg9[%add3A_14, %dma_start3A] : memref<10000x128xf32, #tpu.memory_space<vmem_shared>> -> memref<64x128xf32, #tpu.memory_space<vmem_shared>>
      %dma_start3A_46 = arith.constant 0 : i32
      %dma_start3A_47 = tpu.memref_slice %arg9[%add3A_14, %dma_start3A_46] : memref<10000x128xf32, #tpu.memory_space<vmem_shared>> -> memref<64x128xf32, #tpu.memory_space<vmem_shared>>
      tpu.enqueue_dma source(%arg6 : memref<64x128xf32, #tpu.memory_space<vmem>>) target(%dma_start3A_47 : memref<64x128xf32, #tpu.memory_space<vmem_shared>>) target_semaphore(%run_scoped3A : memref<!tpu.dma_semaphore, #tpu.memory_space<semaphore_mem>>)
      %dma_wait3A = arith.constant 0 : i32
      %dma_wait3A_48 = tpu.memref_slice %arg9[%add3A_14, %dma_wait3A] : memref<10000x128xf32, #tpu.memory_space<vmem_shared>> -> memref<64x128xf32, #tpu.memory_space<vmem_shared>>
      %dma_wait3A_49 = arith.constant 0 : i32
      %dma_wait3A_50 = tpu.memref_slice %arg9[%add3A_14, %dma_wait3A_49] : memref<10000x128xf32, #tpu.memory_space<vmem_shared>> -> memref<64x128xf32, #tpu.memory_space<vmem_shared>>
      tpu.wait_dma2 semaphore(%run_scoped3A : memref<!tpu.dma_semaphore, #tpu.memory_space<semaphore_mem>>) src(%arg6 : memref<64x128xf32, #tpu.memory_space<vmem>>) dst(%dma_wait3A_50 : memref<64x128xf32, #tpu.memory_space<vmem_shared>>)
      tpu.yield
    }) : () -> ()
    %add3A_15 = arith.constant 256 : i32
    %add3A_16 = arith.addi %multiple_of3A, %add3A_15 : i32
    "tpu.region"() ({
      %run_scoped3A = tpu.sem_alloc : memref<!tpu.dma_semaphore, #tpu.memory_space<semaphore_mem>>
      %dma_start3A = arith.constant 0 : i32
      %dma_start3A_45 = tpu.memref_slice %arg9[%add3A_16, %dma_start3A] : memref<10000x128xf32, #tpu.memory_space<vmem_shared>> -> memref<64x128xf32, #tpu.memory_space<vmem_shared>>
      %dma_start3A_46 = arith.constant 0 : i32
      %dma_start3A_47 = tpu.memref_slice %arg9[%add3A_16, %dma_start3A_46] : memref<10000x128xf32, #tpu.memory_space<vmem_shared>> -> memref<64x128xf32, #tpu.memory_space<vmem_shared>>
      tpu.enqueue_dma source(%arg6 : memref<64x128xf32, #tpu.memory_space<vmem>>) target(%dma_start3A_47 : memref<64x128xf32, #tpu.memory_space<vmem_shared>>) target_semaphore(%run_scoped3A : memref<!tpu.dma_semaphore, #tpu.memory_space<semaphore_mem>>)
      %dma_wait3A = arith.constant 0 : i32
      %dma_wait3A_48 = tpu.memref_slice %arg9[%add3A_16, %dma_wait3A] : memref<10000x128xf32, #tpu.memory_space<vmem_shared>> -> memref<64x128xf32, #tpu.memory_space<vmem_shared>>
      %dma_wait3A_49 = arith.constant 0 : i32
      %dma_wait3A_50 = tpu.memref_slice %arg9[%add3A_16, %dma_wait3A_49] : memref<10000x128xf32, #tpu.memory_space<vmem_shared>> -> memref<64x128xf32, #tpu.memory_space<vmem_shared>>
      tpu.wait_dma2 semaphore(%run_scoped3A : memref<!tpu.dma_semaphore, #tpu.memory_space<semaphore_mem>>) src(%arg6 : memref<64x128xf32, #tpu.memory_space<vmem>>) dst(%dma_wait3A_50 : memref<64x128xf32, #tpu.memory_space<vmem_shared>>)
      tpu.yield
    }) : () -> ()
    %add3A_17 = arith.constant 320 : i32
    %add3A_18 = arith.addi %multiple_of3A, %add3A_17 : i32
    "tpu.region"() ({
      %run_scoped3A = tpu.sem_alloc : memref<!tpu.dma_semaphore, #tpu.memory_space<semaphore_mem>>
      %dma_start3A = arith.constant 0 : i32
      %dma_start3A_45 = tpu.memref_slice %arg9[%add3A_18, %dma_start3A] : memref<10000x128xf32, #tpu.memory_space<vmem_shared>> -> memref<64x128xf32, #tpu.memory_space<vmem_shared>>
      %dma_start3A_46 = arith.constant 0 : i32
      %dma_start3A_47 = tpu.memref_slice %arg9[%add3A_18, %dma_start3A_46] : memref<10000x128xf32, #tpu.memory_space<vmem_shared>> -> memref<64x128xf32, #tpu.memory_space<vmem_shared>>
      tpu.enqueue_dma source(%arg6 : memref<64x128xf32, #tpu.memory_space<vmem>>) target(%dma_start3A_47 : memref<64x128xf32, #tpu.memory_space<vmem_shared>>) target_semaphore(%run_scoped3A : memref<!tpu.dma_semaphore, #tpu.memory_space<semaphore_mem>>)
      %dma_wait3A = arith.constant 0 : i32
      %dma_wait3A_48 = tpu.memref_slice %arg9[%add3A_18, %dma_wait3A] : memref<10000x128xf32, #tpu.memory_space<vmem_shared>> -> memref<64x128xf32, #tpu.memory_space<vmem_shared>>
      %dma_wait3A_49 = arith.constant 0 : i32
      %dma_wait3A_50 = tpu.memref_slice %arg9[%add3A_18, %dma_wait3A_49] : memref<10000x128xf32, #tpu.memory_space<vmem_shared>> -> memref<64x128xf32, #tpu.memory_space<vmem_shared>>
      tpu.wait_dma2 semaphore(%run_scoped3A : memref<!tpu.dma_semaphore, #tpu.memory_space<semaphore_mem>>) src(%arg6 : memref<64x128xf32, #tpu.memory_space<vmem>>) dst(%dma_wait3A_50 : memref<64x128xf32, #tpu.memory_space<vmem_shared>>)
      tpu.yield
    }) : () -> ()
    %add3A_19 = arith.constant 384 : i32
    %add3A_20 = arith.addi %multiple_of3A, %add3A_19 : i32
    "tpu.region"() ({
      %run_scoped3A = tpu.sem_alloc : memref<!tpu.dma_semaphore, #tpu.memory_space<semaphore_mem>>
      %dma_start3A = arith.constant 0 : i32
      %dma_start3A_45 = tpu.memref_slice %arg9[%add3A_20, %dma_start3A] : memref<10000x128xf32, #tpu.memory_space<vmem_shared>> -> memref<64x128xf32, #tpu.memory_space<vmem_shared>>
      %dma_start3A_46 = arith.constant 0 : i32
      %dma_start3A_47 = tpu.memref_slice %arg9[%add3A_20, %dma_start3A_46] : memref<10000x128xf32, #tpu.memory_space<vmem_shared>> -> memref<64x128xf32, #tpu.memory_space<vmem_shared>>
      tpu.enqueue_dma source(%arg6 : memref<64x128xf32, #tpu.memory_space<vmem>>) target(%dma_start3A_47 : memref<64x128xf32, #tpu.memory_space<vmem_shared>>) target_semaphore(%run_scoped3A : memref<!tpu.dma_semaphore, #tpu.memory_space<semaphore_mem>>)
      %dma_wait3A = arith.constant 0 : i32
      %dma_wait3A_48 = tpu.memref_slice %arg9[%add3A_20, %dma_wait3A] : memref<10000x128xf32, #tpu.memory_space<vmem_shared>> -> memref<64x128xf32, #tpu.memory_space<vmem_shared>>
      %dma_wait3A_49 = arith.constant 0 : i32
      %dma_wait3A_50 = tpu.memref_slice %arg9[%add3A_20, %dma_wait3A_49] : memref<10000x128xf32, #tpu.memory_space<vmem_shared>> -> memref<64x128xf32, #tpu.memory_space<vmem_shared>>
      tpu.wait_dma2 semaphore(%run_scoped3A : memref<!tpu.dma_semaphore, #tpu.memory_space<semaphore_mem>>) src(%arg6 : memref<64x128xf32, #tpu.memory_space<vmem>>) dst(%dma_wait3A_50 : memref<64x128xf32, #tpu.memory_space<vmem_shared>>)
      tpu.yield
    }) : () -> ()
    %add3A_21 = arith.constant 448 : i32
    %add3A_22 = arith.addi %multiple_of3A, %add3A_21 : i32
    "tpu.region"() ({
      %run_scoped3A = tpu.sem_alloc : memref<!tpu.dma_semaphore, #tpu.memory_space<semaphore_mem>>
      %dma_start3A = arith.constant 0 : i32
      %dma_start3A_45 = tpu.memref_slice %arg9[%add3A_22, %dma_start3A] : memref<10000x128xf32, #tpu.memory_space<vmem_shared>> -> memref<64x128xf32, #tpu.memory_space<vmem_shared>>
      %dma_start3A_46 = arith.constant 0 : i32
      %dma_start3A_47 = tpu.memref_slice %arg9[%add3A_22, %dma_start3A_46] : memref<10000x128xf32, #tpu.memory_space<vmem_shared>> -> memref<64x128xf32, #tpu.memory_space<vmem_shared>>
      tpu.enqueue_dma source(%arg6 : memref<64x128xf32, #tpu.memory_space<vmem>>) target(%dma_start3A_47 : memref<64x128xf32, #tpu.memory_space<vmem_shared>>) target_semaphore(%run_scoped3A : memref<!tpu.dma_semaphore, #tpu.memory_space<semaphore_mem>>)
      %dma_wait3A = arith.constant 0 : i32
      %dma_wait3A_48 = tpu.memref_slice %arg9[%add3A_22, %dma_wait3A] : memref<10000x128xf32, #tpu.memory_space<vmem_shared>> -> memref<64x128xf32, #tpu.memory_space<vmem_shared>>
      %dma_wait3A_49 = arith.constant 0 : i32
      %dma_wait3A_50 = tpu.memref_slice %arg9[%add3A_22, %dma_wait3A_49] : memref<10000x128xf32, #tpu.memory_space<vmem_shared>> -> memref<64x128xf32, #tpu.memory_space<vmem_shared>>
      tpu.wait_dma2 semaphore(%run_scoped3A : memref<!tpu.dma_semaphore, #tpu.memory_space<semaphore_mem>>) src(%arg6 : memref<64x128xf32, #tpu.memory_space<vmem>>) dst(%dma_wait3A_50 : memref<64x128xf32, #tpu.memory_space<vmem_shared>>)
      tpu.yield
    }) : () -> ()
    %add3A_23 = arith.constant 512 : i32
    %add3A_24 = arith.addi %multiple_of3A, %add3A_23 : i32
    "tpu.region"() ({
      %run_scoped3A = tpu.sem_alloc : memref<!tpu.dma_semaphore, #tpu.memory_space<semaphore_mem>>
      %dma_start3A = arith.constant 0 : i32
      %dma_start3A_45 = tpu.memref_slice %arg9[%add3A_24, %dma_start3A] : memref<10000x128xf32, #tpu.memory_space<vmem_shared>> -> memref<64x128xf32, #tpu.memory_space<vmem_shared>>
      %dma_start3A_46 = arith.constant 0 : i32
      %dma_start3A_47 = tpu.memref_slice %arg9[%add3A_24, %dma_start3A_46] : memref<10000x128xf32, #tpu.memory_space<vmem_shared>> -> memref<64x128xf32, #tpu.memory_space<vmem_shared>>
      tpu.enqueue_dma source(%arg6 : memref<64x128xf32, #tpu.memory_space<vmem>>) target(%dma_start3A_47 : memref<64x128xf32, #tpu.memory_space<vmem_shared>>) target_semaphore(%run_scoped3A : memref<!tpu.dma_semaphore, #tpu.memory_space<semaphore_mem>>)
      %dma_wait3A = arith.constant 0 : i32
      %dma_wait3A_48 = tpu.memref_slice %arg9[%add3A_24, %dma_wait3A] : memref<10000x128xf32, #tpu.memory_space<vmem_shared>> -> memref<64x128xf32, #tpu.memory_space<vmem_shared>>
      %dma_wait3A_49 = arith.constant 0 : i32
      %dma_wait3A_50 = tpu.memref_slice %arg9[%add3A_24, %dma_wait3A_49] : memref<10000x128xf32, #tpu.memory_space<vmem_shared>> -> memref<64x128xf32, #tpu.memory_space<vmem_shared>>
      tpu.wait_dma2 semaphore(%run_scoped3A : memref<!tpu.dma_semaphore, #tpu.memory_space<semaphore_mem>>) src(%arg6 : memref<64x128xf32, #tpu.memory_space<vmem>>) dst(%dma_wait3A_50 : memref<64x128xf32, #tpu.memory_space<vmem_shared>>)
      tpu.yield
    }) : () -> ()
    %add3A_25 = arith.constant 624 : i32
    %add3A_26 = arith.addi %multiple_of3A, %add3A_25 : i32
    %sub3A = arith.constant 64 : i32
    %sub3A_27 = arith.subi %add3A_26, %sub3A : i32
    "tpu.region"() ({
      %run_scoped3A = tpu.sem_alloc : memref<!tpu.dma_semaphore, #tpu.memory_space<semaphore_mem>>
      %dma_start3A = arith.constant 0 : i32
      %dma_start3A_45 = tpu.memref_slice %arg9[%sub3A_27, %dma_start3A] : memref<10000x128xf32, #tpu.memory_space<vmem_shared>> -> memref<64x128xf32, #tpu.memory_space<vmem_shared>>
      %dma_start3A_46 = arith.constant 0 : i32
      %dma_start3A_47 = tpu.memref_slice %arg9[%sub3A_27, %dma_start3A_46] : memref<10000x128xf32, #tpu.memory_space<vmem_shared>> -> memref<64x128xf32, #tpu.memory_space<vmem_shared>>
      tpu.enqueue_dma source(%arg6 : memref<64x128xf32, #tpu.memory_space<vmem>>) target(%dma_start3A_47 : memref<64x128xf32, #tpu.memory_space<vmem_shared>>) target_semaphore(%run_scoped3A : memref<!tpu.dma_semaphore, #tpu.memory_space<semaphore_mem>>)
      %dma_wait3A = arith.constant 0 : i32
      %dma_wait3A_48 = tpu.memref_slice %arg9[%sub3A_27, %dma_wait3A] : memref<10000x128xf32, #tpu.memory_space<vmem_shared>> -> memref<64x128xf32, #tpu.memory_space<vmem_shared>>
      %dma_wait3A_49 = arith.constant 0 : i32
      %dma_wait3A_50 = tpu.memref_slice %arg9[%sub3A_27, %dma_wait3A_49] : memref<10000x128xf32, #tpu.memory_space<vmem_shared>> -> memref<64x128xf32, #tpu.memory_space<vmem_shared>>
      tpu.wait_dma2 semaphore(%run_scoped3A : memref<!tpu.dma_semaphore, #tpu.memory_space<semaphore_mem>>) src(%arg6 : memref<64x128xf32, #tpu.memory_space<vmem>>) dst(%dma_wait3A_50 : memref<64x128xf32, #tpu.memory_space<vmem_shared>>)
      tpu.yield
    }) : () -> ()
    %eq3A = arith.constant 15 : i32
    %eq3A_28 = arith.cmpi eq, %arg1, %eq3A : i32
    %convert_element_type3A = arith.extui %eq3A_28 : i1 to i32
    %cond3A = arith.constant 0 : i32
    %cond3A_29 = arith.cmpi ne, %convert_element_type3A, %cond3A : i32
    scf.if %cond3A_29 {
      %add3A_45 = arith.constant 640 : i32
      %add3A_46 = arith.addi %multiple_of3A, %add3A_45 : i32
      %sub3A_47 = arith.constant 64 : i32
      %sub3A_48 = arith.subi %add3A_46, %sub3A_47 : i32
      %multiple_of3A_49 = tpu.assume_multiple %sub3A_48, 8 : i32
      "tpu.region"() ({
        %run_scoped3A = tpu.sem_alloc : memref<!tpu.dma_semaphore, #tpu.memory_space<semaphore_mem>>
        %dma_start3A = arith.constant 0 : i32
        %dma_start3A_50 = tpu.memref_slice %arg9[%multiple_of3A_49, %dma_start3A] : memref<10000x128xf32, #tpu.memory_space<vmem_shared>> -> memref<64x128xf32, #tpu.memory_space<vmem_shared>>
        %dma_start3A_51 = arith.constant 0 : i32
        %dma_start3A_52 = tpu.memref_slice %arg9[%multiple_of3A_49, %dma_start3A_51] : memref<10000x128xf32, #tpu.memory_space<vmem_shared>> -> memref<64x128xf32, #tpu.memory_space<vmem_shared>>
        tpu.enqueue_dma source(%arg6 : memref<64x128xf32, #tpu.memory_space<vmem>>) target(%dma_start3A_52 : memref<64x128xf32, #tpu.memory_space<vmem_shared>>) target_semaphore(%run_scoped3A : memref<!tpu.dma_semaphore, #tpu.memory_space<semaphore_mem>>)
        %dma_wait3A = arith.constant 0 : i32
        %dma_wait3A_53 = tpu.memref_slice %arg9[%multiple_of3A_49, %dma_wait3A] : memref<10000x128xf32, #tpu.memory_space<vmem_shared>> -> memref<64x128xf32, #tpu.memory_space<vmem_shared>>
        %dma_wait3A_54 = arith.constant 0 : i32
        %dma_wait3A_55 = tpu.memref_slice %arg9[%multiple_of3A_49, %dma_wait3A_54] : memref<10000x128xf32, #tpu.memory_space<vmem_shared>> -> memref<64x128xf32, #tpu.memory_space<vmem_shared>>
        tpu.wait_dma2 semaphore(%run_scoped3A : memref<!tpu.dma_semaphore, #tpu.memory_space<semaphore_mem>>) src(%arg6 : memref<64x128xf32, #tpu.memory_space<vmem>>) dst(%dma_wait3A_55 : memref<64x128xf32, #tpu.memory_space<vmem_shared>>)
        tpu.yield
      }) : () -> ()
    } else {
    }
    %barrier3A = arith.constant 0 : index
    tpu.barrier barrier_id(%barrier3A)
    %scan3A_30 = arith.constant 0 : i32
    %scan3A_31 = arith.constant 40 : i32
    %scan3A_32 = arith.addi %scan3A_30, %scan3A_31 : i32
    %scan3A_33 = arith.constant 1 : i32
    scf.for %scan3A_45 = %scan3A_30 to %scan3A_32 step %scan3A_33  : i32 {
      %mul3A_46 = arith.constant 1 : i32
      %mul3A_47 = arith.muli %scan3A_45, %mul3A_46 : i32
      %add3A_48 = arith.constant 0 : i32
      %add3A_49 = arith.addi %add3A_48, %mul3A_47 : i32
      %mul3A_50 = arith.constant 32 : i32
      %mul3A_51 = arith.muli %mul3A_50, %add3A_49 : i32
      %add3A_52 = arith.addi %add3A, %mul3A_51 : i32
      %lt3A_53 = arith.constant 1250 : i32
      %lt3A_54 = arith.cmpi slt, %add3A_52, %lt3A_53 : i32
      %convert_element_type3A_55 = arith.extui %lt3A_54 : i1 to i32
      %cond3A_56 = arith.constant 0 : i32
      %cond3A_57 = arith.cmpi ne, %convert_element_type3A_55, %cond3A_56 : i32
      scf.if %cond3A_57 {
        "tpu.region"() ({
          %run_scoped3A = tpu.sem_alloc : memref<!tpu.dma_semaphore, #tpu.memory_space<semaphore_mem>>
          %dma_start3A_354 = arith.constant 0 : i32
          %dma_start3A_355 = arith.constant 0 : i32
          %dma_start3A_356 = tpu.memref_slice %arg3[%add3A_52, %dma_start3A_354, %dma_start3A_355] : memref<1250x16x32xi32, #tpu.memory_space<hbm>> -> memref<1x16x32xi32, #tpu.memory_space<hbm>>
          %dma_start3A_357 = tpu.memref_squeeze %dma_start3A_356 : memref<1x16x32xi32, #tpu.memory_space<hbm>> -> memref<16x32xi32, #tpu.memory_space<hbm>>
          %dma_start3A_358 = arith.constant 0 : i32
          %dma_start3A_359 = arith.constant 0 : i32
          %dma_start3A_360 = tpu.memref_slice %arg3[%add3A_52, %dma_start3A_358, %dma_start3A_359] : memref<1250x16x32xi32, #tpu.memory_space<hbm>> -> memref<1x16x32xi32, #tpu.memory_space<hbm>>
          %dma_start3A_361 = tpu.memref_squeeze %dma_start3A_360 : memref<1x16x32xi32, #tpu.memory_space<hbm>> -> memref<16x32xi32, #tpu.memory_space<hbm>>
          tpu.enqueue_dma source(%dma_start3A_361 : memref<16x32xi32, #tpu.memory_space<hbm>>) target(%arg5 : memref<16x32xi32, #tpu.memory_space<vmem>>) target_semaphore(%run_scoped3A : memref<!tpu.dma_semaphore, #tpu.memory_space<semaphore_mem>>)
          %dma_wait3A_362 = arith.constant 0 : i32
          %dma_wait3A_363 = arith.constant 0 : i32
          %dma_wait3A_364 = tpu.memref_slice %arg3[%add3A_52, %dma_wait3A_362, %dma_wait3A_363] : memref<1250x16x32xi32, #tpu.memory_space<hbm>> -> memref<1x16x32xi32, #tpu.memory_space<hbm>>
          %dma_wait3A_365 = tpu.memref_squeeze %dma_wait3A_364 : memref<1x16x32xi32, #tpu.memory_space<hbm>> -> memref<16x32xi32, #tpu.memory_space<hbm>>
          %dma_wait3A_366 = arith.constant 0 : i32
          %dma_wait3A_367 = arith.constant 0 : i32
          %dma_wait3A_368 = tpu.memref_slice %arg3[%add3A_52, %dma_wait3A_366, %dma_wait3A_367] : memref<1250x16x32xi32, #tpu.memory_space<hbm>> -> memref<1x16x32xi32, #tpu.memory_space<hbm>>
          %dma_wait3A_369 = tpu.memref_squeeze %dma_wait3A_368 : memref<1x16x32xi32, #tpu.memory_space<hbm>> -> memref<16x32xi32, #tpu.memory_space<hbm>>
          tpu.wait_dma2 semaphore(%run_scoped3A : memref<!tpu.dma_semaphore, #tpu.memory_space<semaphore_mem>>) src(%dma_wait3A_369 : memref<16x32xi32, #tpu.memory_space<hbm>>) dst(%arg5 : memref<16x32xi32, #tpu.memory_space<vmem>>)
          tpu.yield
        }) : () -> ()
        %dma_start3A = arith.constant 0 : i32
        %dma_start3A_58 = arith.constant 0 : i32
        %dma_start3A_59 = arith.constant 0 : i32
        %dma_start3A_60 = tpu.memref_slice %arg6[%dma_start3A_58, %dma_start3A_59] : memref<64x128xf32, #tpu.memory_space<vmem>> -> memref<32x128xf32, #tpu.memory_space<vmem>>
        %dma_start3A_61 = arith.constant 0 : i32
        %dma_start3A_62 = tpu.memref_slice %arg5[%dma_start3A, %dma_start3A_61] : memref<16x32xi32, #tpu.memory_space<vmem>> -> memref<1x32xi32, #tpu.memory_space<vmem>>
        %dma_start3A_63 = tpu.memref_squeeze %dma_start3A_62 : memref<1x32xi32, #tpu.memory_space<vmem>> -> memref<32xi32, #tpu.memory_space<vmem>>
        %dma_start3A_64 = arith.constant 0 : i32
        %dma_start3A_65 = arith.constant 0 : i32
        %dma_start3A_66 = tpu.memref_slice %arg2[%dma_start3A_64, %dma_start3A_65] : memref<10000x128xf32, #tpu.memory_space<hbm>> -> memref<10000x128xf32, #tpu.memory_space<hbm>>
        tpu.enqueue_indirect_dma source(%dma_start3A_66 : memref<10000x128xf32, #tpu.memory_space<hbm>>) target(%dma_start3A_60 : memref<32x128xf32, #tpu.memory_space<vmem>>) offsets(%dma_start3A_63 : memref<32xi32, #tpu.memory_space<vmem>>) semaphore(%arg10 : memref<!tpu.dma_semaphore, #tpu.memory_space<semaphore_mem>>)
        %dma_start3A_67 = arith.constant 2 : i32
        %dma_start3A_68 = arith.constant 32 : i32
        %dma_start3A_69 = arith.constant 0 : i32
        %dma_start3A_70 = tpu.memref_slice %arg6[%dma_start3A_68, %dma_start3A_69] : memref<64x128xf32, #tpu.memory_space<vmem>> -> memref<32x128xf32, #tpu.memory_space<vmem>>
        %dma_start3A_71 = arith.constant 0 : i32
        %dma_start3A_72 = tpu.memref_slice %arg5[%dma_start3A_67, %dma_start3A_71] : memref<16x32xi32, #tpu.memory_space<vmem>> -> memref<1x32xi32, #tpu.memory_space<vmem>>
        %dma_start3A_73 = tpu.memref_squeeze %dma_start3A_72 : memref<1x32xi32, #tpu.memory_space<vmem>> -> memref<32xi32, #tpu.memory_space<vmem>>
        %dma_start3A_74 = arith.constant 0 : i32
        %dma_start3A_75 = arith.constant 0 : i32
        %dma_start3A_76 = tpu.memref_slice %arg2[%dma_start3A_74, %dma_start3A_75] : memref<10000x128xf32, #tpu.memory_space<hbm>> -> memref<10000x128xf32, #tpu.memory_space<hbm>>
        tpu.enqueue_indirect_dma source(%dma_start3A_76 : memref<10000x128xf32, #tpu.memory_space<hbm>>) target(%dma_start3A_70 : memref<32x128xf32, #tpu.memory_space<vmem>>) offsets(%dma_start3A_73 : memref<32xi32, #tpu.memory_space<vmem>>) semaphore(%arg10 : memref<!tpu.dma_semaphore, #tpu.memory_space<semaphore_mem>>)
        %dma_start3A_77 = arith.constant 4 : i32
        %dma_start3A_78 = arith.constant 0 : i32
        %dma_start3A_79 = arith.constant 0 : i32
        %dma_start3A_80 = tpu.memref_slice %arg7[%dma_start3A_78, %dma_start3A_79] : memref<64x128xf32, #tpu.memory_space<vmem>> -> memref<32x128xf32, #tpu.memory_space<vmem>>
        %dma_start3A_81 = arith.constant 0 : i32
        %dma_start3A_82 = tpu.memref_slice %arg5[%dma_start3A_77, %dma_start3A_81] : memref<16x32xi32, #tpu.memory_space<vmem>> -> memref<1x32xi32, #tpu.memory_space<vmem>>
        %dma_start3A_83 = tpu.memref_squeeze %dma_start3A_82 : memref<1x32xi32, #tpu.memory_space<vmem>> -> memref<32xi32, #tpu.memory_space<vmem>>
        %dma_start3A_84 = arith.constant 0 : i32
        %dma_start3A_85 = arith.constant 0 : i32
        %dma_start3A_86 = tpu.memref_slice %arg2[%dma_start3A_84, %dma_start3A_85] : memref<10000x128xf32, #tpu.memory_space<hbm>> -> memref<10000x128xf32, #tpu.memory_space<hbm>>
        tpu.enqueue_indirect_dma source(%dma_start3A_86 : memref<10000x128xf32, #tpu.memory_space<hbm>>) target(%dma_start3A_80 : memref<32x128xf32, #tpu.memory_space<vmem>>) offsets(%dma_start3A_83 : memref<32xi32, #tpu.memory_space<vmem>>) semaphore(%arg10 : memref<!tpu.dma_semaphore, #tpu.memory_space<semaphore_mem>>)
        %dma_wait3A = arith.constant 0 : i32
        %dma_wait3A_87 = arith.constant 0 : i32
        %dma_wait3A_88 = arith.constant 0 : i32
        %dma_wait3A_89 = tpu.memref_slice %arg6[%dma_wait3A_87, %dma_wait3A_88] : memref<64x128xf32, #tpu.memory_space<vmem>> -> memref<32x128xf32, #tpu.memory_space<vmem>>
        %dma_wait3A_90 = arith.constant 0 : i32
        %dma_wait3A_91 = tpu.memref_slice %arg5[%dma_wait3A, %dma_wait3A_90] : memref<16x32xi32, #tpu.memory_space<vmem>> -> memref<1x32xi32, #tpu.memory_space<vmem>>
        %dma_wait3A_92 = tpu.memref_squeeze %dma_wait3A_91 : memref<1x32xi32, #tpu.memory_space<vmem>> -> memref<32xi32, #tpu.memory_space<vmem>>
        %dma_wait3A_93 = arith.constant 0 : i32
        %dma_wait3A_94 = arith.constant 0 : i32
        %dma_wait3A_95 = tpu.memref_slice %arg2[%dma_wait3A_93, %dma_wait3A_94] : memref<10000x128xf32, #tpu.memory_space<hbm>> -> memref<10000x128xf32, #tpu.memory_space<hbm>>
        tpu.wait_indirect_dma semaphore(%arg10 : memref<!tpu.dma_semaphore, #tpu.memory_space<semaphore_mem>>) src(%dma_wait3A_95 : memref<10000x128xf32, #tpu.memory_space<hbm>>) dst(%dma_wait3A_89 : memref<32x128xf32, #tpu.memory_space<vmem>>)
        %dma_start3A_96 = arith.constant 6 : i32
        %dma_start3A_97 = arith.constant 32 : i32
        %dma_start3A_98 = arith.constant 0 : i32
        %dma_start3A_99 = tpu.memref_slice %arg7[%dma_start3A_97, %dma_start3A_98] : memref<64x128xf32, #tpu.memory_space<vmem>> -> memref<32x128xf32, #tpu.memory_space<vmem>>
        %dma_start3A_100 = arith.constant 0 : i32
        %dma_start3A_101 = tpu.memref_slice %arg5[%dma_start3A_96, %dma_start3A_100] : memref<16x32xi32, #tpu.memory_space<vmem>> -> memref<1x32xi32, #tpu.memory_space<vmem>>
        %dma_start3A_102 = tpu.memref_squeeze %dma_start3A_101 : memref<1x32xi32, #tpu.memory_space<vmem>> -> memref<32xi32, #tpu.memory_space<vmem>>
        %dma_start3A_103 = arith.constant 0 : i32
        %dma_start3A_104 = arith.constant 0 : i32
        %dma_start3A_105 = tpu.memref_slice %arg2[%dma_start3A_103, %dma_start3A_104] : memref<10000x128xf32, #tpu.memory_space<hbm>> -> memref<10000x128xf32, #tpu.memory_space<hbm>>
        tpu.enqueue_indirect_dma source(%dma_start3A_105 : memref<10000x128xf32, #tpu.memory_space<hbm>>) target(%dma_start3A_99 : memref<32x128xf32, #tpu.memory_space<vmem>>) offsets(%dma_start3A_102 : memref<32xi32, #tpu.memory_space<vmem>>) semaphore(%arg10 : memref<!tpu.dma_semaphore, #tpu.memory_space<semaphore_mem>>)
        %dma_start3A_106 = arith.constant 1 : i32
        %dma_start3A_107 = arith.constant 0 : i32
        %dma_start3A_108 = arith.constant 0 : i32
        %dma_start3A_109 = tpu.memref_slice %arg6[%dma_start3A_107, %dma_start3A_108] : memref<64x128xf32, #tpu.memory_space<vmem>> -> memref<32x128xf32, #tpu.memory_space<vmem>>
        %dma_start3A_110 = arith.constant 0 : i32
        %dma_start3A_111 = tpu.memref_slice %arg5[%dma_start3A_106, %dma_start3A_110] : memref<16x32xi32, #tpu.memory_space<vmem>> -> memref<1x32xi32, #tpu.memory_space<vmem>>
        %dma_start3A_112 = tpu.memref_squeeze %dma_start3A_111 : memref<1x32xi32, #tpu.memory_space<vmem>> -> memref<32xi32, #tpu.memory_space<vmem>>
        %dma_start3A_113 = arith.constant 0 : i32
        %dma_start3A_114 = arith.constant 0 : i32
        %dma_start3A_115 = tpu.memref_slice %arg9[%dma_start3A_113, %dma_start3A_114] : memref<10000x128xf32, #tpu.memory_space<vmem_shared>> -> memref<10000x128xf32, #tpu.memory_space<vmem_shared>>
        tpu.enqueue_indirect_dma source(%dma_start3A_109 : memref<32x128xf32, #tpu.memory_space<vmem>>) target(%dma_start3A_115 : memref<10000x128xf32, #tpu.memory_space<vmem_shared>>) offsets(%dma_start3A_112 : memref<32xi32, #tpu.memory_space<vmem>>) semaphore(%arg11 : memref<!tpu.dma_semaphore, #tpu.memory_space<semaphore_mem>>) {add = true}
        %dma_wait3A_116 = arith.constant 2 : i32
        %dma_wait3A_117 = arith.constant 32 : i32
        %dma_wait3A_118 = arith.constant 0 : i32
        %dma_wait3A_119 = tpu.memref_slice %arg6[%dma_wait3A_117, %dma_wait3A_118] : memref<64x128xf32, #tpu.memory_space<vmem>> -> memref<32x128xf32, #tpu.memory_space<vmem>>
        %dma_wait3A_120 = arith.constant 0 : i32
        %dma_wait3A_121 = tpu.memref_slice %arg5[%dma_wait3A_116, %dma_wait3A_120] : memref<16x32xi32, #tpu.memory_space<vmem>> -> memref<1x32xi32, #tpu.memory_space<vmem>>
        %dma_wait3A_122 = tpu.memref_squeeze %dma_wait3A_121 : memref<1x32xi32, #tpu.memory_space<vmem>> -> memref<32xi32, #tpu.memory_space<vmem>>
        %dma_wait3A_123 = arith.constant 0 : i32
        %dma_wait3A_124 = arith.constant 0 : i32
        %dma_wait3A_125 = tpu.memref_slice %arg2[%dma_wait3A_123, %dma_wait3A_124] : memref<10000x128xf32, #tpu.memory_space<hbm>> -> memref<10000x128xf32, #tpu.memory_space<hbm>>
        tpu.wait_indirect_dma semaphore(%arg10 : memref<!tpu.dma_semaphore, #tpu.memory_space<semaphore_mem>>) src(%dma_wait3A_125 : memref<10000x128xf32, #tpu.memory_space<hbm>>) dst(%dma_wait3A_119 : memref<32x128xf32, #tpu.memory_space<vmem>>)
        %dma_start3A_126 = arith.constant 8 : i32
        %dma_start3A_127 = arith.constant 0 : i32
        %dma_start3A_128 = tpu.memref_slice %arg5[%dma_start3A_126, %dma_start3A_127] : memref<16x32xi32, #tpu.memory_space<vmem>> -> memref<1x32xi32, #tpu.memory_space<vmem>>
        %dma_start3A_129 = tpu.memref_squeeze %dma_start3A_128 : memref<1x32xi32, #tpu.memory_space<vmem>> -> memref<32xi32, #tpu.memory_space<vmem>>
        %dma_start3A_130 = arith.constant 0 : i32
        %dma_start3A_131 = arith.constant 0 : i32
        %dma_start3A_132 = tpu.memref_slice %arg2[%dma_start3A_130, %dma_start3A_131] : memref<10000x128xf32, #tpu.memory_space<hbm>> -> memref<10000x128xf32, #tpu.memory_space<hbm>>
        tpu.enqueue_indirect_dma source(%dma_start3A_132 : memref<10000x128xf32, #tpu.memory_space<hbm>>) target(%arg8 : memref<32x128xf32, #tpu.memory_space<vmem>>) offsets(%dma_start3A_129 : memref<32xi32, #tpu.memory_space<vmem>>) semaphore(%arg10 : memref<!tpu.dma_semaphore, #tpu.memory_space<semaphore_mem>>)
        %dma_start3A_133 = arith.constant 3 : i32
        %dma_start3A_134 = arith.constant 32 : i32
        %dma_start3A_135 = arith.constant 0 : i32
        %dma_start3A_136 = tpu.memref_slice %arg6[%dma_start3A_134, %dma_start3A_135] : memref<64x128xf32, #tpu.memory_space<vmem>> -> memref<32x128xf32, #tpu.memory_space<vmem>>
        %dma_start3A_137 = arith.constant 0 : i32
        %dma_start3A_138 = tpu.memref_slice %arg5[%dma_start3A_133, %dma_start3A_137] : memref<16x32xi32, #tpu.memory_space<vmem>> -> memref<1x32xi32, #tpu.memory_space<vmem>>
        %dma_start3A_139 = tpu.memref_squeeze %dma_start3A_138 : memref<1x32xi32, #tpu.memory_space<vmem>> -> memref<32xi32, #tpu.memory_space<vmem>>
        %dma_start3A_140 = arith.constant 0 : i32
        %dma_start3A_141 = arith.constant 0 : i32
        %dma_start3A_142 = tpu.memref_slice %arg9[%dma_start3A_140, %dma_start3A_141] : memref<10000x128xf32, #tpu.memory_space<vmem_shared>> -> memref<10000x128xf32, #tpu.memory_space<vmem_shared>>
        tpu.enqueue_indirect_dma source(%dma_start3A_136 : memref<32x128xf32, #tpu.memory_space<vmem>>) target(%dma_start3A_142 : memref<10000x128xf32, #tpu.memory_space<vmem_shared>>) offsets(%dma_start3A_139 : memref<32xi32, #tpu.memory_space<vmem>>) semaphore(%arg11 : memref<!tpu.dma_semaphore, #tpu.memory_space<semaphore_mem>>) {add = true}
        %dma_wait3A_143 = arith.constant 4 : i32
        %dma_wait3A_144 = arith.constant 0 : i32
        %dma_wait3A_145 = arith.constant 0 : i32
        %dma_wait3A_146 = tpu.memref_slice %arg7[%dma_wait3A_144, %dma_wait3A_145] : memref<64x128xf32, #tpu.memory_space<vmem>> -> memref<32x128xf32, #tpu.memory_space<vmem>>
        %dma_wait3A_147 = arith.constant 0 : i32
        %dma_wait3A_148 = tpu.memref_slice %arg5[%dma_wait3A_143, %dma_wait3A_147] : memref<16x32xi32, #tpu.memory_space<vmem>> -> memref<1x32xi32, #tpu.memory_space<vmem>>
        %dma_wait3A_149 = tpu.memref_squeeze %dma_wait3A_148 : memref<1x32xi32, #tpu.memory_space<vmem>> -> memref<32xi32, #tpu.memory_space<vmem>>
        %dma_wait3A_150 = arith.constant 0 : i32
        %dma_wait3A_151 = arith.constant 0 : i32
        %dma_wait3A_152 = tpu.memref_slice %arg2[%dma_wait3A_150, %dma_wait3A_151] : memref<10000x128xf32, #tpu.memory_space<hbm>> -> memref<10000x128xf32, #tpu.memory_space<hbm>>
        tpu.wait_indirect_dma semaphore(%arg10 : memref<!tpu.dma_semaphore, #tpu.memory_space<semaphore_mem>>) src(%dma_wait3A_152 : memref<10000x128xf32, #tpu.memory_space<hbm>>) dst(%dma_wait3A_146 : memref<32x128xf32, #tpu.memory_space<vmem>>)
        %dma_wait3A_153 = arith.constant 1 : i32
        %dma_wait3A_154 = arith.constant 0 : i32
        %dma_wait3A_155 = arith.constant 0 : i32
        %dma_wait3A_156 = tpu.memref_slice %arg6[%dma_wait3A_154, %dma_wait3A_155] : memref<64x128xf32, #tpu.memory_space<vmem>> -> memref<32x128xf32, #tpu.memory_space<vmem>>
        %dma_wait3A_157 = arith.constant 0 : i32
        %dma_wait3A_158 = tpu.memref_slice %arg5[%dma_wait3A_153, %dma_wait3A_157] : memref<16x32xi32, #tpu.memory_space<vmem>> -> memref<1x32xi32, #tpu.memory_space<vmem>>
        %dma_wait3A_159 = tpu.memref_squeeze %dma_wait3A_158 : memref<1x32xi32, #tpu.memory_space<vmem>> -> memref<32xi32, #tpu.memory_space<vmem>>
        %dma_wait3A_160 = arith.constant 0 : i32
        %dma_wait3A_161 = arith.constant 0 : i32
        %dma_wait3A_162 = tpu.memref_slice %arg9[%dma_wait3A_160, %dma_wait3A_161] : memref<10000x128xf32, #tpu.memory_space<vmem_shared>> -> memref<10000x128xf32, #tpu.memory_space<vmem_shared>>
        tpu.wait_indirect_dma semaphore(%arg11 : memref<!tpu.dma_semaphore, #tpu.memory_space<semaphore_mem>>) src(%dma_wait3A_156 : memref<32x128xf32, #tpu.memory_space<vmem>>) dst(%dma_wait3A_162 : memref<10000x128xf32, #tpu.memory_space<vmem_shared>>)
        %dma_start3A_163 = arith.constant 10 : i32
        %dma_start3A_164 = arith.constant 0 : i32
        %dma_start3A_165 = arith.constant 0 : i32
        %dma_start3A_166 = tpu.memref_slice %arg6[%dma_start3A_164, %dma_start3A_165] : memref<64x128xf32, #tpu.memory_space<vmem>> -> memref<32x128xf32, #tpu.memory_space<vmem>>
        %dma_start3A_167 = arith.constant 0 : i32
        %dma_start3A_168 = tpu.memref_slice %arg5[%dma_start3A_163, %dma_start3A_167] : memref<16x32xi32, #tpu.memory_space<vmem>> -> memref<1x32xi32, #tpu.memory_space<vmem>>
        %dma_start3A_169 = tpu.memref_squeeze %dma_start3A_168 : memref<1x32xi32, #tpu.memory_space<vmem>> -> memref<32xi32, #tpu.memory_space<vmem>>
        %dma_start3A_170 = arith.constant 0 : i32
        %dma_start3A_171 = arith.constant 0 : i32
        %dma_start3A_172 = tpu.memref_slice %arg2[%dma_start3A_170, %dma_start3A_171] : memref<10000x128xf32, #tpu.memory_space<hbm>> -> memref<10000x128xf32, #tpu.memory_space<hbm>>
        tpu.enqueue_indirect_dma source(%dma_start3A_172 : memref<10000x128xf32, #tpu.memory_space<hbm>>) target(%dma_start3A_166 : memref<32x128xf32, #tpu.memory_space<vmem>>) offsets(%dma_start3A_169 : memref<32xi32, #tpu.memory_space<vmem>>) semaphore(%arg10 : memref<!tpu.dma_semaphore, #tpu.memory_space<semaphore_mem>>)
        %dma_start3A_173 = arith.constant 5 : i32
        %dma_start3A_174 = arith.constant 0 : i32
        %dma_start3A_175 = arith.constant 0 : i32
        %dma_start3A_176 = tpu.memref_slice %arg7[%dma_start3A_174, %dma_start3A_175] : memref<64x128xf32, #tpu.memory_space<vmem>> -> memref<32x128xf32, #tpu.memory_space<vmem>>
        %dma_start3A_177 = arith.constant 0 : i32
        %dma_start3A_178 = tpu.memref_slice %arg5[%dma_start3A_173, %dma_start3A_177] : memref<16x32xi32, #tpu.memory_space<vmem>> -> memref<1x32xi32, #tpu.memory_space<vmem>>
        %dma_start3A_179 = tpu.memref_squeeze %dma_start3A_178 : memref<1x32xi32, #tpu.memory_space<vmem>> -> memref<32xi32, #tpu.memory_space<vmem>>
        %dma_start3A_180 = arith.constant 0 : i32
        %dma_start3A_181 = arith.constant 0 : i32
        %dma_start3A_182 = tpu.memref_slice %arg9[%dma_start3A_180, %dma_start3A_181] : memref<10000x128xf32, #tpu.memory_space<vmem_shared>> -> memref<10000x128xf32, #tpu.memory_space<vmem_shared>>
        tpu.enqueue_indirect_dma source(%dma_start3A_176 : memref<32x128xf32, #tpu.memory_space<vmem>>) target(%dma_start3A_182 : memref<10000x128xf32, #tpu.memory_space<vmem_shared>>) offsets(%dma_start3A_179 : memref<32xi32, #tpu.memory_space<vmem>>) semaphore(%arg11 : memref<!tpu.dma_semaphore, #tpu.memory_space<semaphore_mem>>) {add = true}
        %dma_wait3A_183 = arith.constant 6 : i32
        %dma_wait3A_184 = arith.constant 32 : i32
        %dma_wait3A_185 = arith.constant 0 : i32
        %dma_wait3A_186 = tpu.memref_slice %arg7[%dma_wait3A_184, %dma_wait3A_185] : memref<64x128xf32, #tpu.memory_space<vmem>> -> memref<32x128xf32, #tpu.memory_space<vmem>>
        %dma_wait3A_187 = arith.constant 0 : i32
        %dma_wait3A_188 = tpu.memref_slice %arg5[%dma_wait3A_183, %dma_wait3A_187] : memref<16x32xi32, #tpu.memory_space<vmem>> -> memref<1x32xi32, #tpu.memory_space<vmem>>
        %dma_wait3A_189 = tpu.memref_squeeze %dma_wait3A_188 : memref<1x32xi32, #tpu.memory_space<vmem>> -> memref<32xi32, #tpu.memory_space<vmem>>
        %dma_wait3A_190 = arith.constant 0 : i32
        %dma_wait3A_191 = arith.constant 0 : i32
        %dma_wait3A_192 = tpu.memref_slice %arg2[%dma_wait3A_190, %dma_wait3A_191] : memref<10000x128xf32, #tpu.memory_space<hbm>> -> memref<10000x128xf32, #tpu.memory_space<hbm>>
        tpu.wait_indirect_dma semaphore(%arg10 : memref<!tpu.dma_semaphore, #tpu.memory_space<semaphore_mem>>) src(%dma_wait3A_192 : memref<10000x128xf32, #tpu.memory_space<hbm>>) dst(%dma_wait3A_186 : memref<32x128xf32, #tpu.memory_space<vmem>>)
        %dma_wait3A_193 = arith.constant 3 : i32
        %dma_wait3A_194 = arith.constant 32 : i32
        %dma_wait3A_195 = arith.constant 0 : i32
        %dma_wait3A_196 = tpu.memref_slice %arg6[%dma_wait3A_194, %dma_wait3A_195] : memref<64x128xf32, #tpu.memory_space<vmem>> -> memref<32x128xf32, #tpu.memory_space<vmem>>
        %dma_wait3A_197 = arith.constant 0 : i32
        %dma_wait3A_198 = tpu.memref_slice %arg5[%dma_wait3A_193, %dma_wait3A_197] : memref<16x32xi32, #tpu.memory_space<vmem>> -> memref<1x32xi32, #tpu.memory_space<vmem>>
        %dma_wait3A_199 = tpu.memref_squeeze %dma_wait3A_198 : memref<1x32xi32, #tpu.memory_space<vmem>> -> memref<32xi32, #tpu.memory_space<vmem>>
        %dma_wait3A_200 = arith.constant 0 : i32
        %dma_wait3A_201 = arith.constant 0 : i32
        %dma_wait3A_202 = tpu.memref_slice %arg9[%dma_wait3A_200, %dma_wait3A_201] : memref<10000x128xf32, #tpu.memory_space<vmem_shared>> -> memref<10000x128xf32, #tpu.memory_space<vmem_shared>>
        tpu.wait_indirect_dma semaphore(%arg11 : memref<!tpu.dma_semaphore, #tpu.memory_space<semaphore_mem>>) src(%dma_wait3A_196 : memref<32x128xf32, #tpu.memory_space<vmem>>) dst(%dma_wait3A_202 : memref<10000x128xf32, #tpu.memory_space<vmem_shared>>)
        %dma_start3A_203 = arith.constant 12 : i32
        %dma_start3A_204 = arith.constant 32 : i32
        %dma_start3A_205 = arith.constant 0 : i32
        %dma_start3A_206 = tpu.memref_slice %arg6[%dma_start3A_204, %dma_start3A_205] : memref<64x128xf32, #tpu.memory_space<vmem>> -> memref<32x128xf32, #tpu.memory_space<vmem>>
        %dma_start3A_207 = arith.constant 0 : i32
        %dma_start3A_208 = tpu.memref_slice %arg5[%dma_start3A_203, %dma_start3A_207] : memref<16x32xi32, #tpu.memory_space<vmem>> -> memref<1x32xi32, #tpu.memory_space<vmem>>
        %dma_start3A_209 = tpu.memref_squeeze %dma_start3A_208 : memref<1x32xi32, #tpu.memory_space<vmem>> -> memref<32xi32, #tpu.memory_space<vmem>>
        %dma_start3A_210 = arith.constant 0 : i32
        %dma_start3A_211 = arith.constant 0 : i32
        %dma_start3A_212 = tpu.memref_slice %arg2[%dma_start3A_210, %dma_start3A_211] : memref<10000x128xf32, #tpu.memory_space<hbm>> -> memref<10000x128xf32, #tpu.memory_space<hbm>>
        tpu.enqueue_indirect_dma source(%dma_start3A_212 : memref<10000x128xf32, #tpu.memory_space<hbm>>) target(%dma_start3A_206 : memref<32x128xf32, #tpu.memory_space<vmem>>) offsets(%dma_start3A_209 : memref<32xi32, #tpu.memory_space<vmem>>) semaphore(%arg10 : memref<!tpu.dma_semaphore, #tpu.memory_space<semaphore_mem>>)
        %dma_start3A_213 = arith.constant 7 : i32
        %dma_start3A_214 = arith.constant 32 : i32
        %dma_start3A_215 = arith.constant 0 : i32
        %dma_start3A_216 = tpu.memref_slice %arg7[%dma_start3A_214, %dma_start3A_215] : memref<64x128xf32, #tpu.memory_space<vmem>> -> memref<32x128xf32, #tpu.memory_space<vmem>>
        %dma_start3A_217 = arith.constant 0 : i32
        %dma_start3A_218 = tpu.memref_slice %arg5[%dma_start3A_213, %dma_start3A_217] : memref<16x32xi32, #tpu.memory_space<vmem>> -> memref<1x32xi32, #tpu.memory_space<vmem>>
        %dma_start3A_219 = tpu.memref_squeeze %dma_start3A_218 : memref<1x32xi32, #tpu.memory_space<vmem>> -> memref<32xi32, #tpu.memory_space<vmem>>
        %dma_start3A_220 = arith.constant 0 : i32
        %dma_start3A_221 = arith.constant 0 : i32
        %dma_start3A_222 = tpu.memref_slice %arg9[%dma_start3A_220, %dma_start3A_221] : memref<10000x128xf32, #tpu.memory_space<vmem_shared>> -> memref<10000x128xf32, #tpu.memory_space<vmem_shared>>
        tpu.enqueue_indirect_dma source(%dma_start3A_216 : memref<32x128xf32, #tpu.memory_space<vmem>>) target(%dma_start3A_222 : memref<10000x128xf32, #tpu.memory_space<vmem_shared>>) offsets(%dma_start3A_219 : memref<32xi32, #tpu.memory_space<vmem>>) semaphore(%arg11 : memref<!tpu.dma_semaphore, #tpu.memory_space<semaphore_mem>>) {add = true}
        %dma_wait3A_223 = arith.constant 8 : i32
        %dma_wait3A_224 = arith.constant 0 : i32
        %dma_wait3A_225 = tpu.memref_slice %arg5[%dma_wait3A_223, %dma_wait3A_224] : memref<16x32xi32, #tpu.memory_space<vmem>> -> memref<1x32xi32, #tpu.memory_space<vmem>>
        %dma_wait3A_226 = tpu.memref_squeeze %dma_wait3A_225 : memref<1x32xi32, #tpu.memory_space<vmem>> -> memref<32xi32, #tpu.memory_space<vmem>>
        %dma_wait3A_227 = arith.constant 0 : i32
        %dma_wait3A_228 = arith.constant 0 : i32
        %dma_wait3A_229 = tpu.memref_slice %arg2[%dma_wait3A_227, %dma_wait3A_228] : memref<10000x128xf32, #tpu.memory_space<hbm>> -> memref<10000x128xf32, #tpu.memory_space<hbm>>
        tpu.wait_indirect_dma semaphore(%arg10 : memref<!tpu.dma_semaphore, #tpu.memory_space<semaphore_mem>>) src(%dma_wait3A_229 : memref<10000x128xf32, #tpu.memory_space<hbm>>) dst(%arg8 : memref<32x128xf32, #tpu.memory_space<vmem>>)
        %dma_wait3A_230 = arith.constant 5 : i32
        %dma_wait3A_231 = arith.constant 0 : i32
        %dma_wait3A_232 = arith.constant 0 : i32
        %dma_wait3A_233 = tpu.memref_slice %arg7[%dma_wait3A_231, %dma_wait3A_232] : memref<64x128xf32, #tpu.memory_space<vmem>> -> memref<32x128xf32, #tpu.memory_space<vmem>>
        %dma_wait3A_234 = arith.constant 0 : i32
        %dma_wait3A_235 = tpu.memref_slice %arg5[%dma_wait3A_230, %dma_wait3A_234] : memref<16x32xi32, #tpu.memory_space<vmem>> -> memref<1x32xi32, #tpu.memory_space<vmem>>
        %dma_wait3A_236 = tpu.memref_squeeze %dma_wait3A_235 : memref<1x32xi32, #tpu.memory_space<vmem>> -> memref<32xi32, #tpu.memory_space<vmem>>
        %dma_wait3A_237 = arith.constant 0 : i32
        %dma_wait3A_238 = arith.constant 0 : i32
        %dma_wait3A_239 = tpu.memref_slice %arg9[%dma_wait3A_237, %dma_wait3A_238] : memref<10000x128xf32, #tpu.memory_space<vmem_shared>> -> memref<10000x128xf32, #tpu.memory_space<vmem_shared>>
        tpu.wait_indirect_dma semaphore(%arg11 : memref<!tpu.dma_semaphore, #tpu.memory_space<semaphore_mem>>) src(%dma_wait3A_233 : memref<32x128xf32, #tpu.memory_space<vmem>>) dst(%dma_wait3A_239 : memref<10000x128xf32, #tpu.memory_space<vmem_shared>>)
        %dma_start3A_240 = arith.constant 14 : i32
        %dma_start3A_241 = arith.constant 0 : i32
        %dma_start3A_242 = arith.constant 0 : i32
        %dma_start3A_243 = tpu.memref_slice %arg7[%dma_start3A_241, %dma_start3A_242] : memref<64x128xf32, #tpu.memory_space<vmem>> -> memref<32x128xf32, #tpu.memory_space<vmem>>
        %dma_start3A_244 = arith.constant 0 : i32
        %dma_start3A_245 = tpu.memref_slice %arg5[%dma_start3A_240, %dma_start3A_244] : memref<16x32xi32, #tpu.memory_space<vmem>> -> memref<1x32xi32, #tpu.memory_space<vmem>>
        %dma_start3A_246 = tpu.memref_squeeze %dma_start3A_245 : memref<1x32xi32, #tpu.memory_space<vmem>> -> memref<32xi32, #tpu.memory_space<vmem>>
        %dma_start3A_247 = arith.constant 0 : i32
        %dma_start3A_248 = arith.constant 0 : i32
        %dma_start3A_249 = tpu.memref_slice %arg2[%dma_start3A_247, %dma_start3A_248] : memref<10000x128xf32, #tpu.memory_space<hbm>> -> memref<10000x128xf32, #tpu.memory_space<hbm>>
        tpu.enqueue_indirect_dma source(%dma_start3A_249 : memref<10000x128xf32, #tpu.memory_space<hbm>>) target(%dma_start3A_243 : memref<32x128xf32, #tpu.memory_space<vmem>>) offsets(%dma_start3A_246 : memref<32xi32, #tpu.memory_space<vmem>>) semaphore(%arg10 : memref<!tpu.dma_semaphore, #tpu.memory_space<semaphore_mem>>)
        %dma_start3A_250 = arith.constant 9 : i32
        %dma_start3A_251 = arith.constant 0 : i32
        %dma_start3A_252 = tpu.memref_slice %arg5[%dma_start3A_250, %dma_start3A_251] : memref<16x32xi32, #tpu.memory_space<vmem>> -> memref<1x32xi32, #tpu.memory_space<vmem>>
        %dma_start3A_253 = tpu.memref_squeeze %dma_start3A_252 : memref<1x32xi32, #tpu.memory_space<vmem>> -> memref<32xi32, #tpu.memory_space<vmem>>
        %dma_start3A_254 = arith.constant 0 : i32
        %dma_start3A_255 = arith.constant 0 : i32
        %dma_start3A_256 = tpu.memref_slice %arg9[%dma_start3A_254, %dma_start3A_255] : memref<10000x128xf32, #tpu.memory_space<vmem_shared>> -> memref<10000x128xf32, #tpu.memory_space<vmem_shared>>
        tpu.enqueue_indirect_dma source(%arg8 : memref<32x128xf32, #tpu.memory_space<vmem>>) target(%dma_start3A_256 : memref<10000x128xf32, #tpu.memory_space<vmem_shared>>) offsets(%dma_start3A_253 : memref<32xi32, #tpu.memory_space<vmem>>) semaphore(%arg11 : memref<!tpu.dma_semaphore, #tpu.memory_space<semaphore_mem>>) {add = true}
        %dma_wait3A_257 = arith.constant 10 : i32
        %dma_wait3A_258 = arith.constant 0 : i32
        %dma_wait3A_259 = arith.constant 0 : i32
        %dma_wait3A_260 = tpu.memref_slice %arg6[%dma_wait3A_258, %dma_wait3A_259] : memref<64x128xf32, #tpu.memory_space<vmem>> -> memref<32x128xf32, #tpu.memory_space<vmem>>
        %dma_wait3A_261 = arith.constant 0 : i32
        %dma_wait3A_262 = tpu.memref_slice %arg5[%dma_wait3A_257, %dma_wait3A_261] : memref<16x32xi32, #tpu.memory_space<vmem>> -> memref<1x32xi32, #tpu.memory_space<vmem>>
        %dma_wait3A_263 = tpu.memref_squeeze %dma_wait3A_262 : memref<1x32xi32, #tpu.memory_space<vmem>> -> memref<32xi32, #tpu.memory_space<vmem>>
        %dma_wait3A_264 = arith.constant 0 : i32
        %dma_wait3A_265 = arith.constant 0 : i32
        %dma_wait3A_266 = tpu.memref_slice %arg2[%dma_wait3A_264, %dma_wait3A_265] : memref<10000x128xf32, #tpu.memory_space<hbm>> -> memref<10000x128xf32, #tpu.memory_space<hbm>>
        tpu.wait_indirect_dma semaphore(%arg10 : memref<!tpu.dma_semaphore, #tpu.memory_space<semaphore_mem>>) src(%dma_wait3A_266 : memref<10000x128xf32, #tpu.memory_space<hbm>>) dst(%dma_wait3A_260 : memref<32x128xf32, #tpu.memory_space<vmem>>)
        %dma_start3A_267 = arith.constant 11 : i32
        %dma_start3A_268 = arith.constant 0 : i32
        %dma_start3A_269 = arith.constant 0 : i32
        %dma_start3A_270 = tpu.memref_slice %arg6[%dma_start3A_268, %dma_start3A_269] : memref<64x128xf32, #tpu.memory_space<vmem>> -> memref<32x128xf32, #tpu.memory_space<vmem>>
        %dma_start3A_271 = arith.constant 0 : i32
        %dma_start3A_272 = tpu.memref_slice %arg5[%dma_start3A_267, %dma_start3A_271] : memref<16x32xi32, #tpu.memory_space<vmem>> -> memref<1x32xi32, #tpu.memory_space<vmem>>
        %dma_start3A_273 = tpu.memref_squeeze %dma_start3A_272 : memref<1x32xi32, #tpu.memory_space<vmem>> -> memref<32xi32, #tpu.memory_space<vmem>>
        %dma_start3A_274 = arith.constant 0 : i32
        %dma_start3A_275 = arith.constant 0 : i32
        %dma_start3A_276 = tpu.memref_slice %arg9[%dma_start3A_274, %dma_start3A_275] : memref<10000x128xf32, #tpu.memory_space<vmem_shared>> -> memref<10000x128xf32, #tpu.memory_space<vmem_shared>>
        tpu.enqueue_indirect_dma source(%dma_start3A_270 : memref<32x128xf32, #tpu.memory_space<vmem>>) target(%dma_start3A_276 : memref<10000x128xf32, #tpu.memory_space<vmem_shared>>) offsets(%dma_start3A_273 : memref<32xi32, #tpu.memory_space<vmem>>) semaphore(%arg11 : memref<!tpu.dma_semaphore, #tpu.memory_space<semaphore_mem>>) {add = true}
        %dma_wait3A_277 = arith.constant 12 : i32
        %dma_wait3A_278 = arith.constant 32 : i32
        %dma_wait3A_279 = arith.constant 0 : i32
        %dma_wait3A_280 = tpu.memref_slice %arg6[%dma_wait3A_278, %dma_wait3A_279] : memref<64x128xf32, #tpu.memory_space<vmem>> -> memref<32x128xf32, #tpu.memory_space<vmem>>
        %dma_wait3A_281 = arith.constant 0 : i32
        %dma_wait3A_282 = tpu.memref_slice %arg5[%dma_wait3A_277, %dma_wait3A_281] : memref<16x32xi32, #tpu.memory_space<vmem>> -> memref<1x32xi32, #tpu.memory_space<vmem>>
        %dma_wait3A_283 = tpu.memref_squeeze %dma_wait3A_282 : memref<1x32xi32, #tpu.memory_space<vmem>> -> memref<32xi32, #tpu.memory_space<vmem>>
        %dma_wait3A_284 = arith.constant 0 : i32
        %dma_wait3A_285 = arith.constant 0 : i32
        %dma_wait3A_286 = tpu.memref_slice %arg2[%dma_wait3A_284, %dma_wait3A_285] : memref<10000x128xf32, #tpu.memory_space<hbm>> -> memref<10000x128xf32, #tpu.memory_space<hbm>>
        tpu.wait_indirect_dma semaphore(%arg10 : memref<!tpu.dma_semaphore, #tpu.memory_space<semaphore_mem>>) src(%dma_wait3A_286 : memref<10000x128xf32, #tpu.memory_space<hbm>>) dst(%dma_wait3A_280 : memref<32x128xf32, #tpu.memory_space<vmem>>)
        %dma_start3A_287 = arith.constant 13 : i32
        %dma_start3A_288 = arith.constant 32 : i32
        %dma_start3A_289 = arith.constant 0 : i32
        %dma_start3A_290 = tpu.memref_slice %arg6[%dma_start3A_288, %dma_start3A_289] : memref<64x128xf32, #tpu.memory_space<vmem>> -> memref<32x128xf32, #tpu.memory_space<vmem>>
        %dma_start3A_291 = arith.constant 0 : i32
        %dma_start3A_292 = tpu.memref_slice %arg5[%dma_start3A_287, %dma_start3A_291] : memref<16x32xi32, #tpu.memory_space<vmem>> -> memref<1x32xi32, #tpu.memory_space<vmem>>
        %dma_start3A_293 = tpu.memref_squeeze %dma_start3A_292 : memref<1x32xi32, #tpu.memory_space<vmem>> -> memref<32xi32, #tpu.memory_space<vmem>>
        %dma_start3A_294 = arith.constant 0 : i32
        %dma_start3A_295 = arith.constant 0 : i32
        %dma_start3A_296 = tpu.memref_slice %arg9[%dma_start3A_294, %dma_start3A_295] : memref<10000x128xf32, #tpu.memory_space<vmem_shared>> -> memref<10000x128xf32, #tpu.memory_space<vmem_shared>>
        tpu.enqueue_indirect_dma source(%dma_start3A_290 : memref<32x128xf32, #tpu.memory_space<vmem>>) target(%dma_start3A_296 : memref<10000x128xf32, #tpu.memory_space<vmem_shared>>) offsets(%dma_start3A_293 : memref<32xi32, #tpu.memory_space<vmem>>) semaphore(%arg11 : memref<!tpu.dma_semaphore, #tpu.memory_space<semaphore_mem>>) {add = true}
        %dma_wait3A_297 = arith.constant 14 : i32
        %dma_wait3A_298 = arith.constant 0 : i32
        %dma_wait3A_299 = arith.constant 0 : i32
        %dma_wait3A_300 = tpu.memref_slice %arg7[%dma_wait3A_298, %dma_wait3A_299] : memref<64x128xf32, #tpu.memory_space<vmem>> -> memref<32x128xf32, #tpu.memory_space<vmem>>
        %dma_wait3A_301 = arith.constant 0 : i32
        %dma_wait3A_302 = tpu.memref_slice %arg5[%dma_wait3A_297, %dma_wait3A_301] : memref<16x32xi32, #tpu.memory_space<vmem>> -> memref<1x32xi32, #tpu.memory_space<vmem>>
        %dma_wait3A_303 = tpu.memref_squeeze %dma_wait3A_302 : memref<1x32xi32, #tpu.memory_space<vmem>> -> memref<32xi32, #tpu.memory_space<vmem>>
        %dma_wait3A_304 = arith.constant 0 : i32
        %dma_wait3A_305 = arith.constant 0 : i32
        %dma_wait3A_306 = tpu.memref_slice %arg2[%dma_wait3A_304, %dma_wait3A_305] : memref<10000x128xf32, #tpu.memory_space<hbm>> -> memref<10000x128xf32, #tpu.memory_space<hbm>>
        tpu.wait_indirect_dma semaphore(%arg10 : memref<!tpu.dma_semaphore, #tpu.memory_space<semaphore_mem>>) src(%dma_wait3A_306 : memref<10000x128xf32, #tpu.memory_space<hbm>>) dst(%dma_wait3A_300 : memref<32x128xf32, #tpu.memory_space<vmem>>)
        %dma_start3A_307 = arith.constant 15 : i32
        %dma_start3A_308 = arith.constant 0 : i32
        %dma_start3A_309 = arith.constant 0 : i32
        %dma_start3A_310 = tpu.memref_slice %arg7[%dma_start3A_308, %dma_start3A_309] : memref<64x128xf32, #tpu.memory_space<vmem>> -> memref<32x128xf32, #tpu.memory_space<vmem>>
        %dma_start3A_311 = arith.constant 0 : i32
        %dma_start3A_312 = tpu.memref_slice %arg5[%dma_start3A_307, %dma_start3A_311] : memref<16x32xi32, #tpu.memory_space<vmem>> -> memref<1x32xi32, #tpu.memory_space<vmem>>
        %dma_start3A_313 = tpu.memref_squeeze %dma_start3A_312 : memref<1x32xi32, #tpu.memory_space<vmem>> -> memref<32xi32, #tpu.memory_space<vmem>>
        %dma_start3A_314 = arith.constant 0 : i32
        %dma_start3A_315 = arith.constant 0 : i32
        %dma_start3A_316 = tpu.memref_slice %arg9[%dma_start3A_314, %dma_start3A_315] : memref<10000x128xf32, #tpu.memory_space<vmem_shared>> -> memref<10000x128xf32, #tpu.memory_space<vmem_shared>>
        tpu.enqueue_indirect_dma source(%dma_start3A_310 : memref<32x128xf32, #tpu.memory_space<vmem>>) target(%dma_start3A_316 : memref<10000x128xf32, #tpu.memory_space<vmem_shared>>) offsets(%dma_start3A_313 : memref<32xi32, #tpu.memory_space<vmem>>) semaphore(%arg11 : memref<!tpu.dma_semaphore, #tpu.memory_space<semaphore_mem>>) {add = true}
        %dma_wait3A_317 = arith.constant 9 : i32
        %dma_wait3A_318 = arith.constant 0 : i32
        %dma_wait3A_319 = tpu.memref_slice %arg5[%dma_wait3A_317, %dma_wait3A_318] : memref<16x32xi32, #tpu.memory_space<vmem>> -> memref<1x32xi32, #tpu.memory_space<vmem>>
        %dma_wait3A_320 = tpu.memref_squeeze %dma_wait3A_319 : memref<1x32xi32, #tpu.memory_space<vmem>> -> memref<32xi32, #tpu.memory_space<vmem>>
        %dma_wait3A_321 = arith.constant 0 : i32
        %dma_wait3A_322 = arith.constant 0 : i32
        %dma_wait3A_323 = tpu.memref_slice %arg9[%dma_wait3A_321, %dma_wait3A_322] : memref<10000x128xf32, #tpu.memory_space<vmem_shared>> -> memref<10000x128xf32, #tpu.memory_space<vmem_shared>>
        tpu.wait_indirect_dma semaphore(%arg11 : memref<!tpu.dma_semaphore, #tpu.memory_space<semaphore_mem>>) src(%arg8 : memref<32x128xf32, #tpu.memory_space<vmem>>) dst(%dma_wait3A_323 : memref<10000x128xf32, #tpu.memory_space<vmem_shared>>)
        %dma_wait3A_324 = arith.constant 11 : i32
        %dma_wait3A_325 = arith.constant 0 : i32
        %dma_wait3A_326 = arith.constant 0 : i32
        %dma_wait3A_327 = tpu.memref_slice %arg6[%dma_wait3A_325, %dma_wait3A_326] : memref<64x128xf32, #tpu.memory_space<vmem>> -> memref<32x128xf32, #tpu.memory_space<vmem>>
        %dma_wait3A_328 = arith.constant 0 : i32
        %dma_wait3A_329 = tpu.memref_slice %arg5[%dma_wait3A_324, %dma_wait3A_328] : memref<16x32xi32, #tpu.memory_space<vmem>> -> memref<1x32xi32, #tpu.memory_space<vmem>>
        %dma_wait3A_330 = tpu.memref_squeeze %dma_wait3A_329 : memref<1x32xi32, #tpu.memory_space<vmem>> -> memref<32xi32, #tpu.memory_space<vmem>>
        %dma_wait3A_331 = arith.constant 0 : i32
        %dma_wait3A_332 = arith.constant 0 : i32
        %dma_wait3A_333 = tpu.memref_slice %arg9[%dma_wait3A_331, %dma_wait3A_332] : memref<10000x128xf32, #tpu.memory_space<vmem_shared>> -> memref<10000x128xf32, #tpu.memory_space<vmem_shared>>
        tpu.wait_indirect_dma semaphore(%arg11 : memref<!tpu.dma_semaphore, #tpu.memory_space<semaphore_mem>>) src(%dma_wait3A_327 : memref<32x128xf32, #tpu.memory_space<vmem>>) dst(%dma_wait3A_333 : memref<10000x128xf32, #tpu.memory_space<vmem_shared>>)
        %dma_wait3A_334 = arith.constant 13 : i32
        %dma_wait3A_335 = arith.constant 32 : i32
        %dma_wait3A_336 = arith.constant 0 : i32
        %dma_wait3A_337 = tpu.memref_slice %arg6[%dma_wait3A_335, %dma_wait3A_336] : memref<64x128xf32, #tpu.memory_space<vmem>> -> memref<32x128xf32, #tpu.memory_space<vmem>>
        %dma_wait3A_338 = arith.constant 0 : i32
        %dma_wait3A_339 = tpu.memref_slice %arg5[%dma_wait3A_334, %dma_wait3A_338] : memref<16x32xi32, #tpu.memory_space<vmem>> -> memref<1x32xi32, #tpu.memory_space<vmem>>
        %dma_wait3A_340 = tpu.memref_squeeze %dma_wait3A_339 : memref<1x32xi32, #tpu.memory_space<vmem>> -> memref<32xi32, #tpu.memory_space<vmem>>
        %dma_wait3A_341 = arith.constant 0 : i32
        %dma_wait3A_342 = arith.constant 0 : i32
        %dma_wait3A_343 = tpu.memref_slice %arg9[%dma_wait3A_341, %dma_wait3A_342] : memref<10000x128xf32, #tpu.memory_space<vmem_shared>> -> memref<10000x128xf32, #tpu.memory_space<vmem_shared>>
        tpu.wait_indirect_dma semaphore(%arg11 : memref<!tpu.dma_semaphore, #tpu.memory_space<semaphore_mem>>) src(%dma_wait3A_337 : memref<32x128xf32, #tpu.memory_space<vmem>>) dst(%dma_wait3A_343 : memref<10000x128xf32, #tpu.memory_space<vmem_shared>>)
        %dma_wait3A_344 = arith.constant 15 : i32
        %dma_wait3A_345 = arith.constant 0 : i32
        %dma_wait3A_346 = arith.constant 0 : i32
        %dma_wait3A_347 = tpu.memref_slice %arg7[%dma_wait3A_345, %dma_wait3A_346] : memref<64x128xf32, #tpu.memory_space<vmem>> -> memref<32x128xf32, #tpu.memory_space<vmem>>
        %dma_wait3A_348 = arith.constant 0 : i32
        %dma_wait3A_349 = tpu.memref_slice %arg5[%dma_wait3A_344, %dma_wait3A_348] : memref<16x32xi32, #tpu.memory_space<vmem>> -> memref<1x32xi32, #tpu.memory_space<vmem>>
        %dma_wait3A_350 = tpu.memref_squeeze %dma_wait3A_349 : memref<1x32xi32, #tpu.memory_space<vmem>> -> memref<32xi32, #tpu.memory_space<vmem>>
        %dma_wait3A_351 = arith.constant 0 : i32
        %dma_wait3A_352 = arith.constant 0 : i32
        %dma_wait3A_353 = tpu.memref_slice %arg9[%dma_wait3A_351, %dma_wait3A_352] : memref<10000x128xf32, #tpu.memory_space<vmem_shared>> -> memref<10000x128xf32, #tpu.memory_space<vmem_shared>>
        tpu.wait_indirect_dma semaphore(%arg11 : memref<!tpu.dma_semaphore, #tpu.memory_space<semaphore_mem>>) src(%dma_wait3A_347 : memref<32x128xf32, #tpu.memory_space<vmem>>) dst(%dma_wait3A_353 : memref<10000x128xf32, #tpu.memory_space<vmem_shared>>)
      } else {
      }
    }
    %scan3A_34 = arith.constant 40 : i32
    %barrier3A_35 = arith.constant 0 : index
    tpu.barrier barrier_id(%barrier3A_35)
    %lt3A = arith.constant 15 : i32
    %lt3A_36 = arith.cmpi slt, %arg1, %lt3A : i32
    %convert_element_type3A_37 = arith.extui %lt3A_36 : i1 to i32
    %cond3A_38 = arith.constant 0 : i32
    %cond3A_39 = arith.cmpi ne, %convert_element_type3A_37, %cond3A_38 : i32
    scf.if %cond3A_39 {
      "tpu.region"() ({
        %run_scoped3A = tpu.sem_alloc : memref<!tpu.dma_semaphore, #tpu.memory_space<semaphore_mem>>
        %dma_start3A = arith.constant 0 : i32
        %dma_start3A_45 = arith.constant 0 : i32
        %dma_start3A_46 = tpu.memref_slice %arg4[%arg0, %dma_start3A, %dma_start3A_45] : memref<2x10000x128xf32, #tpu.memory_space<hbm>> -> memref<1x10000x128xf32, #tpu.memory_space<hbm>>
        %dma_start3A_47 = tpu.memref_squeeze %dma_start3A_46 : memref<1x10000x128xf32, #tpu.memory_space<hbm>> -> memref<10000x128xf32, #tpu.memory_space<hbm>>
        %dma_start3A_48 = arith.constant 0 : i32
        %dma_start3A_49 = tpu.memref_slice %dma_start3A_47[%multiple_of3A, %dma_start3A_48] : memref<10000x128xf32, #tpu.memory_space<hbm>> -> memref<624x128xf32, #tpu.memory_space<hbm>>
        %dma_start3A_50 = arith.constant 0 : i32
        %dma_start3A_51 = tpu.memref_slice %arg9[%multiple_of3A, %dma_start3A_50] : memref<10000x128xf32, #tpu.memory_space<vmem_shared>> -> memref<624x128xf32, #tpu.memory_space<vmem_shared>>
        tpu.enqueue_dma source(%dma_start3A_51 : memref<624x128xf32, #tpu.memory_space<vmem_shared>>) target(%dma_start3A_49 : memref<624x128xf32, #tpu.memory_space<hbm>>) target_semaphore(%run_scoped3A : memref<!tpu.dma_semaphore, #tpu.memory_space<semaphore_mem>>)
        %dma_wait3A = arith.constant 0 : i32
        %dma_wait3A_52 = arith.constant 0 : i32
        %dma_wait3A_53 = tpu.memref_slice %arg4[%arg0, %dma_wait3A, %dma_wait3A_52] : memref<2x10000x128xf32, #tpu.memory_space<hbm>> -> memref<1x10000x128xf32, #tpu.memory_space<hbm>>
        %dma_wait3A_54 = tpu.memref_squeeze %dma_wait3A_53 : memref<1x10000x128xf32, #tpu.memory_space<hbm>> -> memref<10000x128xf32, #tpu.memory_space<hbm>>
        %dma_wait3A_55 = arith.constant 0 : i32
        %dma_wait3A_56 = tpu.memref_slice %dma_wait3A_54[%multiple_of3A, %dma_wait3A_55] : memref<10000x128xf32, #tpu.memory_space<hbm>> -> memref<624x128xf32, #tpu.memory_space<hbm>>
        %dma_wait3A_57 = arith.constant 0 : i32
        %dma_wait3A_58 = tpu.memref_slice %arg9[%multiple_of3A, %dma_wait3A_57] : memref<10000x128xf32, #tpu.memory_space<vmem_shared>> -> memref<624x128xf32, #tpu.memory_space<vmem_shared>>
        tpu.wait_dma2 semaphore(%run_scoped3A : memref<!tpu.dma_semaphore, #tpu.memory_space<semaphore_mem>>) src(%dma_wait3A_58 : memref<624x128xf32, #tpu.memory_space<vmem_shared>>) dst(%dma_wait3A_56 : memref<624x128xf32, #tpu.memory_space<hbm>>)
        tpu.yield
      }) : () -> ()
    } else {
    }
    %eq3A_40 = arith.constant 15 : i32
    %eq3A_41 = arith.cmpi eq, %arg1, %eq3A_40 : i32
    %convert_element_type3A_42 = arith.extui %eq3A_41 : i1 to i32
    %cond3A_43 = arith.constant 0 : i32
    %cond3A_44 = arith.cmpi ne, %convert_element_type3A_42, %cond3A_43 : i32
    scf.if %cond3A_44 {
      "tpu.region"() ({
        %run_scoped3A = tpu.sem_alloc : memref<!tpu.dma_semaphore, #tpu.memory_space<semaphore_mem>>
        %dma_start3A = arith.constant 0 : i32
        %dma_start3A_45 = arith.constant 0 : i32
        %dma_start3A_46 = tpu.memref_slice %arg4[%arg0, %dma_start3A, %dma_start3A_45] : memref<2x10000x128xf32, #tpu.memory_space<hbm>> -> memref<1x10000x128xf32, #tpu.memory_space<hbm>>
        %dma_start3A_47 = tpu.memref_squeeze %dma_start3A_46 : memref<1x10000x128xf32, #tpu.memory_space<hbm>> -> memref<10000x128xf32, #tpu.memory_space<hbm>>
        %dma_start3A_48 = arith.constant 0 : i32
        %dma_start3A_49 = tpu.memref_slice %dma_start3A_47[%multiple_of3A, %dma_start3A_48] : memref<10000x128xf32, #tpu.memory_space<hbm>> -> memref<640x128xf32, #tpu.memory_space<hbm>>
        %dma_start3A_50 = arith.constant 0 : i32
        %dma_start3A_51 = tpu.memref_slice %arg9[%multiple_of3A, %dma_start3A_50] : memref<10000x128xf32, #tpu.memory_space<vmem_shared>> -> memref<640x128xf32, #tpu.memory_space<vmem_shared>>
        tpu.enqueue_dma source(%dma_start3A_51 : memref<640x128xf32, #tpu.memory_space<vmem_shared>>) target(%dma_start3A_49 : memref<640x128xf32, #tpu.memory_space<hbm>>) target_semaphore(%run_scoped3A : memref<!tpu.dma_semaphore, #tpu.memory_space<semaphore_mem>>)
        %dma_wait3A = arith.constant 0 : i32
        %dma_wait3A_52 = arith.constant 0 : i32
        %dma_wait3A_53 = tpu.memref_slice %arg4[%arg0, %dma_wait3A, %dma_wait3A_52] : memref<2x10000x128xf32, #tpu.memory_space<hbm>> -> memref<1x10000x128xf32, #tpu.memory_space<hbm>>
        %dma_wait3A_54 = tpu.memref_squeeze %dma_wait3A_53 : memref<1x10000x128xf32, #tpu.memory_space<hbm>> -> memref<10000x128xf32, #tpu.memory_space<hbm>>
        %dma_wait3A_55 = arith.constant 0 : i32
        %dma_wait3A_56 = tpu.memref_slice %dma_wait3A_54[%multiple_of3A, %dma_wait3A_55] : memref<10000x128xf32, #tpu.memory_space<hbm>> -> memref<640x128xf32, #tpu.memory_space<hbm>>
        %dma_wait3A_57 = arith.constant 0 : i32
        %dma_wait3A_58 = tpu.memref_slice %arg9[%multiple_of3A, %dma_wait3A_57] : memref<10000x128xf32, #tpu.memory_space<vmem_shared>> -> memref<640x128xf32, #tpu.memory_space<vmem_shared>>
        tpu.wait_dma2 semaphore(%run_scoped3A : memref<!tpu.dma_semaphore, #tpu.memory_space<semaphore_mem>>) src(%dma_wait3A_58 : memref<640x128xf32, #tpu.memory_space<vmem_shared>>) dst(%dma_wait3A_56 : memref<640x128xf32, #tpu.memory_space<hbm>>)
        tpu.yield
      }) : () -> ()
    } else {
    }
    return
  }
}

#map = affine_map<(d0, d1) -> (0, 0)>
#map1 = affine_map<(d0, d1) -> (0, 0, 0)>
module attributes {stable_mosaic.version = 14 : i64} {
  func.func @run(%arg0: i32, %arg1: i32, %arg2: memref<10000x128xf32, #tpu.memory_space<hbm>>, %arg3: memref<1250x16x32xi32, #tpu.memory_space<hbm>>, %arg4: memref<2x10000x128xf32, #tpu.memory_space<hbm>>, %arg5: memref<16x32xi32, #tpu.memory_space<vmem>>, %arg6: memref<64x128xf32, #tpu.memory_space<vmem>>, %arg7: memref<64x128xf32, #tpu.memory_space<vmem>>, %arg8: memref<32x128xf32, #tpu.memory_space<vmem>>, %arg9: memref<10000x128xf32, #tpu.memory_space<vmem_shared>>, %arg10: memref<!tpu.dma_semaphore, #tpu.memory_space<semaphore_mem>>, %arg11: memref<!tpu.dma_semaphore, #tpu.memory_space<semaphore_mem>>) attributes {dimension_semantics = [#tpu.dimension_semantics<core_parallel>, #tpu.dimension_semantics<subcore_parallel>], iteration_bounds = array<i64: 2, 16>, scalar_prefetch = 0 : i64, scratch_operands = 7 : i64, tpu.core_type = #tpu.core_type<sc_vector_subcore>, window_params = [{transform_indices = #map}, {transform_indices = #map1}, {transform_indices = #map1}]} {
    %mul3A = arith.constant 2 : i32
    %mul3A_0 = arith.muli %arg1, %mul3A : i32
    %add3A = arith.addi %mul3A_0, %arg0 : i32
    %scan3A = arith.constant 0 : i32
    %scan3A_1 = arith.constant 64 : i32
    %scan3A_2 = arith.addi %scan3A, %scan3A_1 : i32
    %scan3A_3 = arith.constant 1 : i32
    scf.for %scan3A_45 = %scan3A to %scan3A_2 step %scan3A_3  : i32 {
      %mul3A_46 = arith.constant 1 : i32
      %mul3A_47 = arith.muli %scan3A_45, %mul3A_46 : i32
      %add3A_48 = arith.constant 0 : i32
      %add3A_49 = arith.addi %add3A_48, %mul3A_47 : i32
      %scan3A_50 = arith.constant 0 : i32
      %scan3A_51 = arith.constant 8 : i32
      %scan3A_52 = arith.addi %scan3A_50, %scan3A_51 : i32
      %scan3A_53 = arith.constant 1 : i32
      scf.for %scan3A_55 = %scan3A_50 to %scan3A_52 step %scan3A_53  : i32 {
        %mul3A_56 = arith.constant 16 : i32
        %mul3A_57 = arith.muli %scan3A_55, %mul3A_56 : i32
        %add3A_58 = arith.constant 0 : i32
        %add3A_59 = arith.addi %add3A_58, %mul3A_57 : i32
        %broadcast_in_dim3A = arith.constant 0.000000e+00 : f32
        %broadcast_in_dim3A_60 = vector.broadcast %broadcast_in_dim3A : f32 to vector<16xf32>
        %swap3A = arith.index_cast %add3A_49 : i32 to index
        %swap3A_61 = arith.index_cast %add3A_59 : i32 to index
        %swap3A_62 = tpu.vector_load %arg6[%swap3A, %swap3A_61] {strides = array<i32>} : memref<64x128xf32, #tpu.memory_space<vmem>>, vector<1x16xf32>,
        %swap3A_63 = vector.shape_cast %swap3A_62 : vector<1x16xf32> to vector<16xf32>
        %swap3A_64 = vector.shape_cast %broadcast_in_dim3A_60 : vector<16xf32> to vector<1x16xf32>
        tpu.vector_store %arg6[%swap3A, %swap3A_61], %swap3A_64 {strides = array<i32>} : memref<64x128xf32, #tpu.memory_space<vmem>>, vector<1x16xf32>,
      }
      %scan3A_54 = arith.constant 8 : i32
    }
    %scan3A_4 = arith.constant 64 : i32
    %mul3A_5 = arith.constant 624 : i32
    %mul3A_6 = arith.muli %arg1, %mul3A_5 : i32
    %multiple_of3A = tpu.assume_multiple %mul3A_6, 8 : i32
    %add3A_7 = arith.constant 0 : i32
    %add3A_8 = arith.addi %multiple_of3A, %add3A_7 : i32
    "tpu.region"() ({
      %run_scoped3A = tpu.sem_alloc : memref<!tpu.dma_semaphore, #tpu.memory_space<semaphore_mem>>
      %dma_start3A = arith.constant 0 : i32
      %dma_start3A_45 = tpu.memref_slice %arg9[%add3A_8, %dma_start3A] : memref<10000x128xf32, #tpu.memory_space<vmem_shared>> -> memref<64x128xf32, #tpu.memory_space<vmem_shared>>
      %dma_start3A_46 = arith.constant 0 : i32
      %dma_start3A_47 = tpu.memref_slice %arg9[%add3A_8, %dma_start3A_46] : memref<10000x128xf32, #tpu.memory_space<vmem_shared>> -> memref<64x128xf32, #tpu.memory_space<vmem_shared>>
      tpu.enqueue_dma source(%arg6 : memref<64x128xf32, #tpu.memory_space<vmem>>) target(%dma_start3A_47 : memref<64x128xf32, #tpu.memory_space<vmem_shared>>) target_semaphore(%run_scoped3A : memref<!tpu.dma_semaphore, #tpu.memory_space<semaphore_mem>>)
      %dma_wait3A = arith.constant 0 : i32
      %dma_wait3A_48 = tpu.memref_slice %arg9[%add3A_8, %dma_wait3A] : memref<10000x128xf32, #tpu.memory_space<vmem_shared>> -> memref<64x128xf32, #tpu.memory_space<vmem_shared>>
      %dma_wait3A_49 = arith.constant 0 : i32
      %dma_wait3A_50 = tpu.memref_slice %arg9[%add3A_8, %dma_wait3A_49] : memref<10000x128xf32, #tpu.memory_space<vmem_shared>> -> memref<64x128xf32, #tpu.memory_space<vmem_shared>>
      tpu.wait_dma2 semaphore(%run_scoped3A : memref<!tpu.dma_semaphore, #tpu.memory_space<semaphore_mem>>) src(%arg6 : memref<64x128xf32, #tpu.memory_space<vmem>>) dst(%dma_wait3A_50 : memref<64x128xf32, #tpu.memory_space<vmem_shared>>)
      tpu.yield
    }) : () -> ()
    %add3A_9 = arith.constant 64 : i32
    %add3A_10 = arith.addi %multiple_of3A, %add3A_9 : i32
    "tpu.region"() ({
      %run_scoped3A = tpu.sem_alloc : memref<!tpu.dma_semaphore, #tpu.memory_space<semaphore_mem>>
      %dma_start3A = arith.constant 0 : i32
      %dma_start3A_45 = tpu.memref_slice %arg9[%add3A_10, %dma_start3A] : memref<10000x128xf32, #tpu.memory_space<vmem_shared>> -> memref<64x128xf32, #tpu.memory_space<vmem_shared>>
      %dma_start3A_46 = arith.constant 0 : i32
      %dma_start3A_47 = tpu.memref_slice %arg9[%add3A_10, %dma_start3A_46] : memref<10000x128xf32, #tpu.memory_space<vmem_shared>> -> memref<64x128xf32, #tpu.memory_space<vmem_shared>>
      tpu.enqueue_dma source(%arg6 : memref<64x128xf32, #tpu.memory_space<vmem>>) target(%dma_start3A_47 : memref<64x128xf32, #tpu.memory_space<vmem_shared>>) target_semaphore(%run_scoped3A : memref<!tpu.dma_semaphore, #tpu.memory_space<semaphore_mem>>)
      %dma_wait3A = arith.constant 0 : i32
      %dma_wait3A_48 = tpu.memref_slice %arg9[%add3A_10, %dma_wait3A] : memref<10000x128xf32, #tpu.memory_space<vmem_shared>> -> memref<64x128xf32, #tpu.memory_space<vmem_shared>>
      %dma_wait3A_49 = arith.constant 0 : i32
      %dma_wait3A_50 = tpu.memref_slice %arg9[%add3A_10, %dma_wait3A_49] : memref<10000x128xf32, #tpu.memory_space<vmem_shared>> -> memref<64x128xf32, #tpu.memory_space<vmem_shared>>
      tpu.wait_dma2 semaphore(%run_scoped3A : memref<!tpu.dma_semaphore, #tpu.memory_space<semaphore_mem>>) src(%arg6 : memref<64x128xf32, #tpu.memory_space<vmem>>) dst(%dma_wait3A_50 : memref<64x128xf32, #tpu.memory_space<vmem_shared>>)
      tpu.yield
    }) : () -> ()
    %add3A_11 = arith.constant 128 : i32
    %add3A_12 = arith.addi %multiple_of3A, %add3A_11 : i32
    "tpu.region"() ({
      %run_scoped3A = tpu.sem_alloc : memref<!tpu.dma_semaphore, #tpu.memory_space<semaphore_mem>>
      %dma_start3A = arith.constant 0 : i32
      %dma_start3A_45 = tpu.memref_slice %arg9[%add3A_12, %dma_start3A] : memref<10000x128xf32, #tpu.memory_space<vmem_shared>> -> memref<64x128xf32, #tpu.memory_space<vmem_shared>>
      %dma_start3A_46 = arith.constant 0 : i32
      %dma_start3A_47 = tpu.memref_slice %arg9[%add3A_12, %dma_start3A_46] : memref<10000x128xf32, #tpu.memory_space<vmem_shared>> -> memref<64x128xf32, #tpu.memory_space<vmem_shared>>
      tpu.enqueue_dma source(%arg6 : memref<64x128xf32, #tpu.memory_space<vmem>>) target(%dma_start3A_47 : memref<64x128xf32, #tpu.memory_space<vmem_shared>>) target_semaphore(%run_scoped3A : memref<!tpu.dma_semaphore, #tpu.memory_space<semaphore_mem>>)
      %dma_wait3A = arith.constant 0 : i32
      %dma_wait3A_48 = tpu.memref_slice %arg9[%add3A_12, %dma_wait3A] : memref<10000x128xf32, #tpu.memory_space<vmem_shared>> -> memref<64x128xf32, #tpu.memory_space<vmem_shared>>
      %dma_wait3A_49 = arith.constant 0 : i32
      %dma_wait3A_50 = tpu.memref_slice %arg9[%add3A_12, %dma_wait3A_49] : memref<10000x128xf32, #tpu.memory_space<vmem_shared>> -> memref<64x128xf32, #tpu.memory_space<vmem_shared>>
      tpu.wait_dma2 semaphore(%run_scoped3A : memref<!tpu.dma_semaphore, #tpu.memory_space<semaphore_mem>>) src(%arg6 : memref<64x128xf32, #tpu.memory_space<vmem>>) dst(%dma_wait3A_50 : memref<64x128xf32, #tpu.memory_space<vmem_shared>>)
      tpu.yield
    }) : () -> ()
    %add3A_13 = arith.constant 192 : i32
    %add3A_14 = arith.addi %multiple_of3A, %add3A_13 : i32
    "tpu.region"() ({
      %run_scoped3A = tpu.sem_alloc : memref<!tpu.dma_semaphore, #tpu.memory_space<semaphore_mem>>
      %dma_start3A = arith.constant 0 : i32
      %dma_start3A_45 = tpu.memref_slice %arg9[%add3A_14, %dma_start3A] : memref<10000x128xf32, #tpu.memory_space<vmem_shared>> -> memref<64x128xf32, #tpu.memory_space<vmem_shared>>
      %dma_start3A_46 = arith.constant 0 : i32
      %dma_start3A_47 = tpu.memref_slice %arg9[%add3A_14, %dma_start3A_46] : memref<10000x128xf32, #tpu.memory_space<vmem_shared>> -> memref<64x128xf32, #tpu.memory_space<vmem_shared>>
      tpu.enqueue_dma source(%arg6 : memref<64x128xf32, #tpu.memory_space<vmem>>) target(%dma_start3A_47 : memref<64x128xf32, #tpu.memory_space<vmem_shared>>) target_semaphore(%run_scoped3A : memref<!tpu.dma_semaphore, #tpu.memory_space<semaphore_mem>>)
      %dma_wait3A = arith.constant 0 : i32
      %dma_wait3A_48 = tpu.memref_slice %arg9[%add3A_14, %dma_wait3A] : memref<10000x128xf32, #tpu.memory_space<vmem_shared>> -> memref<64x128xf32, #tpu.memory_space<vmem_shared>>
      %dma_wait3A_49 = arith.constant 0 : i32
      %dma_wait3A_50 = tpu.memref_slice %arg9[%add3A_14, %dma_wait3A_49] : memref<10000x128xf32, #tpu.memory_space<vmem_shared>> -> memref<64x128xf32, #tpu.memory_space<vmem_shared>>
      tpu.wait_dma2 semaphore(%run_scoped3A : memref<!tpu.dma_semaphore, #tpu.memory_space<semaphore_mem>>) src(%arg6 : memref<64x128xf32, #tpu.memory_space<vmem>>) dst(%dma_wait3A_50 : memref<64x128xf32, #tpu.memory_space<vmem_shared>>)
      tpu.yield
    }) : () -> ()
    %add3A_15 = arith.constant 256 : i32
    %add3A_16 = arith.addi %multiple_of3A, %add3A_15 : i32
    "tpu.region"() ({
      %run_scoped3A = tpu.sem_alloc : memref<!tpu.dma_semaphore, #tpu.memory_space<semaphore_mem>>
      %dma_start3A = arith.constant 0 : i32
      %dma_start3A_45 = tpu.memref_slice %arg9[%add3A_16, %dma_start3A] : memref<10000x128xf32, #tpu.memory_space<vmem_shared>> -> memref<64x128xf32, #tpu.memory_space<vmem_shared>>
      %dma_start3A_46 = arith.constant 0 : i32
      %dma_start3A_47 = tpu.memref_slice %arg9[%add3A_16, %dma_start3A_46] : memref<10000x128xf32, #tpu.memory_space<vmem_shared>> -> memref<64x128xf32, #tpu.memory_space<vmem_shared>>
      tpu.enqueue_dma source(%arg6 : memref<64x128xf32, #tpu.memory_space<vmem>>) target(%dma_start3A_47 : memref<64x128xf32, #tpu.memory_space<vmem_shared>>) target_semaphore(%run_scoped3A : memref<!tpu.dma_semaphore, #tpu.memory_space<semaphore_mem>>)
      %dma_wait3A = arith.constant 0 : i32
      %dma_wait3A_48 = tpu.memref_slice %arg9[%add3A_16, %dma_wait3A] : memref<10000x128xf32, #tpu.memory_space<vmem_shared>> -> memref<64x128xf32, #tpu.memory_space<vmem_shared>>
      %dma_wait3A_49 = arith.constant 0 : i32
      %dma_wait3A_50 = tpu.memref_slice %arg9[%add3A_16, %dma_wait3A_49] : memref<10000x128xf32, #tpu.memory_space<vmem_shared>> -> memref<64x128xf32, #tpu.memory_space<vmem_shared>>
      tpu.wait_dma2 semaphore(%run_scoped3A : memref<!tpu.dma_semaphore, #tpu.memory_space<semaphore_mem>>) src(%arg6 : memref<64x128xf32, #tpu.memory_space<vmem>>) dst(%dma_wait3A_50 : memref<64x128xf32, #tpu.memory_space<vmem_shared>>)
      tpu.yield
    }) : () -> ()
    %add3A_17 = arith.constant 320 : i32
    %add3A_18 = arith.addi %multiple_of3A, %add3A_17 : i32
    "tpu.region"() ({
      %run_scoped3A = tpu.sem_alloc : memref<!tpu.dma_semaphore, #tpu.memory_space<semaphore_mem>>
      %dma_start3A = arith.constant 0 : i32
      %dma_start3A_45 = tpu.memref_slice %arg9[%add3A_18, %dma_start3A] : memref<10000x128xf32, #tpu.memory_space<vmem_shared>> -> memref<64x128xf32, #tpu.memory_space<vmem_shared>>
      %dma_start3A_46 = arith.constant 0 : i32
      %dma_start3A_47 = tpu.memref_slice %arg9[%add3A_18, %dma_start3A_46] : memref<10000x128xf32, #tpu.memory_space<vmem_shared>> -> memref<64x128xf32, #tpu.memory_space<vmem_shared>>
      tpu.enqueue_dma source(%arg6 : memref<64x128xf32, #tpu.memory_space<vmem>>) target(%dma_start3A_47 : memref<64x128xf32, #tpu.memory_space<vmem_shared>>) target_semaphore(%run_scoped3A : memref<!tpu.dma_semaphore, #tpu.memory_space<semaphore_mem>>)
      %dma_wait3A = arith.constant 0 : i32
      %dma_wait3A_48 = tpu.memref_slice %arg9[%add3A_18, %dma_wait3A] : memref<10000x128xf32, #tpu.memory_space<vmem_shared>> -> memref<64x128xf32, #tpu.memory_space<vmem_shared>>
      %dma_wait3A_49 = arith.constant 0 : i32
      %dma_wait3A_50 = tpu.memref_slice %arg9[%add3A_18, %dma_wait3A_49] : memref<10000x128xf32, #tpu.memory_space<vmem_shared>> -> memref<64x128xf32, #tpu.memory_space<vmem_shared>>
      tpu.wait_dma2 semaphore(%run_scoped3A : memref<!tpu.dma_semaphore, #tpu.memory_space<semaphore_mem>>) src(%arg6 : memref<64x128xf32, #tpu.memory_space<vmem>>) dst(%dma_wait3A_50 : memref<64x128xf32, #tpu.memory_space<vmem_shared>>)
      tpu.yield
    }) : () -> ()
    %add3A_19 = arith.constant 384 : i32
    %add3A_20 = arith.addi %multiple_of3A, %add3A_19 : i32
    "tpu.region"() ({
      %run_scoped3A = tpu.sem_alloc : memref<!tpu.dma_semaphore, #tpu.memory_space<semaphore_mem>>
      %dma_start3A = arith.constant 0 : i32
      %dma_start3A_45 = tpu.memref_slice %arg9[%add3A_20, %dma_start3A] : memref<10000x128xf32, #tpu.memory_space<vmem_shared>> -> memref<64x128xf32, #tpu.memory_space<vmem_shared>>
      %dma_start3A_46 = arith.constant 0 : i32
      %dma_start3A_47 = tpu.memref_slice %arg9[%add3A_20, %dma_start3A_46] : memref<10000x128xf32, #tpu.memory_space<vmem_shared>> -> memref<64x128xf32, #tpu.memory_space<vmem_shared>>
      tpu.enqueue_dma source(%arg6 : memref<64x128xf32, #tpu.memory_space<vmem>>) target(%dma_start3A_47 : memref<64x128xf32, #tpu.memory_space<vmem_shared>>) target_semaphore(%run_scoped3A : memref<!tpu.dma_semaphore, #tpu.memory_space<semaphore_mem>>)
      %dma_wait3A = arith.constant 0 : i32
      %dma_wait3A_48 = tpu.memref_slice %arg9[%add3A_20, %dma_wait3A] : memref<10000x128xf32, #tpu.memory_space<vmem_shared>> -> memref<64x128xf32, #tpu.memory_space<vmem_shared>>
      %dma_wait3A_49 = arith.constant 0 : i32
      %dma_wait3A_50 = tpu.memref_slice %arg9[%add3A_20, %dma_wait3A_49] : memref<10000x128xf32, #tpu.memory_space<vmem_shared>> -> memref<64x128xf32, #tpu.memory_space<vmem_shared>>
      tpu.wait_dma2 semaphore(%run_scoped3A : memref<!tpu.dma_semaphore, #tpu.memory_space<semaphore_mem>>) src(%arg6 : memref<64x128xf32, #tpu.memory_space<vmem>>) dst(%dma_wait3A_50 : memref<64x128xf32, #tpu.memory_space<vmem_shared>>)
      tpu.yield
    }) : () -> ()
    %add3A_21 = arith.constant 448 : i32
    %add3A_22 = arith.addi %multiple_of3A, %add3A_21 : i32
    "tpu.region"() ({
      %run_scoped3A = tpu.sem_alloc : memref<!tpu.dma_semaphore, #tpu.memory_space<semaphore_mem>>
      %dma_start3A = arith.constant 0 : i32
      %dma_start3A_45 = tpu.memref_slice %arg9[%add3A_22, %dma_start3A] : memref<10000x128xf32, #tpu.memory_space<vmem_shared>> -> memref<64x128xf32, #tpu.memory_space<vmem_shared>>
      %dma_start3A_46 = arith.constant 0 : i32
      %dma_start3A_47 = tpu.memref_slice %arg9[%add3A_22, %dma_start3A_46] : memref<10000x128xf32, #tpu.memory_space<vmem_shared>> -> memref<64x128xf32, #tpu.memory_space<vmem_shared>>
      tpu.enqueue_dma source(%arg6 : memref<64x128xf32, #tpu.memory_space<vmem>>) target(%dma_start3A_47 : memref<64x128xf32, #tpu.memory_space<vmem_shared>>) target_semaphore(%run_scoped3A : memref<!tpu.dma_semaphore, #tpu.memory_space<semaphore_mem>>)
      %dma_wait3A = arith.constant 0 : i32
      %dma_wait3A_48 = tpu.memref_slice %arg9[%add3A_22, %dma_wait3A] : memref<10000x128xf32, #tpu.memory_space<vmem_shared>> -> memref<64x128xf32, #tpu.memory_space<vmem_shared>>
      %dma_wait3A_49 = arith.constant 0 : i32
      %dma_wait3A_50 = tpu.memref_slice %arg9[%add3A_22, %dma_wait3A_49] : memref<10000x128xf32, #tpu.memory_space<vmem_shared>> -> memref<64x128xf32, #tpu.memory_space<vmem_shared>>
      tpu.wait_dma2 semaphore(%run_scoped3A : memref<!tpu.dma_semaphore, #tpu.memory_space<semaphore_mem>>) src(%arg6 : memref<64x128xf32, #tpu.memory_space<vmem>>) dst(%dma_wait3A_50 : memref<64x128xf32, #tpu.memory_space<vmem_shared>>)
      tpu.yield
    }) : () -> ()
    %add3A_23 = arith.constant 512 : i32
    %add3A_24 = arith.addi %multiple_of3A, %add3A_23 : i32
    "tpu.region"() ({
      %run_scoped3A = tpu.sem_alloc : memref<!tpu.dma_semaphore, #tpu.memory_space<semaphore_mem>>
      %dma_start3A = arith.constant 0 : i32
      %dma_start3A_45 = tpu.memref_slice %arg9[%add3A_24, %dma_start3A] : memref<10000x128xf32, #tpu.memory_space<vmem_shared>> -> memref<64x128xf32, #tpu.memory_space<vmem_shared>>
      %dma_start3A_46 = arith.constant 0 : i32
      %dma_start3A_47 = tpu.memref_slice %arg9[%add3A_24, %dma_start3A_46] : memref<10000x128xf32, #tpu.memory_space<vmem_shared>> -> memref<64x128xf32, #tpu.memory_space<vmem_shared>>
      tpu.enqueue_dma source(%arg6 : memref<64x128xf32, #tpu.memory_space<vmem>>) target(%dma_start3A_47 : memref<64x128xf32, #tpu.memory_space<vmem_shared>>) target_semaphore(%run_scoped3A : memref<!tpu.dma_semaphore, #tpu.memory_space<semaphore_mem>>)
      %dma_wait3A = arith.constant 0 : i32
      %dma_wait3A_48 = tpu.memref_slice %arg9[%add3A_24, %dma_wait3A] : memref<10000x128xf32, #tpu.memory_space<vmem_shared>> -> memref<64x128xf32, #tpu.memory_space<vmem_shared>>
      %dma_wait3A_49 = arith.constant 0 : i32
      %dma_wait3A_50 = tpu.memref_slice %arg9[%add3A_24, %dma_wait3A_49] : memref<10000x128xf32, #tpu.memory_space<vmem_shared>> -> memref<64x128xf32, #tpu.memory_space<vmem_shared>>
      tpu.wait_dma2 semaphore(%run_scoped3A : memref<!tpu.dma_semaphore, #tpu.memory_space<semaphore_mem>>) src(%arg6 : memref<64x128xf32, #tpu.memory_space<vmem>>) dst(%dma_wait3A_50 : memref<64x128xf32, #tpu.memory_space<vmem_shared>>)
      tpu.yield
    }) : () -> ()
    %add3A_25 = arith.constant 624 : i32
    %add3A_26 = arith.addi %multiple_of3A, %add3A_25 : i32
    %sub3A = arith.constant 64 : i32
    %sub3A_27 = arith.subi %add3A_26, %sub3A : i32
    "tpu.region"() ({
      %run_scoped3A = tpu.sem_alloc : memref<!tpu.dma_semaphore, #tpu.memory_space<semaphore_mem>>
      %dma_start3A = arith.constant 0 : i32
      %dma_start3A_45 = tpu.memref_slice %arg9[%sub3A_27, %dma_start3A] : memref<10000x128xf32, #tpu.memory_space<vmem_shared>> -> memref<64x128xf32, #tpu.memory_space<vmem_shared>>
      %dma_start3A_46 = arith.constant 0 : i32
      %dma_start3A_47 = tpu.memref_slice %arg9[%sub3A_27, %dma_start3A_46] : memref<10000x128xf32, #tpu.memory_space<vmem_shared>> -> memref<64x128xf32, #tpu.memory_space<vmem_shared>>
      tpu.enqueue_dma source(%arg6 : memref<64x128xf32, #tpu.memory_space<vmem>>) target(%dma_start3A_47 : memref<64x128xf32, #tpu.memory_space<vmem_shared>>) target_semaphore(%run_scoped3A : memref<!tpu.dma_semaphore, #tpu.memory_space<semaphore_mem>>)
      %dma_wait3A = arith.constant 0 : i32
      %dma_wait3A_48 = tpu.memref_slice %arg9[%sub3A_27, %dma_wait3A] : memref<10000x128xf32, #tpu.memory_space<vmem_shared>> -> memref<64x128xf32, #tpu.memory_space<vmem_shared>>
      %dma_wait3A_49 = arith.constant 0 : i32
      %dma_wait3A_50 = tpu.memref_slice %arg9[%sub3A_27, %dma_wait3A_49] : memref<10000x128xf32, #tpu.memory_space<vmem_shared>> -> memref<64x128xf32, #tpu.memory_space<vmem_shared>>
      tpu.wait_dma2 semaphore(%run_scoped3A : memref<!tpu.dma_semaphore, #tpu.memory_space<semaphore_mem>>) src(%arg6 : memref<64x128xf32, #tpu.memory_space<vmem>>) dst(%dma_wait3A_50 : memref<64x128xf32, #tpu.memory_space<vmem_shared>>)
      tpu.yield
    }) : () -> ()
    %eq3A = arith.constant 15 : i32
    %eq3A_28 = arith.cmpi eq, %arg1, %eq3A : i32
    %convert_element_type3A = arith.extui %eq3A_28 : i1 to i32
    %cond3A = arith.constant 0 : i32
    %cond3A_29 = arith.cmpi ne, %convert_element_type3A, %cond3A : i32
    scf.if %cond3A_29 {
      %add3A_45 = arith.constant 640 : i32
      %add3A_46 = arith.addi %multiple_of3A, %add3A_45 : i32
      %sub3A_47 = arith.constant 64 : i32
      %sub3A_48 = arith.subi %add3A_46, %sub3A_47 : i32
      %multiple_of3A_49 = tpu.assume_multiple %sub3A_48, 8 : i32
      "tpu.region"() ({
        %run_scoped3A = tpu.sem_alloc : memref<!tpu.dma_semaphore, #tpu.memory_space<semaphore_mem>>
        %dma_start3A = arith.constant 0 : i32
        %dma_start3A_50 = tpu.memref_slice %arg9[%multiple_of3A_49, %dma_start3A] : memref<10000x128xf32, #tpu.memory_space<vmem_shared>> -> memref<64x128xf32, #tpu.memory_space<vmem_shared>>
        %dma_start3A_51 = arith.constant 0 : i32
        %dma_start3A_52 = tpu.memref_slice %arg9[%multiple_of3A_49, %dma_start3A_51] : memref<10000x128xf32, #tpu.memory_space<vmem_shared>> -> memref<64x128xf32, #tpu.memory_space<vmem_shared>>
        tpu.enqueue_dma source(%arg6 : memref<64x128xf32, #tpu.memory_space<vmem>>) target(%dma_start3A_52 : memref<64x128xf32, #tpu.memory_space<vmem_shared>>) target_semaphore(%run_scoped3A : memref<!tpu.dma_semaphore, #tpu.memory_space<semaphore_mem>>)
        %dma_wait3A = arith.constant 0 : i32
        %dma_wait3A_53 = tpu.memref_slice %arg9[%multiple_of3A_49, %dma_wait3A] : memref<10000x128xf32, #tpu.memory_space<vmem_shared>> -> memref<64x128xf32, #tpu.memory_space<vmem_shared>>
        %dma_wait3A_54 = arith.constant 0 : i32
        %dma_wait3A_55 = tpu.memref_slice %arg9[%multiple_of3A_49, %dma_wait3A_54] : memref<10000x128xf32, #tpu.memory_space<vmem_shared>> -> memref<64x128xf32, #tpu.memory_space<vmem_shared>>
        tpu.wait_dma2 semaphore(%run_scoped3A : memref<!tpu.dma_semaphore, #tpu.memory_space<semaphore_mem>>) src(%arg6 : memref<64x128xf32, #tpu.memory_space<vmem>>) dst(%dma_wait3A_55 : memref<64x128xf32, #tpu.memory_space<vmem_shared>>)
        tpu.yield
      }) : () -> ()
    } else {
    }
    %barrier3A = arith.constant 0 : index
    tpu.barrier barrier_id(%barrier3A)
    %scan3A_30 = arith.constant 0 : i32
    %scan3A_31 = arith.constant 40 : i32
    %scan3A_32 = arith.addi %scan3A_30, %scan3A_31 : i32
    %scan3A_33 = arith.constant 1 : i32
    scf.for %scan3A_45 = %scan3A_30 to %scan3A_32 step %scan3A_33  : i32 {
      %mul3A_46 = arith.constant 1 : i32
      %mul3A_47 = arith.muli %scan3A_45, %mul3A_46 : i32
      %add3A_48 = arith.constant 0 : i32
      %add3A_49 = arith.addi %add3A_48, %mul3A_47 : i32
      %mul3A_50 = arith.constant 32 : i32
      %mul3A_51 = arith.muli %mul3A_50, %add3A_49 : i32
      %add3A_52 = arith.addi %add3A, %mul3A_51 : i32
      %lt3A_53 = arith.constant 1250 : i32
      %lt3A_54 = arith.cmpi slt, %add3A_52, %lt3A_53 : i32
      %convert_element_type3A_55 = arith.extui %lt3A_54 : i1 to i32
      %cond3A_56 = arith.constant 0 : i32
      %cond3A_57 = arith.cmpi ne, %convert_element_type3A_55, %cond3A_56 : i32
      scf.if %cond3A_57 {
        "tpu.region"() ({
          %run_scoped3A = tpu.sem_alloc : memref<!tpu.dma_semaphore, #tpu.memory_space<semaphore_mem>>
          %dma_start3A_354 = arith.constant 0 : i32
          %dma_start3A_355 = arith.constant 0 : i32
          %dma_start3A_356 = tpu.memref_slice %arg3[%add3A_52, %dma_start3A_354, %dma_start3A_355] : memref<1250x16x32xi32, #tpu.memory_space<hbm>> -> memref<1x16x32xi32, #tpu.memory_space<hbm>>
          %dma_start3A_357 = tpu.memref_squeeze %dma_start3A_356 : memref<1x16x32xi32, #tpu.memory_space<hbm>> -> memref<16x32xi32, #tpu.memory_space<hbm>>
          %dma_start3A_358 = arith.constant 0 : i32
          %dma_start3A_359 = arith.constant 0 : i32
          %dma_start3A_360 = tpu.memref_slice %arg3[%add3A_52, %dma_start3A_358, %dma_start3A_359] : memref<1250x16x32xi32, #tpu.memory_space<hbm>> -> memref<1x16x32xi32, #tpu.memory_space<hbm>>
          %dma_start3A_361 = tpu.memref_squeeze %dma_start3A_360 : memref<1x16x32xi32, #tpu.memory_space<hbm>> -> memref<16x32xi32, #tpu.memory_space<hbm>>
          tpu.enqueue_dma source(%dma_start3A_361 : memref<16x32xi32, #tpu.memory_space<hbm>>) target(%arg5 : memref<16x32xi32, #tpu.memory_space<vmem>>) target_semaphore(%run_scoped3A : memref<!tpu.dma_semaphore, #tpu.memory_space<semaphore_mem>>)
          %dma_wait3A_362 = arith.constant 0 : i32
          %dma_wait3A_363 = arith.constant 0 : i32
          %dma_wait3A_364 = tpu.memref_slice %arg3[%add3A_52, %dma_wait3A_362, %dma_wait3A_363] : memref<1250x16x32xi32, #tpu.memory_space<hbm>> -> memref<1x16x32xi32, #tpu.memory_space<hbm>>
          %dma_wait3A_365 = tpu.memref_squeeze %dma_wait3A_364 : memref<1x16x32xi32, #tpu.memory_space<hbm>> -> memref<16x32xi32, #tpu.memory_space<hbm>>
          %dma_wait3A_366 = arith.constant 0 : i32
          %dma_wait3A_367 = arith.constant 0 : i32
          %dma_wait3A_368 = tpu.memref_slice %arg3[%add3A_52, %dma_wait3A_366, %dma_wait3A_367] : memref<1250x16x32xi32, #tpu.memory_space<hbm>> -> memref<1x16x32xi32, #tpu.memory_space<hbm>>
          %dma_wait3A_369 = tpu.memref_squeeze %dma_wait3A_368 : memref<1x16x32xi32, #tpu.memory_space<hbm>> -> memref<16x32xi32, #tpu.memory_space<hbm>>
          tpu.wait_dma2 semaphore(%run_scoped3A : memref<!tpu.dma_semaphore, #tpu.memory_space<semaphore_mem>>) src(%dma_wait3A_369 : memref<16x32xi32, #tpu.memory_space<hbm>>) dst(%arg5 : memref<16x32xi32, #tpu.memory_space<vmem>>)
          tpu.yield
        }) : () -> ()
        %dma_start3A = arith.constant 0 : i32
        %dma_start3A_58 = arith.constant 0 : i32
        %dma_start3A_59 = arith.constant 0 : i32
        %dma_start3A_60 = tpu.memref_slice %arg6[%dma_start3A_58, %dma_start3A_59] : memref<64x128xf32, #tpu.memory_space<vmem>> -> memref<32x128xf32, #tpu.memory_space<vmem>>
        %dma_start3A_61 = arith.constant 0 : i32
        %dma_start3A_62 = tpu.memref_slice %arg5[%dma_start3A, %dma_start3A_61] : memref<16x32xi32, #tpu.memory_space<vmem>> -> memref<1x32xi32, #tpu.memory_space<vmem>>
        %dma_start3A_63 = tpu.memref_squeeze %dma_start3A_62 : memref<1x32xi32, #tpu.memory_space<vmem>> -> memref<32xi32, #tpu.memory_space<vmem>>
        %dma_start3A_64 = arith.constant 0 : i32
        %dma_start3A_65 = arith.constant 0 : i32
        %dma_start3A_66 = tpu.memref_slice %arg2[%dma_start3A_64, %dma_start3A_65] : memref<10000x128xf32, #tpu.memory_space<hbm>> -> memref<10000x128xf32, #tpu.memory_space<hbm>>
        tpu.enqueue_indirect_dma source(%dma_start3A_66 : memref<10000x128xf32, #tpu.memory_space<hbm>>) target(%dma_start3A_60 : memref<32x128xf32, #tpu.memory_space<vmem>>) offsets(%dma_start3A_63 : memref<32xi32, #tpu.memory_space<vmem>>) semaphore(%arg10 : memref<!tpu.dma_semaphore, #tpu.memory_space<semaphore_mem>>)
        %dma_start3A_67 = arith.constant 2 : i32
        %dma_start3A_68 = arith.constant 32 : i32
        %dma_start3A_69 = arith.constant 0 : i32
        %dma_start3A_70 = tpu.memref_slice %arg6[%dma_start3A_68, %dma_start3A_69] : memref<64x128xf32, #tpu.memory_space<vmem>> -> memref<32x128xf32, #tpu.memory_space<vmem>>
        %dma_start3A_71 = arith.constant 0 : i32
        %dma_start3A_72 = tpu.memref_slice %arg5[%dma_start3A_67, %dma_start3A_71] : memref<16x32xi32, #tpu.memory_space<vmem>> -> memref<1x32xi32, #tpu.memory_space<vmem>>
        %dma_start3A_73 = tpu.memref_squeeze %dma_start3A_72 : memref<1x32xi32, #tpu.memory_space<vmem>> -> memref<32xi32, #tpu.memory_space<vmem>>
        %dma_start3A_74 = arith.constant 0 : i32
        %dma_start3A_75 = arith.constant 0 : i32
        %dma_start3A_76 = tpu.memref_slice %arg2[%dma_start3A_74, %dma_start3A_75] : memref<10000x128xf32, #tpu.memory_space<hbm>> -> memref<10000x128xf32, #tpu.memory_space<hbm>>
        tpu.enqueue_indirect_dma source(%dma_start3A_76 : memref<10000x128xf32, #tpu.memory_space<hbm>>) target(%dma_start3A_70 : memref<32x128xf32, #tpu.memory_space<vmem>>) offsets(%dma_start3A_73 : memref<32xi32, #tpu.memory_space<vmem>>) semaphore(%arg10 : memref<!tpu.dma_semaphore, #tpu.memory_space<semaphore_mem>>)
        %dma_start3A_77 = arith.constant 4 : i32
        %dma_start3A_78 = arith.constant 0 : i32
        %dma_start3A_79 = arith.constant 0 : i32
        %dma_start3A_80 = tpu.memref_slice %arg7[%dma_start3A_78, %dma_start3A_79] : memref<64x128xf32, #tpu.memory_space<vmem>> -> memref<32x128xf32, #tpu.memory_space<vmem>>
        %dma_start3A_81 = arith.constant 0 : i32
        %dma_start3A_82 = tpu.memref_slice %arg5[%dma_start3A_77, %dma_start3A_81] : memref<16x32xi32, #tpu.memory_space<vmem>> -> memref<1x32xi32, #tpu.memory_space<vmem>>
        %dma_start3A_83 = tpu.memref_squeeze %dma_start3A_82 : memref<1x32xi32, #tpu.memory_space<vmem>> -> memref<32xi32, #tpu.memory_space<vmem>>
        %dma_start3A_84 = arith.constant 0 : i32
        %dma_start3A_85 = arith.constant 0 : i32
        %dma_start3A_86 = tpu.memref_slice %arg2[%dma_start3A_84, %dma_start3A_85] : memref<10000x128xf32, #tpu.memory_space<hbm>> -> memref<10000x128xf32, #tpu.memory_space<hbm>>
        tpu.enqueue_indirect_dma source(%dma_start3A_86 : memref<10000x128xf32, #tpu.memory_space<hbm>>) target(%dma_start3A_80 : memref<32x128xf32, #tpu.memory_space<vmem>>) offsets(%dma_start3A_83 : memref<32xi32, #tpu.memory_space<vmem>>) semaphore(%arg10 : memref<!tpu.dma_semaphore, #tpu.memory_space<semaphore_mem>>)
        %dma_wait3A = arith.constant 0 : i32
        %dma_wait3A_87 = arith.constant 0 : i32
        %dma_wait3A_88 = arith.constant 0 : i32
        %dma_wait3A_89 = tpu.memref_slice %arg6[%dma_wait3A_87, %dma_wait3A_88] : memref<64x128xf32, #tpu.memory_space<vmem>> -> memref<32x128xf32, #tpu.memory_space<vmem>>
        %dma_wait3A_90 = arith.constant 0 : i32
        %dma_wait3A_91 = tpu.memref_slice %arg5[%dma_wait3A, %dma_wait3A_90] : memref<16x32xi32, #tpu.memory_space<vmem>> -> memref<1x32xi32, #tpu.memory_space<vmem>>
        %dma_wait3A_92 = tpu.memref_squeeze %dma_wait3A_91 : memref<1x32xi32, #tpu.memory_space<vmem>> -> memref<32xi32, #tpu.memory_space<vmem>>
        %dma_wait3A_93 = arith.constant 0 : i32
        %dma_wait3A_94 = arith.constant 0 : i32
        %dma_wait3A_95 = tpu.memref_slice %arg2[%dma_wait3A_93, %dma_wait3A_94] : memref<10000x128xf32, #tpu.memory_space<hbm>> -> memref<10000x128xf32, #tpu.memory_space<hbm>>
        tpu.wait_indirect_dma semaphore(%arg10 : memref<!tpu.dma_semaphore, #tpu.memory_space<semaphore_mem>>) src(%dma_wait3A_95 : memref<10000x128xf32, #tpu.memory_space<hbm>>) dst(%dma_wait3A_89 : memref<32x128xf32, #tpu.memory_space<vmem>>)
        %dma_start3A_96 = arith.constant 6 : i32
        %dma_start3A_97 = arith.constant 32 : i32
        %dma_start3A_98 = arith.constant 0 : i32
        %dma_start3A_99 = tpu.memref_slice %arg7[%dma_start3A_97, %dma_start3A_98] : memref<64x128xf32, #tpu.memory_space<vmem>> -> memref<32x128xf32, #tpu.memory_space<vmem>>
        %dma_start3A_100 = arith.constant 0 : i32
        %dma_start3A_101 = tpu.memref_slice %arg5[%dma_start3A_96, %dma_start3A_100] : memref<16x32xi32, #tpu.memory_space<vmem>> -> memref<1x32xi32, #tpu.memory_space<vmem>>
        %dma_start3A_102 = tpu.memref_squeeze %dma_start3A_101 : memref<1x32xi32, #tpu.memory_space<vmem>> -> memref<32xi32, #tpu.memory_space<vmem>>
        %dma_start3A_103 = arith.constant 0 : i32
        %dma_start3A_104 = arith.constant 0 : i32
        %dma_start3A_105 = tpu.memref_slice %arg2[%dma_start3A_103, %dma_start3A_104] : memref<10000x128xf32, #tpu.memory_space<hbm>> -> memref<10000x128xf32, #tpu.memory_space<hbm>>
        tpu.enqueue_indirect_dma source(%dma_start3A_105 : memref<10000x128xf32, #tpu.memory_space<hbm>>) target(%dma_start3A_99 : memref<32x128xf32, #tpu.memory_space<vmem>>) offsets(%dma_start3A_102 : memref<32xi32, #tpu.memory_space<vmem>>) semaphore(%arg10 : memref<!tpu.dma_semaphore, #tpu.memory_space<semaphore_mem>>)
        %dma_start3A_106 = arith.constant 1 : i32
        %dma_start3A_107 = arith.constant 0 : i32
        %dma_start3A_108 = arith.constant 0 : i32
        %dma_start3A_109 = tpu.memref_slice %arg6[%dma_start3A_107, %dma_start3A_108] : memref<64x128xf32, #tpu.memory_space<vmem>> -> memref<32x128xf32, #tpu.memory_space<vmem>>
        %dma_start3A_110 = arith.constant 0 : i32
        %dma_start3A_111 = tpu.memref_slice %arg5[%dma_start3A_106, %dma_start3A_110] : memref<16x32xi32, #tpu.memory_space<vmem>> -> memref<1x32xi32, #tpu.memory_space<vmem>>
        %dma_start3A_112 = tpu.memref_squeeze %dma_start3A_111 : memref<1x32xi32, #tpu.memory_space<vmem>> -> memref<32xi32, #tpu.memory_space<vmem>>
        %dma_start3A_113 = arith.constant 0 : i32
        %dma_start3A_114 = arith.constant 0 : i32
        %dma_start3A_115 = tpu.memref_slice %arg9[%dma_start3A_113, %dma_start3A_114] : memref<10000x128xf32, #tpu.memory_space<vmem_shared>> -> memref<10000x128xf32, #tpu.memory_space<vmem_shared>>
        tpu.enqueue_indirect_dma source(%dma_start3A_109 : memref<32x128xf32, #tpu.memory_space<vmem>>) target(%dma_start3A_115 : memref<10000x128xf32, #tpu.memory_space<vmem_shared>>) offsets(%dma_start3A_112 : memref<32xi32, #tpu.memory_space<vmem>>) semaphore(%arg11 : memref<!tpu.dma_semaphore, #tpu.memory_space<semaphore_mem>>) {add = true}
        %dma_wait3A_116 = arith.constant 2 : i32
        %dma_wait3A_117 = arith.constant 32 : i32
        %dma_wait3A_118 = arith.constant 0 : i32
        %dma_wait3A_119 = tpu.memref_slice %arg6[%dma_wait3A_117, %dma_wait3A_118] : memref<64x128xf32, #tpu.memory_space<vmem>> -> memref<32x128xf32, #tpu.memory_space<vmem>>
        %dma_wait3A_120 = arith.constant 0 : i32
        %dma_wait3A_121 = tpu.memref_slice %arg5[%dma_wait3A_116, %dma_wait3A_120] : memref<16x32xi32, #tpu.memory_space<vmem>> -> memref<1x32xi32, #tpu.memory_space<vmem>>
        %dma_wait3A_122 = tpu.memref_squeeze %dma_wait3A_121 : memref<1x32xi32, #tpu.memory_space<vmem>> -> memref<32xi32, #tpu.memory_space<vmem>>
        %dma_wait3A_123 = arith.constant 0 : i32
        %dma_wait3A_124 = arith.constant 0 : i32
        %dma_wait3A_125 = tpu.memref_slice %arg2[%dma_wait3A_123, %dma_wait3A_124] : memref<10000x128xf32, #tpu.memory_space<hbm>> -> memref<10000x128xf32, #tpu.memory_space<hbm>>
        tpu.wait_indirect_dma semaphore(%arg10 : memref<!tpu.dma_semaphore, #tpu.memory_space<semaphore_mem>>) src(%dma_wait3A_125 : memref<10000x128xf32, #tpu.memory_space<hbm>>) dst(%dma_wait3A_119 : memref<32x128xf32, #tpu.memory_space<vmem>>)
        %dma_start3A_126 = arith.constant 8 : i32
        %dma_start3A_127 = arith.constant 0 : i32
        %dma_start3A_128 = tpu.memref_slice %arg5[%dma_start3A_126, %dma_start3A_127] : memref<16x32xi32, #tpu.memory_space<vmem>> -> memref<1x32xi32, #tpu.memory_space<vmem>>
        %dma_start3A_129 = tpu.memref_squeeze %dma_start3A_128 : memref<1x32xi32, #tpu.memory_space<vmem>> -> memref<32xi32, #tpu.memory_space<vmem>>
        %dma_start3A_130 = arith.constant 0 : i32
        %dma_start3A_131 = arith.constant 0 : i32
        %dma_start3A_132 = tpu.memref_slice %arg2[%dma_start3A_130, %dma_start3A_131] : memref<10000x128xf32, #tpu.memory_space<hbm>> -> memref<10000x128xf32, #tpu.memory_space<hbm>>
        tpu.enqueue_indirect_dma source(%dma_start3A_132 : memref<10000x128xf32, #tpu.memory_space<hbm>>) target(%arg8 : memref<32x128xf32, #tpu.memory_space<vmem>>) offsets(%dma_start3A_129 : memref<32xi32, #tpu.memory_space<vmem>>) semaphore(%arg10 : memref<!tpu.dma_semaphore, #tpu.memory_space<semaphore_mem>>)
        %dma_start3A_133 = arith.constant 3 : i32
        %dma_start3A_134 = arith.constant 32 : i32
        %dma_start3A_135 = arith.constant 0 : i32
        %dma_start3A_136 = tpu.memref_slice %arg6[%dma_start3A_134, %dma_start3A_135] : memref<64x128xf32, #tpu.memory_space<vmem>> -> memref<32x128xf32, #tpu.memory_space<vmem>>
        %dma_start3A_137 = arith.constant 0 : i32
        %dma_start3A_138 = tpu.memref_slice %arg5[%dma_start3A_133, %dma_start3A_137] : memref<16x32xi32, #tpu.memory_space<vmem>> -> memref<1x32xi32, #tpu.memory_space<vmem>>
        %dma_start3A_139 = tpu.memref_squeeze %dma_start3A_138 : memref<1x32xi32, #tpu.memory_space<vmem>> -> memref<32xi32, #tpu.memory_space<vmem>>
        %dma_start3A_140 = arith.constant 0 : i32
        %dma_start3A_141 = arith.constant 0 : i32
        %dma_start3A_142 = tpu.memref_slice %arg9[%dma_start3A_140, %dma_start3A_141] : memref<10000x128xf32, #tpu.memory_space<vmem_shared>> -> memref<10000x128xf32, #tpu.memory_space<vmem_shared>>
        tpu.enqueue_indirect_dma source(%dma_start3A_136 : memref<32x128xf32, #tpu.memory_space<vmem>>) target(%dma_start3A_142 : memref<10000x128xf32, #tpu.memory_space<vmem_shared>>) offsets(%dma_start3A_139 : memref<32xi32, #tpu.memory_space<vmem>>) semaphore(%arg11 : memref<!tpu.dma_semaphore, #tpu.memory_space<semaphore_mem>>) {add = true}
        %dma_wait3A_143 = arith.constant 4 : i32
        %dma_wait3A_144 = arith.constant 0 : i32
        %dma_wait3A_145 = arith.constant 0 : i32
        %dma_wait3A_146 = tpu.memref_slice %arg7[%dma_wait3A_144, %dma_wait3A_145] : memref<64x128xf32, #tpu.memory_space<vmem>> -> memref<32x128xf32, #tpu.memory_space<vmem>>
        %dma_wait3A_147 = arith.constant 0 : i32
        %dma_wait3A_148 = tpu.memref_slice %arg5[%dma_wait3A_143, %dma_wait3A_147] : memref<16x32xi32, #tpu.memory_space<vmem>> -> memref<1x32xi32, #tpu.memory_space<vmem>>
        %dma_wait3A_149 = tpu.memref_squeeze %dma_wait3A_148 : memref<1x32xi32, #tpu.memory_space<vmem>> -> memref<32xi32, #tpu.memory_space<vmem>>
        %dma_wait3A_150 = arith.constant 0 : i32
        %dma_wait3A_151 = arith.constant 0 : i32
        %dma_wait3A_152 = tpu.memref_slice %arg2[%dma_wait3A_150, %dma_wait3A_151] : memref<10000x128xf32, #tpu.memory_space<hbm>> -> memref<10000x128xf32, #tpu.memory_space<hbm>>
        tpu.wait_indirect_dma semaphore(%arg10 : memref<!tpu.dma_semaphore, #tpu.memory_space<semaphore_mem>>) src(%dma_wait3A_152 : memref<10000x128xf32, #tpu.memory_space<hbm>>) dst(%dma_wait3A_146 : memref<32x128xf32, #tpu.memory_space<vmem>>)
        %dma_wait3A_153 = arith.constant 1 : i32
        %dma_wait3A_154 = arith.constant 0 : i32
        %dma_wait3A_155 = arith.constant 0 : i32
        %dma_wait3A_156 = tpu.memref_slice %arg6[%dma_wait3A_154, %dma_wait3A_155] : memref<64x128xf32, #tpu.memory_space<vmem>> -> memref<32x128xf32, #tpu.memory_space<vmem>>
        %dma_wait3A_157 = arith.constant 0 : i32
        %dma_wait3A_158 = tpu.memref_slice %arg5[%dma_wait3A_153, %dma_wait3A_157] : memref<16x32xi32, #tpu.memory_space<vmem>> -> memref<1x32xi32, #tpu.memory_space<vmem>>
        %dma_wait3A_159 = tpu.memref_squeeze %dma_wait3A_158 : memref<1x32xi32, #tpu.memory_space<vmem>> -> memref<32xi32, #tpu.memory_space<vmem>>
        %dma_wait3A_160 = arith.constant 0 : i32
        %dma_wait3A_161 = arith.constant 0 : i32
        %dma_wait3A_162 = tpu.memref_slice %arg9[%dma_wait3A_160, %dma_wait3A_161] : memref<10000x128xf32, #tpu.memory_space<vmem_shared>> -> memref<10000x128xf32, #tpu.memory_space<vmem_shared>>
        tpu.wait_indirect_dma semaphore(%arg11 : memref<!tpu.dma_semaphore, #tpu.memory_space<semaphore_mem>>) src(%dma_wait3A_156 : memref<32x128xf32, #tpu.memory_space<vmem>>) dst(%dma_wait3A_162 : memref<10000x128xf32, #tpu.memory_space<vmem_shared>>)
        %dma_start3A_163 = arith.constant 10 : i32
        %dma_start3A_164 = arith.constant 0 : i32
        %dma_start3A_165 = arith.constant 0 : i32
        %dma_start3A_166 = tpu.memref_slice %arg6[%dma_start3A_164, %dma_start3A_165] : memref<64x128xf32, #tpu.memory_space<vmem>> -> memref<32x128xf32, #tpu.memory_space<vmem>>
        %dma_start3A_167 = arith.constant 0 : i32
        %dma_start3A_168 = tpu.memref_slice %arg5[%dma_start3A_163, %dma_start3A_167] : memref<16x32xi32, #tpu.memory_space<vmem>> -> memref<1x32xi32, #tpu.memory_space<vmem>>
        %dma_start3A_169 = tpu.memref_squeeze %dma_start3A_168 : memref<1x32xi32, #tpu.memory_space<vmem>> -> memref<32xi32, #tpu.memory_space<vmem>>
        %dma_start3A_170 = arith.constant 0 : i32
        %dma_start3A_171 = arith.constant 0 : i32
        %dma_start3A_172 = tpu.memref_slice %arg2[%dma_start3A_170, %dma_start3A_171] : memref<10000x128xf32, #tpu.memory_space<hbm>> -> memref<10000x128xf32, #tpu.memory_space<hbm>>
        tpu.enqueue_indirect_dma source(%dma_start3A_172 : memref<10000x128xf32, #tpu.memory_space<hbm>>) target(%dma_start3A_166 : memref<32x128xf32, #tpu.memory_space<vmem>>) offsets(%dma_start3A_169 : memref<32xi32, #tpu.memory_space<vmem>>) semaphore(%arg10 : memref<!tpu.dma_semaphore, #tpu.memory_space<semaphore_mem>>)
        %dma_start3A_173 = arith.constant 5 : i32
        %dma_start3A_174 = arith.constant 0 : i32
        %dma_start3A_175 = arith.constant 0 : i32
        %dma_start3A_176 = tpu.memref_slice %arg7[%dma_start3A_174, %dma_start3A_175] : memref<64x128xf32, #tpu.memory_space<vmem>> -> memref<32x128xf32, #tpu.memory_space<vmem>>
        %dma_start3A_177 = arith.constant 0 : i32
        %dma_start3A_178 = tpu.memref_slice %arg5[%dma_start3A_173, %dma_start3A_177] : memref<16x32xi32, #tpu.memory_space<vmem>> -> memref<1x32xi32, #tpu.memory_space<vmem>>
        %dma_start3A_179 = tpu.memref_squeeze %dma_start3A_178 : memref<1x32xi32, #tpu.memory_space<vmem>> -> memref<32xi32, #tpu.memory_space<vmem>>
        %dma_start3A_180 = arith.constant 0 : i32
        %dma_start3A_181 = arith.constant 0 : i32
        %dma_start3A_182 = tpu.memref_slice %arg9[%dma_start3A_180, %dma_start3A_181] : memref<10000x128xf32, #tpu.memory_space<vmem_shared>> -> memref<10000x128xf32, #tpu.memory_space<vmem_shared>>
        tpu.enqueue_indirect_dma source(%dma_start3A_176 : memref<32x128xf32, #tpu.memory_space<vmem>>) target(%dma_start3A_182 : memref<10000x128xf32, #tpu.memory_space<vmem_shared>>) offsets(%dma_start3A_179 : memref<32xi32, #tpu.memory_space<vmem>>) semaphore(%arg11 : memref<!tpu.dma_semaphore, #tpu.memory_space<semaphore_mem>>) {add = true}
        %dma_wait3A_183 = arith.constant 6 : i32
        %dma_wait3A_184 = arith.constant 32 : i32
        %dma_wait3A_185 = arith.constant 0 : i32
        %dma_wait3A_186 = tpu.memref_slice %arg7[%dma_wait3A_184, %dma_wait3A_185] : memref<64x128xf32, #tpu.memory_space<vmem>> -> memref<32x128xf32, #tpu.memory_space<vmem>>
        %dma_wait3A_187 = arith.constant 0 : i32
        %dma_wait3A_188 = tpu.memref_slice %arg5[%dma_wait3A_183, %dma_wait3A_187] : memref<16x32xi32, #tpu.memory_space<vmem>> -> memref<1x32xi32, #tpu.memory_space<vmem>>
        %dma_wait3A_189 = tpu.memref_squeeze %dma_wait3A_188 : memref<1x32xi32, #tpu.memory_space<vmem>> -> memref<32xi32, #tpu.memory_space<vmem>>
        %dma_wait3A_190 = arith.constant 0 : i32
        %dma_wait3A_191 = arith.constant 0 : i32
        %dma_wait3A_192 = tpu.memref_slice %arg2[%dma_wait3A_190, %dma_wait3A_191] : memref<10000x128xf32, #tpu.memory_space<hbm>> -> memref<10000x128xf32, #tpu.memory_space<hbm>>
        tpu.wait_indirect_dma semaphore(%arg10 : memref<!tpu.dma_semaphore, #tpu.memory_space<semaphore_mem>>) src(%dma_wait3A_192 : memref<10000x128xf32, #tpu.memory_space<hbm>>) dst(%dma_wait3A_186 : memref<32x128xf32, #tpu.memory_space<vmem>>)
        %dma_wait3A_193 = arith.constant 3 : i32
        %dma_wait3A_194 = arith.constant 32 : i32
        %dma_wait3A_195 = arith.constant 0 : i32
        %dma_wait3A_196 = tpu.memref_slice %arg6[%dma_wait3A_194, %dma_wait3A_195] : memref<64x128xf32, #tpu.memory_space<vmem>> -> memref<32x128xf32, #tpu.memory_space<vmem>>
        %dma_wait3A_197 = arith.constant 0 : i32
        %dma_wait3A_198 = tpu.memref_slice %arg5[%dma_wait3A_193, %dma_wait3A_197] : memref<16x32xi32, #tpu.memory_space<vmem>> -> memref<1x32xi32, #tpu.memory_space<vmem>>
        %dma_wait3A_199 = tpu.memref_squeeze %dma_wait3A_198 : memref<1x32xi32, #tpu.memory_space<vmem>> -> memref<32xi32, #tpu.memory_space<vmem>>
        %dma_wait3A_200 = arith.constant 0 : i32
        %dma_wait3A_201 = arith.constant 0 : i32
        %dma_wait3A_202 = tpu.memref_slice %arg9[%dma_wait3A_200, %dma_wait3A_201] : memref<10000x128xf32, #tpu.memory_space<vmem_shared>> -> memref<10000x128xf32, #tpu.memory_space<vmem_shared>>
        tpu.wait_indirect_dma semaphore(%arg11 : memref<!tpu.dma_semaphore, #tpu.memory_space<semaphore_mem>>) src(%dma_wait3A_196 : memref<32x128xf32, #tpu.memory_space<vmem>>) dst(%dma_wait3A_202 : memref<10000x128xf32, #tpu.memory_space<vmem_shared>>)
        %dma_start3A_203 = arith.constant 12 : i32
        %dma_start3A_204 = arith.constant 32 : i32
        %dma_start3A_205 = arith.constant 0 : i32
        %dma_start3A_206 = tpu.memref_slice %arg6[%dma_start3A_204, %dma_start3A_205] : memref<64x128xf32, #tpu.memory_space<vmem>> -> memref<32x128xf32, #tpu.memory_space<vmem>>
        %dma_start3A_207 = arith.constant 0 : i32
        %dma_start3A_208 = tpu.memref_slice %arg5[%dma_start3A_203, %dma_start3A_207] : memref<16x32xi32, #tpu.memory_space<vmem>> -> memref<1x32xi32, #tpu.memory_space<vmem>>
        %dma_start3A_209 = tpu.memref_squeeze %dma_start3A_208 : memref<1x32xi32, #tpu.memory_space<vmem>> -> memref<32xi32, #tpu.memory_space<vmem>>
        %dma_start3A_210 = arith.constant 0 : i32
        %dma_start3A_211 = arith.constant 0 : i32
        %dma_start3A_212 = tpu.memref_slice %arg2[%dma_start3A_210, %dma_start3A_211] : memref<10000x128xf32, #tpu.memory_space<hbm>> -> memref<10000x128xf32, #tpu.memory_space<hbm>>
        tpu.enqueue_indirect_dma source(%dma_start3A_212 : memref<10000x128xf32, #tpu.memory_space<hbm>>) target(%dma_start3A_206 : memref<32x128xf32, #tpu.memory_space<vmem>>) offsets(%dma_start3A_209 : memref<32xi32, #tpu.memory_space<vmem>>) semaphore(%arg10 : memref<!tpu.dma_semaphore, #tpu.memory_space<semaphore_mem>>)
        %dma_start3A_213 = arith.constant 7 : i32
        %dma_start3A_214 = arith.constant 32 : i32
        %dma_start3A_215 = arith.constant 0 : i32
        %dma_start3A_216 = tpu.memref_slice %arg7[%dma_start3A_214, %dma_start3A_215] : memref<64x128xf32, #tpu.memory_space<vmem>> -> memref<32x128xf32, #tpu.memory_space<vmem>>
        %dma_start3A_217 = arith.constant 0 : i32
        %dma_start3A_218 = tpu.memref_slice %arg5[%dma_start3A_213, %dma_start3A_217] : memref<16x32xi32, #tpu.memory_space<vmem>> -> memref<1x32xi32, #tpu.memory_space<vmem>>
        %dma_start3A_219 = tpu.memref_squeeze %dma_start3A_218 : memref<1x32xi32, #tpu.memory_space<vmem>> -> memref<32xi32, #tpu.memory_space<vmem>>
        %dma_start3A_220 = arith.constant 0 : i32
        %dma_start3A_221 = arith.constant 0 : i32
        %dma_start3A_222 = tpu.memref_slice %arg9[%dma_start3A_220, %dma_start3A_221] : memref<10000x128xf32, #tpu.memory_space<vmem_shared>> -> memref<10000x128xf32, #tpu.memory_space<vmem_shared>>
        tpu.enqueue_indirect_dma source(%dma_start3A_216 : memref<32x128xf32, #tpu.memory_space<vmem>>) target(%dma_start3A_222 : memref<10000x128xf32, #tpu.memory_space<vmem_shared>>) offsets(%dma_start3A_219 : memref<32xi32, #tpu.memory_space<vmem>>) semaphore(%arg11 : memref<!tpu.dma_semaphore, #tpu.memory_space<semaphore_mem>>) {add = true}
        %dma_wait3A_223 = arith.constant 8 : i32
        %dma_wait3A_224 = arith.constant 0 : i32
        %dma_wait3A_225 = tpu.memref_slice %arg5[%dma_wait3A_223, %dma_wait3A_224] : memref<16x32xi32, #tpu.memory_space<vmem>> -> memref<1x32xi32, #tpu.memory_space<vmem>>
        %dma_wait3A_226 = tpu.memref_squeeze %dma_wait3A_225 : memref<1x32xi32, #tpu.memory_space<vmem>> -> memref<32xi32, #tpu.memory_space<vmem>>
        %dma_wait3A_227 = arith.constant 0 : i32
        %dma_wait3A_228 = arith.constant 0 : i32
        %dma_wait3A_229 = tpu.memref_slice %arg2[%dma_wait3A_227, %dma_wait3A_228] : memref<10000x128xf32, #tpu.memory_space<hbm>> -> memref<10000x128xf32, #tpu.memory_space<hbm>>
        tpu.wait_indirect_dma semaphore(%arg10 : memref<!tpu.dma_semaphore, #tpu.memory_space<semaphore_mem>>) src(%dma_wait3A_229 : memref<10000x128xf32, #tpu.memory_space<hbm>>) dst(%arg8 : memref<32x128xf32, #tpu.memory_space<vmem>>)
        %dma_wait3A_230 = arith.constant 5 : i32
        %dma_wait3A_231 = arith.constant 0 : i32
        %dma_wait3A_232 = arith.constant 0 : i32
        %dma_wait3A_233 = tpu.memref_slice %arg7[%dma_wait3A_231, %dma_wait3A_232] : memref<64x128xf32, #tpu.memory_space<vmem>> -> memref<32x128xf32, #tpu.memory_space<vmem>>
        %dma_wait3A_234 = arith.constant 0 : i32
        %dma_wait3A_235 = tpu.memref_slice %arg5[%dma_wait3A_230, %dma_wait3A_234] : memref<16x32xi32, #tpu.memory_space<vmem>> -> memref<1x32xi32, #tpu.memory_space<vmem>>
        %dma_wait3A_236 = tpu.memref_squeeze %dma_wait3A_235 : memref<1x32xi32, #tpu.memory_space<vmem>> -> memref<32xi32, #tpu.memory_space<vmem>>
        %dma_wait3A_237 = arith.constant 0 : i32
        %dma_wait3A_238 = arith.constant 0 : i32
        %dma_wait3A_239 = tpu.memref_slice %arg9[%dma_wait3A_237, %dma_wait3A_238] : memref<10000x128xf32, #tpu.memory_space<vmem_shared>> -> memref<10000x128xf32, #tpu.memory_space<vmem_shared>>
        tpu.wait_indirect_dma semaphore(%arg11 : memref<!tpu.dma_semaphore, #tpu.memory_space<semaphore_mem>>) src(%dma_wait3A_233 : memref<32x128xf32, #tpu.memory_space<vmem>>) dst(%dma_wait3A_239 : memref<10000x128xf32, #tpu.memory_space<vmem_shared>>)
        %dma_start3A_240 = arith.constant 14 : i32
        %dma_start3A_241 = arith.constant 0 : i32
        %dma_start3A_242 = arith.constant 0 : i32
        %dma_start3A_243 = tpu.memref_slice %arg7[%dma_start3A_241, %dma_start3A_242] : memref<64x128xf32, #tpu.memory_space<vmem>> -> memref<32x128xf32, #tpu.memory_space<vmem>>
        %dma_start3A_244 = arith.constant 0 : i32
        %dma_start3A_245 = tpu.memref_slice %arg5[%dma_start3A_240, %dma_start3A_244] : memref<16x32xi32, #tpu.memory_space<vmem>> -> memref<1x32xi32, #tpu.memory_space<vmem>>
        %dma_start3A_246 = tpu.memref_squeeze %dma_start3A_245 : memref<1x32xi32, #tpu.memory_space<vmem>> -> memref<32xi32, #tpu.memory_space<vmem>>
        %dma_start3A_247 = arith.constant 0 : i32
        %dma_start3A_248 = arith.constant 0 : i32
        %dma_start3A_249 = tpu.memref_slice %arg2[%dma_start3A_247, %dma_start3A_248] : memref<10000x128xf32, #tpu.memory_space<hbm>> -> memref<10000x128xf32, #tpu.memory_space<hbm>>
        tpu.enqueue_indirect_dma source(%dma_start3A_249 : memref<10000x128xf32, #tpu.memory_space<hbm>>) target(%dma_start3A_243 : memref<32x128xf32, #tpu.memory_space<vmem>>) offsets(%dma_start3A_246 : memref<32xi32, #tpu.memory_space<vmem>>) semaphore(%arg10 : memref<!tpu.dma_semaphore, #tpu.memory_space<semaphore_mem>>)
        %dma_start3A_250 = arith.constant 9 : i32
        %dma_start3A_251 = arith.constant 0 : i32
        %dma_start3A_252 = tpu.memref_slice %arg5[%dma_start3A_250, %dma_start3A_251] : memref<16x32xi32, #tpu.memory_space<vmem>> -> memref<1x32xi32, #tpu.memory_space<vmem>>
        %dma_start3A_253 = tpu.memref_squeeze %dma_start3A_252 : memref<1x32xi32, #tpu.memory_space<vmem>> -> memref<32xi32, #tpu.memory_space<vmem>>
        %dma_start3A_254 = arith.constant 0 : i32
        %dma_start3A_255 = arith.constant 0 : i32
        %dma_start3A_256 = tpu.memref_slice %arg9[%dma_start3A_254, %dma_start3A_255] : memref<10000x128xf32, #tpu.memory_space<vmem_shared>> -> memref<10000x128xf32, #tpu.memory_space<vmem_shared>>
        tpu.enqueue_indirect_dma source(%arg8 : memref<32x128xf32, #tpu.memory_space<vmem>>) target(%dma_start3A_256 : memref<10000x128xf32, #tpu.memory_space<vmem_shared>>) offsets(%dma_start3A_253 : memref<32xi32, #tpu.memory_space<vmem>>) semaphore(%arg11 : memref<!tpu.dma_semaphore, #tpu.memory_space<semaphore_mem>>) {add = true}
        %dma_wait3A_257 = arith.constant 10 : i32
        %dma_wait3A_258 = arith.constant 0 : i32
        %dma_wait3A_259 = arith.constant 0 : i32
        %dma_wait3A_260 = tpu.memref_slice %arg6[%dma_wait3A_258, %dma_wait3A_259] : memref<64x128xf32, #tpu.memory_space<vmem>> -> memref<32x128xf32, #tpu.memory_space<vmem>>
        %dma_wait3A_261 = arith.constant 0 : i32
        %dma_wait3A_262 = tpu.memref_slice %arg5[%dma_wait3A_257, %dma_wait3A_261] : memref<16x32xi32, #tpu.memory_space<vmem>> -> memref<1x32xi32, #tpu.memory_space<vmem>>
        %dma_wait3A_263 = tpu.memref_squeeze %dma_wait3A_262 : memref<1x32xi32, #tpu.memory_space<vmem>> -> memref<32xi32, #tpu.memory_space<vmem>>
        %dma_wait3A_264 = arith.constant 0 : i32
        %dma_wait3A_265 = arith.constant 0 : i32
        %dma_wait3A_266 = tpu.memref_slice %arg2[%dma_wait3A_264, %dma_wait3A_265] : memref<10000x128xf32, #tpu.memory_space<hbm>> -> memref<10000x128xf32, #tpu.memory_space<hbm>>
        tpu.wait_indirect_dma semaphore(%arg10 : memref<!tpu.dma_semaphore, #tpu.memory_space<semaphore_mem>>) src(%dma_wait3A_266 : memref<10000x128xf32, #tpu.memory_space<hbm>>) dst(%dma_wait3A_260 : memref<32x128xf32, #tpu.memory_space<vmem>>)
        %dma_start3A_267 = arith.constant 11 : i32
        %dma_start3A_268 = arith.constant 0 : i32
        %dma_start3A_269 = arith.constant 0 : i32
        %dma_start3A_270 = tpu.memref_slice %arg6[%dma_start3A_268, %dma_start3A_269] : memref<64x128xf32, #tpu.memory_space<vmem>> -> memref<32x128xf32, #tpu.memory_space<vmem>>
        %dma_start3A_271 = arith.constant 0 : i32
        %dma_start3A_272 = tpu.memref_slice %arg5[%dma_start3A_267, %dma_start3A_271] : memref<16x32xi32, #tpu.memory_space<vmem>> -> memref<1x32xi32, #tpu.memory_space<vmem>>
        %dma_start3A_273 = tpu.memref_squeeze %dma_start3A_272 : memref<1x32xi32, #tpu.memory_space<vmem>> -> memref<32xi32, #tpu.memory_space<vmem>>
        %dma_start3A_274 = arith.constant 0 : i32
        %dma_start3A_275 = arith.constant 0 : i32
        %dma_start3A_276 = tpu.memref_slice %arg9[%dma_start3A_274, %dma_start3A_275] : memref<10000x128xf32, #tpu.memory_space<vmem_shared>> -> memref<10000x128xf32, #tpu.memory_space<vmem_shared>>
        tpu.enqueue_indirect_dma source(%dma_start3A_270 : memref<32x128xf32, #tpu.memory_space<vmem>>) target(%dma_start3A_276 : memref<10000x128xf32, #tpu.memory_space<vmem_shared>>) offsets(%dma_start3A_273 : memref<32xi32, #tpu.memory_space<vmem>>) semaphore(%arg11 : memref<!tpu.dma_semaphore, #tpu.memory_space<semaphore_mem>>) {add = true}
        %dma_wait3A_277 = arith.constant 12 : i32
        %dma_wait3A_278 = arith.constant 32 : i32
        %dma_wait3A_279 = arith.constant 0 : i32
        %dma_wait3A_280 = tpu.memref_slice %arg6[%dma_wait3A_278, %dma_wait3A_279] : memref<64x128xf32, #tpu.memory_space<vmem>> -> memref<32x128xf32, #tpu.memory_space<vmem>>
        %dma_wait3A_281 = arith.constant 0 : i32
        %dma_wait3A_282 = tpu.memref_slice %arg5[%dma_wait3A_277, %dma_wait3A_281] : memref<16x32xi32, #tpu.memory_space<vmem>> -> memref<1x32xi32, #tpu.memory_space<vmem>>
        %dma_wait3A_283 = tpu.memref_squeeze %dma_wait3A_282 : memref<1x32xi32, #tpu.memory_space<vmem>> -> memref<32xi32, #tpu.memory_space<vmem>>
        %dma_wait3A_284 = arith.constant 0 : i32
        %dma_wait3A_285 = arith.constant 0 : i32
        %dma_wait3A_286 = tpu.memref_slice %arg2[%dma_wait3A_284, %dma_wait3A_285] : memref<10000x128xf32, #tpu.memory_space<hbm>> -> memref<10000x128xf32, #tpu.memory_space<hbm>>
        tpu.wait_indirect_dma semaphore(%arg10 : memref<!tpu.dma_semaphore, #tpu.memory_space<semaphore_mem>>) src(%dma_wait3A_286 : memref<10000x128xf32, #tpu.memory_space<hbm>>) dst(%dma_wait3A_280 : memref<32x128xf32, #tpu.memory_space<vmem>>)
        %dma_start3A_287 = arith.constant 13 : i32
        %dma_start3A_288 = arith.constant 32 : i32
        %dma_start3A_289 = arith.constant 0 : i32
        %dma_start3A_290 = tpu.memref_slice %arg6[%dma_start3A_288, %dma_start3A_289] : memref<64x128xf32, #tpu.memory_space<vmem>> -> memref<32x128xf32, #tpu.memory_space<vmem>>
        %dma_start3A_291 = arith.constant 0 : i32
        %dma_start3A_292 = tpu.memref_slice %arg5[%dma_start3A_287, %dma_start3A_291] : memref<16x32xi32, #tpu.memory_space<vmem>> -> memref<1x32xi32, #tpu.memory_space<vmem>>
        %dma_start3A_293 = tpu.memref_squeeze %dma_start3A_292 : memref<1x32xi32, #tpu.memory_space<vmem>> -> memref<32xi32, #tpu.memory_space<vmem>>
        %dma_start3A_294 = arith.constant 0 : i32
        %dma_start3A_295 = arith.constant 0 : i32
        %dma_start3A_296 = tpu.memref_slice %arg9[%dma_start3A_294, %dma_start3A_295] : memref<10000x128xf32, #tpu.memory_space<vmem_shared>> -> memref<10000x128xf32, #tpu.memory_space<vmem_shared>>
        tpu.enqueue_indirect_dma source(%dma_start3A_290 : memref<32x128xf32, #tpu.memory_space<vmem>>) target(%dma_start3A_296 : memref<10000x128xf32, #tpu.memory_space<vmem_shared>>) offsets(%dma_start3A_293 : memref<32xi32, #tpu.memory_space<vmem>>) semaphore(%arg11 : memref<!tpu.dma_semaphore, #tpu.memory_space<semaphore_mem>>) {add = true}
        %dma_wait3A_297 = arith.constant 14 : i32
        %dma_wait3A_298 = arith.constant 0 : i32
        %dma_wait3A_299 = arith.constant 0 : i32
        %dma_wait3A_300 = tpu.memref_slice %arg7[%dma_wait3A_298, %dma_wait3A_299] : memref<64x128xf32, #tpu.memory_space<vmem>> -> memref<32x128xf32, #tpu.memory_space<vmem>>
        %dma_wait3A_301 = arith.constant 0 : i32
        %dma_wait3A_302 = tpu.memref_slice %arg5[%dma_wait3A_297, %dma_wait3A_301] : memref<16x32xi32, #tpu.memory_space<vmem>> -> memref<1x32xi32, #tpu.memory_space<vmem>>
        %dma_wait3A_303 = tpu.memref_squeeze %dma_wait3A_302 : memref<1x32xi32, #tpu.memory_space<vmem>> -> memref<32xi32, #tpu.memory_space<vmem>>
        %dma_wait3A_304 = arith.constant 0 : i32
        %dma_wait3A_305 = arith.constant 0 : i32
        %dma_wait3A_306 = tpu.memref_slice %arg2[%dma_wait3A_304, %dma_wait3A_305] : memref<10000x128xf32, #tpu.memory_space<hbm>> -> memref<10000x128xf32, #tpu.memory_space<hbm>>
        tpu.wait_indirect_dma semaphore(%arg10 : memref<!tpu.dma_semaphore, #tpu.memory_space<semaphore_mem>>) src(%dma_wait3A_306 : memref<10000x128xf32, #tpu.memory_space<hbm>>) dst(%dma_wait3A_300 : memref<32x128xf32, #tpu.memory_space<vmem>>)
        %dma_start3A_307 = arith.constant 15 : i32
        %dma_start3A_308 = arith.constant 0 : i32
        %dma_start3A_309 = arith.constant 0 : i32
        %dma_start3A_310 = tpu.memref_slice %arg7[%dma_start3A_308, %dma_start3A_309] : memref<64x128xf32, #tpu.memory_space<vmem>> -> memref<32x128xf32, #tpu.memory_space<vmem>>
        %dma_start3A_311 = arith.constant 0 : i32
        %dma_start3A_312 = tpu.memref_slice %arg5[%dma_start3A_307, %dma_start3A_311] : memref<16x32xi32, #tpu.memory_space<vmem>> -> memref<1x32xi32, #tpu.memory_space<vmem>>
        %dma_start3A_313 = tpu.memref_squeeze %dma_start3A_312 : memref<1x32xi32, #tpu.memory_space<vmem>> -> memref<32xi32, #tpu.memory_space<vmem>>
        %dma_start3A_314 = arith.constant 0 : i32
        %dma_start3A_315 = arith.constant 0 : i32
        %dma_start3A_316 = tpu.memref_slice %arg9[%dma_start3A_314, %dma_start3A_315] : memref<10000x128xf32, #tpu.memory_space<vmem_shared>> -> memref<10000x128xf32, #tpu.memory_space<vmem_shared>>
        tpu.enqueue_indirect_dma source(%dma_start3A_310 : memref<32x128xf32, #tpu.memory_space<vmem>>) target(%dma_start3A_316 : memref<10000x128xf32, #tpu.memory_space<vmem_shared>>) offsets(%dma_start3A_313 : memref<32xi32, #tpu.memory_space<vmem>>) semaphore(%arg11 : memref<!tpu.dma_semaphore, #tpu.memory_space<semaphore_mem>>) {add = true}
        %dma_wait3A_317 = arith.constant 9 : i32
        %dma_wait3A_318 = arith.constant 0 : i32
        %dma_wait3A_319 = tpu.memref_slice %arg5[%dma_wait3A_317, %dma_wait3A_318] : memref<16x32xi32, #tpu.memory_space<vmem>> -> memref<1x32xi32, #tpu.memory_space<vmem>>
        %dma_wait3A_320 = tpu.memref_squeeze %dma_wait3A_319 : memref<1x32xi32, #tpu.memory_space<vmem>> -> memref<32xi32, #tpu.memory_space<vmem>>
        %dma_wait3A_321 = arith.constant 0 : i32
        %dma_wait3A_322 = arith.constant 0 : i32
        %dma_wait3A_323 = tpu.memref_slice %arg9[%dma_wait3A_321, %dma_wait3A_322] : memref<10000x128xf32, #tpu.memory_space<vmem_shared>> -> memref<10000x128xf32, #tpu.memory_space<vmem_shared>>
        tpu.wait_indirect_dma semaphore(%arg11 : memref<!tpu.dma_semaphore, #tpu.memory_space<semaphore_mem>>) src(%arg8 : memref<32x128xf32, #tpu.memory_space<vmem>>) dst(%dma_wait3A_323 : memref<10000x128xf32, #tpu.memory_space<vmem_shared>>)
        %dma_wait3A_324 = arith.constant 11 : i32
        %dma_wait3A_325 = arith.constant 0 : i32
        %dma_wait3A_326 = arith.constant 0 : i32
        %dma_wait3A_327 = tpu.memref_slice %arg6[%dma_wait3A_325, %dma_wait3A_326] : memref<64x128xf32, #tpu.memory_space<vmem>> -> memref<32x128xf32, #tpu.memory_space<vmem>>
        %dma_wait3A_328 = arith.constant 0 : i32
        %dma_wait3A_329 = tpu.memref_slice %arg5[%dma_wait3A_324, %dma_wait3A_328] : memref<16x32xi32, #tpu.memory_space<vmem>> -> memref<1x32xi32, #tpu.memory_space<vmem>>
        %dma_wait3A_330 = tpu.memref_squeeze %dma_wait3A_329 : memref<1x32xi32, #tpu.memory_space<vmem>> -> memref<32xi32, #tpu.memory_space<vmem>>
        %dma_wait3A_331 = arith.constant 0 : i32
        %dma_wait3A_332 = arith.constant 0 : i32
        %dma_wait3A_333 = tpu.memref_slice %arg9[%dma_wait3A_331, %dma_wait3A_332] : memref<10000x128xf32, #tpu.memory_space<vmem_shared>> -> memref<10000x128xf32, #tpu.memory_space<vmem_shared>>
        tpu.wait_indirect_dma semaphore(%arg11 : memref<!tpu.dma_semaphore, #tpu.memory_space<semaphore_mem>>) src(%dma_wait3A_327 : memref<32x128xf32, #tpu.memory_space<vmem>>) dst(%dma_wait3A_333 : memref<10000x128xf32, #tpu.memory_space<vmem_shared>>)
        %dma_wait3A_334 = arith.constant 13 : i32
        %dma_wait3A_335 = arith.constant 32 : i32
        %dma_wait3A_336 = arith.constant 0 : i32
        %dma_wait3A_337 = tpu.memref_slice %arg6[%dma_wait3A_335, %dma_wait3A_336] : memref<64x128xf32, #tpu.memory_space<vmem>> -> memref<32x128xf32, #tpu.memory_space<vmem>>
        %dma_wait3A_338 = arith.constant 0 : i32
        %dma_wait3A_339 = tpu.memref_slice %arg5[%dma_wait3A_334, %dma_wait3A_338] : memref<16x32xi32, #tpu.memory_space<vmem>> -> memref<1x32xi32, #tpu.memory_space<vmem>>
        %dma_wait3A_340 = tpu.memref_squeeze %dma_wait3A_339 : memref<1x32xi32, #tpu.memory_space<vmem>> -> memref<32xi32, #tpu.memory_space<vmem>>
        %dma_wait3A_341 = arith.constant 0 : i32
        %dma_wait3A_342 = arith.constant 0 : i32
        %dma_wait3A_343 = tpu.memref_slice %arg9[%dma_wait3A_341, %dma_wait3A_342] : memref<10000x128xf32, #tpu.memory_space<vmem_shared>> -> memref<10000x128xf32, #tpu.memory_space<vmem_shared>>
        tpu.wait_indirect_dma semaphore(%arg11 : memref<!tpu.dma_semaphore, #tpu.memory_space<semaphore_mem>>) src(%dma_wait3A_337 : memref<32x128xf32, #tpu.memory_space<vmem>>) dst(%dma_wait3A_343 : memref<10000x128xf32, #tpu.memory_space<vmem_shared>>)
        %dma_wait3A_344 = arith.constant 15 : i32
        %dma_wait3A_345 = arith.constant 0 : i32
        %dma_wait3A_346 = arith.constant 0 : i32
        %dma_wait3A_347 = tpu.memref_slice %arg7[%dma_wait3A_345, %dma_wait3A_346] : memref<64x128xf32, #tpu.memory_space<vmem>> -> memref<32x128xf32, #tpu.memory_space<vmem>>
        %dma_wait3A_348 = arith.constant 0 : i32
        %dma_wait3A_349 = tpu.memref_slice %arg5[%dma_wait3A_344, %dma_wait3A_348] : memref<16x32xi32, #tpu.memory_space<vmem>> -> memref<1x32xi32, #tpu.memory_space<vmem>>
        %dma_wait3A_350 = tpu.memref_squeeze %dma_wait3A_349 : memref<1x32xi32, #tpu.memory_space<vmem>> -> memref<32xi32, #tpu.memory_space<vmem>>
        %dma_wait3A_351 = arith.constant 0 : i32
        %dma_wait3A_352 = arith.constant 0 : i32
        %dma_wait3A_353 = tpu.memref_slice %arg9[%dma_wait3A_351, %dma_wait3A_352] : memref<10000x128xf32, #tpu.memory_space<vmem_shared>> -> memref<10000x128xf32, #tpu.memory_space<vmem_shared>>
        tpu.wait_indirect_dma semaphore(%arg11 : memref<!tpu.dma_semaphore, #tpu.memory_space<semaphore_mem>>) src(%dma_wait3A_347 : memref<32x128xf32, #tpu.memory_space<vmem>>) dst(%dma_wait3A_353 : memref<10000x128xf32, #tpu.memory_space<vmem_shared>>)
      } else {
      }
    }
    %scan3A_34 = arith.constant 40 : i32
    %barrier3A_35 = arith.constant 0 : index
    tpu.barrier barrier_id(%barrier3A_35)
    %lt3A = arith.constant 15 : i32
    %lt3A_36 = arith.cmpi slt, %arg1, %lt3A : i32
    %convert_element_type3A_37 = arith.extui %lt3A_36 : i1 to i32
    %cond3A_38 = arith.constant 0 : i32
    %cond3A_39 = arith.cmpi ne, %convert_element_type3A_37, %cond3A_38 : i32
    scf.if %cond3A_39 {
      "tpu.region"() ({
        %run_scoped3A = tpu.sem_alloc : memref<!tpu.dma_semaphore, #tpu.memory_space<semaphore_mem>>
        %dma_start3A = arith.constant 0 : i32
        %dma_start3A_45 = arith.constant 0 : i32
        %dma_start3A_46 = tpu.memref_slice %arg4[%arg0, %dma_start3A, %dma_start3A_45] : memref<2x10000x128xf32, #tpu.memory_space<hbm>> -> memref<1x10000x128xf32, #tpu.memory_space<hbm>>
        %dma_start3A_47 = tpu.memref_squeeze %dma_start3A_46 : memref<1x10000x128xf32, #tpu.memory_space<hbm>> -> memref<10000x128xf32, #tpu.memory_space<hbm>>
        %dma_start3A_48 = arith.constant 0 : i32
        %dma_start3A_49 = tpu.memref_slice %dma_start3A_47[%multiple_of3A, %dma_start3A_48] : memref<10000x128xf32, #tpu.memory_space<hbm>> -> memref<624x128xf32, #tpu.memory_space<hbm>>
        %dma_start3A_50 = arith.constant 0 : i32
        %dma_start3A_51 = tpu.memref_slice %arg9[%multiple_of3A, %dma_start3A_50] : memref<10000x128xf32, #tpu.memory_space<vmem_shared>> -> memref<624x128xf32, #tpu.memory_space<vmem_shared>>
        tpu.enqueue_dma source(%dma_start3A_51 : memref<624x128xf32, #tpu.memory_space<vmem_shared>>) target(%dma_start3A_49 : memref<624x128xf32, #tpu.memory_space<hbm>>) target_semaphore(%run_scoped3A : memref<!tpu.dma_semaphore, #tpu.memory_space<semaphore_mem>>)
        %dma_wait3A = arith.constant 0 : i32
        %dma_wait3A_52 = arith.constant 0 : i32
        %dma_wait3A_53 = tpu.memref_slice %arg4[%arg0, %dma_wait3A, %dma_wait3A_52] : memref<2x10000x128xf32, #tpu.memory_space<hbm>> -> memref<1x10000x128xf32, #tpu.memory_space<hbm>>
        %dma_wait3A_54 = tpu.memref_squeeze %dma_wait3A_53 : memref<1x10000x128xf32, #tpu.memory_space<hbm>> -> memref<10000x128xf32, #tpu.memory_space<hbm>>
        %dma_wait3A_55 = arith.constant 0 : i32
        %dma_wait3A_56 = tpu.memref_slice %dma_wait3A_54[%multiple_of3A, %dma_wait3A_55] : memref<10000x128xf32, #tpu.memory_space<hbm>> -> memref<624x128xf32, #tpu.memory_space<hbm>>
        %dma_wait3A_57 = arith.constant 0 : i32
        %dma_wait3A_58 = tpu.memref_slice %arg9[%multiple_of3A, %dma_wait3A_57] : memref<10000x128xf32, #tpu.memory_space<vmem_shared>> -> memref<624x128xf32, #tpu.memory_space<vmem_shared>>
        tpu.wait_dma2 semaphore(%run_scoped3A : memref<!tpu.dma_semaphore, #tpu.memory_space<semaphore_mem>>) src(%dma_wait3A_58 : memref<624x128xf32, #tpu.memory_space<vmem_shared>>) dst(%dma_wait3A_56 : memref<624x128xf32, #tpu.memory_space<hbm>>)
        tpu.yield
      }) : () -> ()
    } else {
    }
    %eq3A_40 = arith.constant 15 : i32
    %eq3A_41 = arith.cmpi eq, %arg1, %eq3A_40 : i32
    %convert_element_type3A_42 = arith.extui %eq3A_41 : i1 to i32
    %cond3A_43 = arith.constant 0 : i32
    %cond3A_44 = arith.cmpi ne, %convert_element_type3A_42, %cond3A_43 : i32
    scf.if %cond3A_44 {
      "tpu.region"() ({
        %run_scoped3A = tpu.sem_alloc : memref<!tpu.dma_semaphore, #tpu.memory_space<semaphore_mem>>
        %dma_start3A = arith.constant 0 : i32
        %dma_start3A_45 = arith.constant 0 : i32
        %dma_start3A_46 = tpu.memref_slice %arg4[%arg0, %dma_start3A, %dma_start3A_45] : memref<2x10000x128xf32, #tpu.memory_space<hbm>> -> memref<1x10000x128xf32, #tpu.memory_space<hbm>>
        %dma_start3A_47 = tpu.memref_squeeze %dma_start3A_46 : memref<1x10000x128xf32, #tpu.memory_space<hbm>> -> memref<10000x128xf32, #tpu.memory_space<hbm>>
        %dma_start3A_48 = arith.constant 0 : i32
        %dma_start3A_49 = tpu.memref_slice %dma_start3A_47[%multiple_of3A, %dma_start3A_48] : memref<10000x128xf32, #tpu.memory_space<hbm>> -> memref<640x128xf32, #tpu.memory_space<hbm>>
        %dma_start3A_50 = arith.constant 0 : i32
        %dma_start3A_51 = tpu.memref_slice %arg9[%multiple_of3A, %dma_start3A_50] : memref<10000x128xf32, #tpu.memory_space<vmem_shared>> -> memref<640x128xf32, #tpu.memory_space<vmem_shared>>
        tpu.enqueue_dma source(%dma_start3A_51 : memref<640x128xf32, #tpu.memory_space<vmem_shared>>) target(%dma_start3A_49 : memref<640x128xf32, #tpu.memory_space<hbm>>) target_semaphore(%run_scoped3A : memref<!tpu.dma_semaphore, #tpu.memory_space<semaphore_mem>>)
        %dma_wait3A = arith.constant 0 : i32
        %dma_wait3A_52 = arith.constant 0 : i32
        %dma_wait3A_53 = tpu.memref_slice %arg4[%arg0, %dma_wait3A, %dma_wait3A_52] : memref<2x10000x128xf32, #tpu.memory_space<hbm>> -> memref<1x10000x128xf32, #tpu.memory_space<hbm>>
        %dma_wait3A_54 = tpu.memref_squeeze %dma_wait3A_53 : memref<1x10000x128xf32, #tpu.memory_space<hbm>> -> memref<10000x128xf32, #tpu.memory_space<hbm>>
        %dma_wait3A_55 = arith.constant 0 : i32
        %dma_wait3A_56 = tpu.memref_slice %dma_wait3A_54[%multiple_of3A, %dma_wait3A_55] : memref<10000x128xf32, #tpu.memory_space<hbm>> -> memref<640x128xf32, #tpu.memory_space<hbm>>
        %dma_wait3A_57 = arith.constant 0 : i32
        %dma_wait3A_58 = tpu.memref_slice %arg9[%multiple_of3A, %dma_wait3A_57] : memref<10000x128xf32, #tpu.memory_space<vmem_shared>> -> memref<640x128xf32, #tpu.memory_space<vmem_shared>>
        tpu.wait_dma2 semaphore(%run_scoped3A : memref<!tpu.dma_semaphore, #tpu.memory_space<semaphore_mem>>) src(%dma_wait3A_58 : memref<640x128xf32, #tpu.memory_space<vmem_shared>>) dst(%dma_wait3A_56 : memref<640x128xf32, #tpu.memory_space<hbm>>)
        tpu.yield
      }) : () -> ()
    } else {
    }
    return
  }
}

module attributes {stable_mosaic.version = 14 : i64} {
  func.func @body(%arg0: i32, %arg1: memref<400x128xf32, #tpu.memory_space<vmem>>, %arg2: memref<2x400x128xf32, #tpu.memory_space<vmem>>, %arg3: memref<400x32xf32, #tpu.memory_space<vmem>>, %arg4: memref<128x128xf32, #tpu.memory_space<vmem>>, %arg5: memref<128x128xf32, #tpu.memory_space<vmem>>, %arg6: memref<128xf32, #tpu.memory_space<vmem>>, %arg7: memref<400x128xf32, #tpu.memory_space<vmem>>) attributes {dimension_semantics = [#tpu.dimension_semantics<arbitrary>], iteration_bounds = array<i64: 25>, scalar_prefetch = 0 : i64, scratch_operands = 0 : i64, tpu.core_type = #tpu.core_type<tc>, window_params = [{transform_indices = @transform_0, window_bounds = array<i64: 400, 128>}, {transform_indices = @transform_1, window_bounds = array<i64: 2, 400, 128>}, {transform_indices = @transform_2, window_bounds = array<i64: 400, 32>}, {pipeline_mode = #tpu.pipeline_mode<synchronous>, transform_indices = @transform_3, window_bounds = array<i64: 128, 128>}, {pipeline_mode = #tpu.pipeline_mode<synchronous>, transform_indices = @transform_4, window_bounds = array<i64: 128, 128>}, {pipeline_mode = #tpu.pipeline_mode<synchronous>, transform_indices = @transform_5, window_bounds = array<i64: 128>}, {transform_indices = @transform_6, window_bounds = array<i64: 400, 128>}]} {
    %get3A = arith.constant 0 : index
    %get3A_0 = arith.constant 0 : index
    %get3A_1 = vector.load %arg1[%get3A, %get3A_0] : memref<400x128xf32, #tpu.memory_space<vmem>>, vector<400x128xf32>
    %get3A_2 = arith.constant 0 : index
    %get3A_3 = arith.constant 0 : index
    %get3A_4 = arith.constant 0 : index
    %get3A_5 = vector.load %arg2[%get3A_2, %get3A_3, %get3A_4] : memref<2x400x128xf32, #tpu.memory_space<vmem>>, vector<1x400x128xf32>
    %get3A_6 = vector.shape_cast %get3A_5 : vector<1x400x128xf32> to vector<400x128xf32>
    %get3A_7 = arith.constant 1 : index
    %get3A_8 = arith.constant 0 : index
    %get3A_9 = arith.constant 0 : index
    %get3A_10 = vector.load %arg2[%get3A_7, %get3A_8, %get3A_9] : memref<2x400x128xf32, #tpu.memory_space<vmem>>, vector<1x400x128xf32>
    %get3A_11 = vector.shape_cast %get3A_10 : vector<1x400x128xf32> to vector<400x128xf32>
    %add3A = arith.addf %get3A_6, %get3A_11 : vector<400x128xf32>
    %get3A_12 = arith.constant 0 : index
    %get3A_13 = arith.constant 0 : index
    %get3A_14 = vector.load %arg3[%get3A_12, %get3A_13] : memref<400x32xf32, #tpu.memory_space<vmem>>, vector<400x32xf32>
    %reduce_sum3A = arith.constant dense<0.000000e+00> : vector<400xf32>
    %reduce_sum3A_15 = vector.multi_reduction <add>, %get3A_14, %reduce_sum3A [1] : vector<400x32xf32> to vector<400xf32>
    %max3A = arith.constant 1.000000e+00 : f32
    %max3A_16 = vector.broadcast %max3A : f32 to vector<400xf32>
    %max3A_17 = arith.maximumf %reduce_sum3A_15, %max3A_16 : vector<400xf32>
    %broadcast_in_dim3A = vector.shape_cast %max3A_17 : vector<400xf32> to vector<400x1xf32>
    %div3A = vector.broadcast %broadcast_in_dim3A : vector<400x1xf32> to vector<400x128xf32>
    %div3A_18 = arith.divf %add3A, %div3A : vector<400x128xf32>
    %get3A_19 = arith.constant 0 : index
    %get3A_20 = arith.constant 0 : index
    %get3A_21 = vector.load %arg4[%get3A_19, %get3A_20] : memref<128x128xf32, #tpu.memory_space<vmem>>, vector<128x128xf32>
    %dot_general3A = arith.constant dense<0.000000e+00> : vector<400x128xf32>
    %dot_general3A_22 = tpu.matmul %get3A_1, %get3A_21, %dot_general3A {dimension_numbers = #tpu.dot_dimension_numbers<[1], [0], [0], [1], [0, 0, 1, 1], [], []>, transpose_lhs_hint = false} : vector<400x128xf32>, vector<128x128xf32>, vector<400x128xf32> -> vector<400x128xf32>
    %get3A_23 = arith.constant 0 : index
    %get3A_24 = arith.constant 0 : index
    %get3A_25 = vector.load %arg5[%get3A_23, %get3A_24] : memref<128x128xf32, #tpu.memory_space<vmem>>, vector<128x128xf32>
    %dot_general3A_26 = arith.constant dense<0.000000e+00> : vector<400x128xf32>
    %dot_general3A_27 = tpu.matmul %div3A_18, %get3A_25, %dot_general3A_26 {dimension_numbers = #tpu.dot_dimension_numbers<[1], [0], [0], [1], [0, 0, 1, 1], [], []>, transpose_lhs_hint = false} : vector<400x128xf32>, vector<128x128xf32>, vector<400x128xf32> -> vector<400x128xf32>
    %add3A_28 = arith.addf %dot_general3A_22, %dot_general3A_27 : vector<400x128xf32>
    %get3A_29 = arith.constant 0 : index
    %get3A_30 = vector.load %arg6[%get3A_29] : memref<128xf32, #tpu.memory_space<vmem>>, vector<128xf32>
    %broadcast_in_dim3A_31 = vector.shape_cast %get3A_30 : vector<128xf32> to vector<1x128xf32>
    %add3A_32 = vector.broadcast %broadcast_in_dim3A_31 : vector<1x128xf32> to vector<400x128xf32>
    %add3A_33 = arith.addf %add3A_28, %add3A_32 : vector<400x128xf32>
    %max3A_34 = arith.constant 0.000000e+00 : f32
    %max3A_35 = vector.broadcast %max3A_34 : f32 to vector<400x128xf32>
    %max3A_36 = arith.maximumf %add3A_33, %max3A_35 : vector<400x128xf32>
    %swap3A = arith.constant 0 : index
    %swap3A_37 = arith.constant 0 : index
    %swap3A_38 = vector.load %arg7[%swap3A, %swap3A_37] : memref<400x128xf32, #tpu.memory_space<vmem>>, vector<400x128xf32>
    tpu.vector_store %arg7[%swap3A, %swap3A_37], %max3A_36 {strides = array<i32>} : memref<400x128xf32, #tpu.memory_space<vmem>>, vector<400x128xf32>,
    return
  }
  func.func @transform_0(%arg0: i32) -> (i32, i32) {
    %c0_i32 = arith.constant 0 : i32
    %c0_i32_0 = arith.constant 0 : i32
    return %arg0, %c0_i32 : i32, i32
  }
  func.func @transform_1(%arg0: i32) -> (i32, i32, i32) {
    %c0_i32 = arith.constant 0 : i32
    %c0_i32_0 = arith.constant 0 : i32
    %c0_i32_1 = arith.constant 0 : i32
    return %c0_i32, %arg0, %c0_i32_0 : i32, i32, i32
  }
  func.func @transform_2(%arg0: i32) -> (i32, i32) {
    %c0_i32 = arith.constant 0 : i32
    %c0_i32_0 = arith.constant 0 : i32
    return %arg0, %c0_i32 : i32, i32
  }
  func.func @transform_3(%arg0: i32) -> (i32, i32) {
    %c0_i32 = arith.constant 0 : i32
    %c0_i32_0 = arith.constant 0 : i32
    %c0_i32_1 = arith.constant 0 : i32
    return %c0_i32, %c0_i32_0 : i32, i32
  }
  func.func @transform_4(%arg0: i32) -> (i32, i32) {
    %c0_i32 = arith.constant 0 : i32
    %c0_i32_0 = arith.constant 0 : i32
    %c0_i32_1 = arith.constant 0 : i32
    return %c0_i32, %c0_i32_0 : i32, i32
  }
  func.func @transform_5(%arg0: i32) -> i32 {
    %c0_i32 = arith.constant 0 : i32
    %c0_i32_0 = arith.constant 0 : i32
    return %c0_i32 : i32
  }
  func.func @transform_6(%arg0: i32) -> (i32, i32) {
    %c0_i32 = arith.constant 0 : i32
    %c0_i32_0 = arith.constant 0 : i32
    return %arg0, %c0_i32 : i32, i32
  }
}

module attributes {stable_mosaic.version = 14 : i64} {
  func.func @body(%arg0: i32, %arg1: memref<400x128xf32, #tpu.memory_space<vmem>>, %arg2: memref<2x400x128xf32, #tpu.memory_space<vmem>>, %arg3: memref<400x32xf32, #tpu.memory_space<vmem>>, %arg4: memref<128x128xf32, #tpu.memory_space<vmem>>, %arg5: memref<128x128xf32, #tpu.memory_space<vmem>>, %arg6: memref<128xf32, #tpu.memory_space<vmem>>, %arg7: memref<1x128xf32, #tpu.memory_space<vmem>>) attributes {dimension_semantics = [#tpu.dimension_semantics<arbitrary>], iteration_bounds = array<i64: 25>, scalar_prefetch = 0 : i64, scratch_operands = 0 : i64, tpu.core_type = #tpu.core_type<tc>, window_params = [{transform_indices = @transform_0, window_bounds = array<i64: 400, 128>}, {transform_indices = @transform_1, window_bounds = array<i64: 2, 400, 128>}, {transform_indices = @transform_2, window_bounds = array<i64: 400, 32>}, {pipeline_mode = #tpu.pipeline_mode<synchronous>, transform_indices = @transform_3, window_bounds = array<i64: 128, 128>}, {pipeline_mode = #tpu.pipeline_mode<synchronous>, transform_indices = @transform_4, window_bounds = array<i64: 128, 128>}, {pipeline_mode = #tpu.pipeline_mode<synchronous>, transform_indices = @transform_5, window_bounds = array<i64: 128>}, {pipeline_mode = #tpu.pipeline_mode<synchronous>, transform_indices = @transform_6, window_bounds = array<i64: 1, 128>}]} {
    %get3A = arith.constant 0 : index
    %get3A_0 = arith.constant 0 : index
    %get3A_1 = vector.load %arg1[%get3A, %get3A_0] : memref<400x128xf32, #tpu.memory_space<vmem>>, vector<400x128xf32>
    %get3A_2 = arith.constant 0 : index
    %get3A_3 = arith.constant 0 : index
    %get3A_4 = arith.constant 0 : index
    %get3A_5 = vector.load %arg2[%get3A_2, %get3A_3, %get3A_4] : memref<2x400x128xf32, #tpu.memory_space<vmem>>, vector<1x400x128xf32>
    %get3A_6 = vector.shape_cast %get3A_5 : vector<1x400x128xf32> to vector<400x128xf32>
    %get3A_7 = arith.constant 1 : index
    %get3A_8 = arith.constant 0 : index
    %get3A_9 = arith.constant 0 : index
    %get3A_10 = vector.load %arg2[%get3A_7, %get3A_8, %get3A_9] : memref<2x400x128xf32, #tpu.memory_space<vmem>>, vector<1x400x128xf32>
    %get3A_11 = vector.shape_cast %get3A_10 : vector<1x400x128xf32> to vector<400x128xf32>
    %add3A = arith.addf %get3A_6, %get3A_11 : vector<400x128xf32>
    %get3A_12 = arith.constant 0 : index
    %get3A_13 = arith.constant 0 : index
    %get3A_14 = vector.load %arg3[%get3A_12, %get3A_13] : memref<400x32xf32, #tpu.memory_space<vmem>>, vector<400x32xf32>
    %reduce_sum3A = arith.constant dense<0.000000e+00> : vector<400xf32>
    %reduce_sum3A_15 = vector.multi_reduction <add>, %get3A_14, %reduce_sum3A [1] : vector<400x32xf32> to vector<400xf32>
    %max3A = arith.constant 1.000000e+00 : f32
    %max3A_16 = vector.broadcast %max3A : f32 to vector<400xf32>
    %max3A_17 = arith.maximumf %reduce_sum3A_15, %max3A_16 : vector<400xf32>
    %broadcast_in_dim3A = vector.shape_cast %max3A_17 : vector<400xf32> to vector<400x1xf32>
    %div3A = vector.broadcast %broadcast_in_dim3A : vector<400x1xf32> to vector<400x128xf32>
    %div3A_18 = arith.divf %add3A, %div3A : vector<400x128xf32>
    %get3A_19 = arith.constant 0 : index
    %get3A_20 = arith.constant 0 : index
    %get3A_21 = vector.load %arg4[%get3A_19, %get3A_20] : memref<128x128xf32, #tpu.memory_space<vmem>>, vector<128x128xf32>
    %dot_general3A = arith.constant dense<0.000000e+00> : vector<400x128xf32>
    %dot_general3A_22 = tpu.matmul %get3A_1, %get3A_21, %dot_general3A {dimension_numbers = #tpu.dot_dimension_numbers<[1], [0], [0], [1], [0, 0, 1, 1], [], []>, transpose_lhs_hint = false} : vector<400x128xf32>, vector<128x128xf32>, vector<400x128xf32> -> vector<400x128xf32>
    %get3A_23 = arith.constant 0 : index
    %get3A_24 = arith.constant 0 : index
    %get3A_25 = vector.load %arg5[%get3A_23, %get3A_24] : memref<128x128xf32, #tpu.memory_space<vmem>>, vector<128x128xf32>
    %dot_general3A_26 = arith.constant dense<0.000000e+00> : vector<400x128xf32>
    %dot_general3A_27 = tpu.matmul %div3A_18, %get3A_25, %dot_general3A_26 {dimension_numbers = #tpu.dot_dimension_numbers<[1], [0], [0], [1], [0, 0, 1, 1], [], []>, transpose_lhs_hint = false} : vector<400x128xf32>, vector<128x128xf32>, vector<400x128xf32> -> vector<400x128xf32>
    %add3A_28 = arith.addf %dot_general3A_22, %dot_general3A_27 : vector<400x128xf32>
    %get3A_29 = arith.constant 0 : index
    %get3A_30 = vector.load %arg6[%get3A_29] : memref<128xf32, #tpu.memory_space<vmem>>, vector<128xf32>
    %broadcast_in_dim3A_31 = vector.shape_cast %get3A_30 : vector<128xf32> to vector<1x128xf32>
    %add3A_32 = vector.broadcast %broadcast_in_dim3A_31 : vector<1x128xf32> to vector<400x128xf32>
    %add3A_33 = arith.addf %add3A_28, %add3A_32 : vector<400x128xf32>
    %max3A_34 = arith.constant 0.000000e+00 : f32
    %max3A_35 = vector.broadcast %max3A_34 : f32 to vector<400x128xf32>
    %max3A_36 = arith.maximumf %add3A_33, %max3A_35 : vector<400x128xf32>
    %reduce_sum3A_37 = arith.constant dense<0.000000e+00> : vector<128xf32>
    %reduce_sum3A_38 = vector.multi_reduction <add>, %max3A_36, %reduce_sum3A_37 [0] : vector<400x128xf32> to vector<128xf32>
    %broadcast_in_dim3A_39 = vector.shape_cast %reduce_sum3A_38 : vector<128xf32> to vector<1x128xf32>
    %eq3A = arith.constant 0 : i32
    %eq3A_40 = arith.cmpi eq, %arg0, %eq3A : i32
    %convert_element_type3A = arith.extui %eq3A_40 : i1 to i32
    %cond3A = arith.constant 0 : i32
    %cond3A_41 = arith.cmpi ne, %convert_element_type3A, %cond3A : i32
    scf.if %cond3A_41 {
      %broadcast_in_dim3A_53 = arith.constant 0.000000e+00 : f32
      %broadcast_in_dim3A_54 = vector.broadcast %broadcast_in_dim3A_53 : f32 to vector<1x128xf32>
      %swap3A_55 = arith.constant 0 : index
      %swap3A_56 = arith.constant 0 : index
      %swap3A_57 = vector.load %arg7[%swap3A_55, %swap3A_56] : memref<1x128xf32, #tpu.memory_space<vmem>>, vector<1x128xf32>
      tpu.vector_store %arg7[%swap3A_55, %swap3A_56], %broadcast_in_dim3A_54 {strides = array<i32>} : memref<1x128xf32, #tpu.memory_space<vmem>>, vector<1x128xf32>,
    } else {
    }
    %get3A_42 = arith.constant 0 : index
    %get3A_43 = arith.constant 0 : index
    %get3A_44 = vector.load %arg7[%get3A_42, %get3A_43] : memref<1x128xf32, #tpu.memory_space<vmem>>, vector<1x128xf32>
    %add3A_45 = arith.addf %get3A_44, %broadcast_in_dim3A_39 : vector<1x128xf32>
    %swap3A = arith.constant 0 : index
    %swap3A_46 = arith.constant 0 : index
    %swap3A_47 = vector.load %arg7[%swap3A, %swap3A_46] : memref<1x128xf32, #tpu.memory_space<vmem>>, vector<1x128xf32>
    tpu.vector_store %arg7[%swap3A, %swap3A_46], %add3A_45 {strides = array<i32>} : memref<1x128xf32, #tpu.memory_space<vmem>>, vector<1x128xf32>,
    %eq3A_48 = arith.constant 24 : i32
    %eq3A_49 = arith.cmpi eq, %arg0, %eq3A_48 : i32
    %convert_element_type3A_50 = arith.extui %eq3A_49 : i1 to i32
    %cond3A_51 = arith.constant 0 : i32
    %cond3A_52 = arith.cmpi ne, %convert_element_type3A_50, %cond3A_51 : i32
    scf.if %cond3A_52 {
      %get3A_53 = arith.constant 0 : index
      %get3A_54 = arith.constant 0 : index
      %get3A_55 = vector.load %arg7[%get3A_53, %get3A_54] : memref<1x128xf32, #tpu.memory_space<vmem>>, vector<1x128xf32>
      %mul3A = arith.constant 9.99999974E-5 : f32
      %mul3A_56 = vector.broadcast %mul3A : f32 to vector<1x128xf32>
      %mul3A_57 = arith.mulf %get3A_55, %mul3A_56 : vector<1x128xf32>
      %swap3A_58 = arith.constant 0 : index
      %swap3A_59 = arith.constant 0 : index
      %swap3A_60 = vector.load %arg7[%swap3A_58, %swap3A_59] : memref<1x128xf32, #tpu.memory_space<vmem>>, vector<1x128xf32>
      tpu.vector_store %arg7[%swap3A_58, %swap3A_59], %mul3A_57 {strides = array<i32>} : memref<1x128xf32, #tpu.memory_space<vmem>>, vector<1x128xf32>,
    } else {
    }
    return
  }
  func.func @transform_0(%arg0: i32) -> (i32, i32) {
    %c0_i32 = arith.constant 0 : i32
    %c0_i32_0 = arith.constant 0 : i32
    return %arg0, %c0_i32 : i32, i32
  }
  func.func @transform_1(%arg0: i32) -> (i32, i32, i32) {
    %c0_i32 = arith.constant 0 : i32
    %c0_i32_0 = arith.constant 0 : i32
    %c0_i32_1 = arith.constant 0 : i32
    return %c0_i32, %arg0, %c0_i32_0 : i32, i32, i32
  }
  func.func @transform_2(%arg0: i32) -> (i32, i32) {
    %c0_i32 = arith.constant 0 : i32
    %c0_i32_0 = arith.constant 0 : i32
    return %arg0, %c0_i32 : i32, i32
  }
  func.func @transform_3(%arg0: i32) -> (i32, i32) {
    %c0_i32 = arith.constant 0 : i32
    %c0_i32_0 = arith.constant 0 : i32
    %c0_i32_1 = arith.constant 0 : i32
    return %c0_i32, %c0_i32_0 : i32, i32
  }
  func.func @transform_4(%arg0: i32) -> (i32, i32) {
    %c0_i32 = arith.constant 0 : i32
    %c0_i32_0 = arith.constant 0 : i32
    %c0_i32_1 = arith.constant 0 : i32
    return %c0_i32, %c0_i32_0 : i32, i32
  }
  func.func @transform_5(%arg0: i32) -> i32 {
    %c0_i32 = arith.constant 0 : i32
    %c0_i32_0 = arith.constant 0 : i32
    return %c0_i32 : i32
  }
  func.func @transform_6(%arg0: i32) -> (i32, i32) {
    %c0_i32 = arith.constant 0 : i32
    %c0_i32_0 = arith.constant 0 : i32
    %c0_i32_1 = arith.constant 0 : i32
    return %c0_i32, %c0_i32_0 : i32, i32
  }
}

</mosaic_0001>

<sc_bundles>
// kernel: kernel.10.cloned.1.call-start
scs
__scs_entry_jumppad:
0x0: {  	(pc) =	sbr.rel $0x88, $3  }
0x1: {  	(tag) =	ssettag $0x0;
	lr =	simm.s32 $0x1  }
0x2: {  	[smem:$0x3F99] =	sst lr;
	_ =	strace $0xD0000000  }
0x3: {  	_ = 	snop  }
0x4: {  	_ = 	snop  }
0x5: {  	_ = 	snop  }
0x6: {  	_ = 	snop  }
0x7: {  	_ = 	snop  }
__scs_overlays_trampoline_lowered:
0x8: {  	[smem:$0x3FA8] =	sst s0  }
0x9: {  	[smem:$0x3FA9] =	sst s1  }
0xa: {  	[smem:$0x3FAA] =	sst s2  }
0xb: {  	[smem:$0x3FAB] =	sst s3  }
0xc: {  	[smem:$0x3FAC] =	sst s4  }
0xd: {  	[smem:$0x3FAD] =	sst s5  }
0xe: {  	[smem:$0x3FAE] =	sst s6  }
0xf: {  	[smem:$0x3FAF] =	sst s7  }
0x10: {  	[smem:$0x3FB0] =	sst s8  }
0x11: {  	[smem:$0x3FB1] =	sst s9;
	s0 =	simm.s32 @!p0 $0x0  }
0x12: {  	s1 =	sld [smem:$0x3F97];
	s0 =	simm.s32 @p0 $0x1  }
0x13: {  	[smem:$0x3FB2] =	sst s0;
	s0 =	simm.s32 @!p1 $0x0  }
0x14: {  	s2 =	sld [smem:$0x3F96];
	s0 =	simm.s32 @p1 $0x1  }
0x15: {  	[smem:$0x3FB3] =	sst s0;
	s0 =	simm.s32 @!p2 $0x0  }
0x16: {  	s3 =	sld [smem:$0x3FDB];
	s0 =	simm.s32 @p2 $0x1  }
0x17: {  	s4 =	simm.s32 $0x1BF5;
	[smem:$0x3FB5] =	sst s0  }
0x18: {  	s0 =	sld [smem:$0x3F98];
	_ =	swait.ge [sflag:s4], $0x0  }
0x19: {  	s7 =	sld [smem:$0x3F99]  }
0x1a: {  	s8 =	sadd.s32 $0xFFFFE003, lr  }
0x1b: {  	s9 =	sadd.s32 $0xFFFFFEF7, lr;
	s5 =	simm.s32 $0xFFFFFFFF;
	p2 =	slt.u32 s8, $0xFFFFF086  }
0x1c: {  	p1 =	slt.u32 s9, $0xF7A;
	s5 =	simm.s32 @!p2 $0x0  }
0x1d: {  	s5 =	simm.s32 @p1 $0x1;
	p0 =	seq.s32 s7, s2  }
0x1e: {  	s7 =	smul.u32 @!p0 $0xF7A, s2;
	p2 =	seq.s32 @!p0 s5, $0x0  }
0x1f: {  	s9 =	smul.u32 $0xF7A, s1;
	s8 =	simm.s32 @!p0 $0x1BF5;
	p2 =	por !p2, p0  }
0x20: {  	[sflag:s8] =	ssyncset.s32 @!p0 $0xFFFFF086;
	s6 =	sadd.s32 @!p0 s3, s7;
	s7 =	simm.s32 @!p0 $0x108  }
0x21: {  	s3 =	sadd.s32 s3, s9;
	s6 =	sadd.s32 @!p0 $0x88, s6;
	s7 =	simm.s32 @p2 $0x1082  }
0x22: {  	[simem:s7], [sflag:s8] =	dma.local @!p0 [hbm:s6], $0xF7A  }
0x23: {  	s9 =	sor.u32 $0xD0000000, s2;
	s6 =	simm.s32 $0x108;
	_ =	swait.ge @!p0 [sflag:s8], $0x0  }
0x24: {  	s3 =	sadd.s32 $0x88, s3;
	s6 =	simm.s32 @!p1 $0x1082;
	[sflag:s4] =	ssyncset.s32 $0xFFFFF086  }
0x25: {  	[simem:s6], [sflag:s4] =	dma.local [hbm:s3], $0xF7A  }
0x26: {  	[smem:$0x3F99] =	sst s1;
	(tag) =	ssettag s2;
	_ =	strace s9  }
0x27: {  	s1 =	sld [smem:$0x3FA9]  }
0x28: {  	s2 =	sld [smem:$0x3FAA]  }
0x29: {  	s4 =	sld [smem:$0x3FAC]  }
0x2a: {  	p0 =	seq.s32 s5, $0x0;
	s5 =	sld [smem:$0x3FAD]  }
0x2b: {  	s6 =	sld [smem:$0x3FAE]  }
0x2c: {  	s7 =	sld [smem:$0x3FAF]  }
0x2d: {  	s3 =	simm.s32 $0x108;
	s8 =	sld [smem:$0x3FB0]  }
0x2e: {  	s3 =	simm.s32 @!p0 $0x1082;
	s9 =	sld [smem:$0x3FB1]  }
0x2f: {  	lr =	sadd.s32 s0, s3;
	s0 =	sld [smem:$0x3FA8]  }
0x30: {  	s3 =	sld [smem:$0x3FAB]  }
0x31: {  	[smem:$0x3FB4] =	sst s10  }
0x32: {  	s10 =	sld [smem:$0x3FB2];
	_ =	sdelay $0x3  }
0x33: {  	p0 =	seq.s32 s10, $0x1;
	s10 =	sld [smem:$0x3FB4];
	_ =	sdelay $0x3  }
0x34: {  	[smem:$0x3FB4] =	sst s10  }
0x35: {  	s10 =	sld [smem:$0x3FB3];
	_ =	sdelay $0x3  }
0x36: {  	p1 =	seq.s32 s10, $0x1;
	s10 =	sld [smem:$0x3FB4];
	_ =	sdelay $0x3  }
0x37: {  	[smem:$0x3FB4] =	sst s10  }
0x38: {  	s10 =	sld [smem:$0x3FB5]  }
0x39: {  	_ = 	snop;
	(pc) =	sbr.ind lr, $3  }
0x3a: {  	_ = 	snop  }
0x3b: {  	_ = 	snop  }
0x3c: {  	p2 =	seq.s32 s10, $0x1;
	s10 =	sld [smem:$0x3FB4]  }
0x3d: {  	_ =	shalt  }
0x3e: {  	_ =	shalt  }
0x3f: {  	_ =	shalt  }
0x40: {  	_ =	shalt  }
0x41: {  	_ =	shalt  }
0x42: {  	_ =	shalt  }
0x43: {  	_ =	shalt  }
0x44: {  	_ =	shalt  }
0x45: {  	_ =	shalt  }
0x46: {  	_ =	shalt  }
0x47: {  	_ =	shalt  }
0x48: {  	_ =	shalt  }
0x49: {  	_ =	shalt  }
0x4a: {  	_ =	shalt  }
0x4b: {  	_ =	shalt  }
0x4c: {  	_ =	shalt  }
0x4d: {  	_ =	shalt  }
0x4e: {  	_ =	shalt  }
0x4f: {  	_ =	shalt  }
0x50: {  	_ =	shalt  }
0x51: {  	_ =	shalt  }
0x52: {  	_ =	shalt  }
0x53: {  	_ =	shalt  }
0x54: {  	_ =	shalt  }
0x55: {  	_ =	shalt  }
0x56: {  	_ =	shalt  }
0x57: {  	_ =	shalt  }
0x58: {  	_ =	shalt  }
0x59: {  	_ =	shalt  }
0x5a: {  	_ =	shalt  }
0x5b: {  	_ =	shalt  }
0x5c: {  	_ =	shalt  }
0x5d: {  	_ =	shalt  }
0x5e: {  	_ =	shalt  }
0x5f: {  	_ =	shalt  }
0x60: {  	_ =	shalt  }
0x61: {  	_ =	shalt  }
0x62: {  	_ =	shalt  }
0x63: {  	_ =	shalt  }
0x64: {  	_ =	shalt  }
0x65: {  	_ =	shalt  }
0x66: {  	_ =	shalt  }
0x67: {  	_ =	shalt  }
0x68: {  	_ =	shalt  }
0x69: {  	_ =	shalt  }
0x6a: {  	_ =	shalt  }
0x6b: {  	_ =	shalt  }
0x6c: {  	_ =	shalt  }
0x6d: {  	_ =	shalt  }
0x6e: {  	_ =	shalt  }
0x6f: {  	_ =	shalt  }
0x70: {  	_ =	shalt  }
0x71: {  	_ =	shalt  }
0x72: {  	_ =	shalt  }
0x73: {  	_ =	shalt  }
0x74: {  	_ =	shalt  }
0x75: {  	_ =	shalt  }
0x76: {  	_ =	shalt  }
0x77: {  	_ =	shalt  }
0x78: {  	_ =	shalt  }
0x79: {  	_ =	shalt  }
0x7a: {  	_ =	shalt  }
0x7b: {  	_ =	shalt  }
0x7c: {  	_ =	shalt  }
0x7d: {  	_ =	shalt  }
0x7e: {  	_ =	shalt  }
0x7f: {  	_ =	shalt  }
0x80: {  	_ =	shalt  }
0x81: {  	_ =	shalt  }
0x82: {  	_ =	shalt  }
0x83: {  	_ =	shalt  }
0x84: {  	_ =	shalt  }
0x85: {  	_ =	shalt  }
0x86: {  	_ =	shalt  }
0x87: {  	_ =	shalt  }
.Lfunc_end0:
.L_simem_size_0:
called_computation.1_lowered:
.L_overlay_start_0:
0x88: {  	s2 =	sld [smem:$0x3FD9]  }
0x89: {  	s3 =	sld [smem:$0x3FFE];
	_ =	sdelay $0x1  }
0x8a: {  	s1 =	srdreg.scid  }
0x8b: {  	s0 =	sand.u32 $0x1, s1  }
0x8c: {  	s17 =	sshll.u32 s0, $0xA;
	s2 =	sadd.s32 s3, s2  }
0x8d: {  	s2 =	sadd.s32 s2, s17  }
0x8e: {  	[smem:$0x3FC0] =	sst s2  }
0x8f: {  	_ = 	snop  }
0x90: {  	s18 =	sld [smem:$0x3FC9];
	(tm) =	ssettm $0x1  }
0x91: {  	s19 =	sld [smem:$0x3FFB];
	_ =	sdelay $0x3  }
0x92: {  	_ =	strace s19  }
0x93: {  	s2 =	sld [smem:$0x3FFC];
	_ =	sdelay $0x3  }
0x94: {  	_ =	strace s2  }
0x95: {  	s2 =	sld [smem:$0x3FFD];
	_ =	sdelay $0x3  }
0x96: {  	_ =	strace s2  }
0x97: {  	_ =	strace $0x8FFFFFFF  }
0x98: {  	s20 =	sld [smem:$0x3FDB];
	_ =	sdelay $0x1  }
0x99: {  	s4 =	simm.s32 $_scs_section_size  }
0x9a: {  	s5 =	simm.s32 $_size__tile_overlayer_lowered;
	s6 =	simm.s32 $_tile_overlayer_lowered  }
0x9b: {  	s7 =	simm.s32 $0x1BFF;
	s21 =	sshll.u32 s6, $0x1;
	s4 =	sadd.s32 s4, s20  }
0x9c: {  	s22 =	simm.s32 $0x0;
	s5 =	sshll.u32 s5, $0x1;
	s6 =	sadd.s32 s21, s4  }
0x9d: {  	[timem:s22], [sflag:s7] =	dma.local [hbm:s6], s5  }
0x9e: {  	_ =	swait.ge [sflag:s7], s5  }
0x9f: {  	s5 =	ssub.s32 $0x0, s5;
	[sflag:s7] =	ssyncset.done $0x0  }
0xa0: {  	[sflag:s7] =	ssyncadd.s32 s5;
	_ =	sdelay $0x1  }
0xa1: {  	s23 =	simm.s32 $0x1B8B  }
0xa2: {  	_ =	swait.ge [sflag:s23], $0x1  }
0xa3: {  	[sflag:s23] =	ssyncset.done $0x0  }
0xa4: {  	[sflag:s23] =	ssyncadd.s32 $0xFFFFFFFF  }
0xa5: {  	s5 =	sld [smem:$0x0]  }
0xa6: {  	s6 =	sand.u32 $0xFFFFFFFE, s1  }
0xa7: {  	p0 =	sne.s32 s1, s6  }
0xa8: {  	s6 =	sshll.u32 @p0 s6, $0xE  }
0xa9: {  	s6 =	sadd.s32 @p0 $0x11B8D, s6;
	s7 =	sshll.u32 @p0 s5, $0x11  }
0xaa: {  	s6 =	sor.u32 @p0 s7, s6  }
0xab: {  	[sflag:s6] =	ssyncadd.remote.s32 @p0 $0x1;
	_ =	sdelay $0x1  }
0xac: {  	s6 =	simm.s32 @p0 $0x1B8D  }
0xad: {  	_ =	swait.eq @p0 [sflag:s6], $0x1  }
0xae: {  	[sflag:s6] =	ssyncadd.s32 @p0 $0xFFFFFFFF  }
0xaf: {  	s7 =	sshll.u32 @!p0 s1, $0xE  }
0xb0: {  	s7 =	sor.u32 @!p0 $0x4000, s7;
	s6 =	simm.s32 @!p0 $0x1B8D  }
0xb1: {  	s5 =	sshll.u32 @!p0 s5, $0x11;
	s7 =	sadd.s32 @!p0 $0x11B8D, s7;
	_ =	swait.eq @!p0 [sflag:s6], $0x1  }
0xb2: {  	s5 =	sor.u32 @!p0 s5, s7;
	[sflag:s6] =	ssyncadd.s32 @!p0 $0xFFFFFFFF  }
0xb3: {  	s25 =	simm.s32 $0x1B8E;
	s24 =	sld [smem:$0x3FFE];
	[sflag:s5] =	ssyncadd.remote.s32 @!p0 $0x1  }
0xb4: {  	s26 =	simm.s32 $execute0_lowered;
	[smem:$0x3FD2] =	sst s25  }
0xb5: {  	s6 =	sshll.u32 s26, $0x1;
	_ =	strace $0x80000049;
	[dreg:$0x1] =	wrdreg $0xFFFFFFFF  }
0xb6: {  	s28 =	simm.s32 $_size_execute0_lowered;
	s4 =	sadd.s32 s4, s6;
	[dreg:$0x0] =	wrdreg $0x0  }
0xb7: {  	s6 =	sshll.u32 s28, $0x1;
	[dreg:$0x2] =	wrdreg s4  }
0xb8: {  	[dreg:$0x3] =	wrdreg s6  }
0xb9: {  	[dreg:$0x4] =	wrdreg $0xC0  }
0xba: {  	_ =	task [dreg:s22], $0x5FFFF  }
0xbb: {  	[dreg:$0x1] =	wrdreg $0xFFFFFFFF  }
0xbc: {  	[dreg:$0x0] =	wrdreg $0x60  }
0xbd: {  	[dreg:$0x2] =	wrdreg s18  }
0xbe: {  	[dreg:$0x3] =	wrdreg s24  }
0xbf: {  	[dreg:$0x4] =	wrdreg $0x58000  }
0xc0: {  	[dreg:$0x5] =	wrdreg $0xA  }
0xc1: {  	_ =	task.clear_ibuf [dreg:s22], $0x6FFFF;
	_ =	strace $0x90000049  }
0xc2: {  	s29 =	simm.s32 $0xA;
	_ =	strace $0x8000004B  }
0xc3: {  	_ =	swait.ge [sflag:s29], $0x1  }
0xc4: {  	[sflag:s29] =	ssyncadd.s32 $0xFFFFFFFF  }
0xc5: {  	_ =	strace $0x9000004B  }
0xc6: {  	_ =	sfence  }
0xc7: {  	s30 =	sld [smem:$0x0];
	_ =	sdelay $0x2  }
0xc8: {  	s31 =	sshll.u32 s1, $0xD;
	s1 =	sshrl.u32 s1, $0x2  }
0xc9: {  	s4 =	sand.u32 $0x4000, s31;
	s1 =	sadd.s32 s1, s30  }
0xca: {  	s0 =	sor.u32 s4, s0;
	s1 =	sshll.u32 s1, $0x11  }
0xcb: {  	s0 =	sor.u32 s1, s0  }
0xcc: {  	s0 =	sadd.s32 $0x8F2B, s0  }
0xcd: {  	[sflag:s0] =	ssyncadd.remote.s32 $0x1  }
0xce: {  	_ =	sfence.sel $0xFFFF  }
0xcf: {  	[dreg:$0x0] =	wrdreg $0xFFFFFFFF;
	(pc) =	sbr.abs _section_cstart, $3  }
0xd0: {  	[dreg:$0x1] =	wrdreg $0xFFFFFFFF  }
0xd1: {  	_ =	task.clear_ibuf [dreg:s22], $0x2FFFF;
	_ =	strace $0x9FFFFFFF  }
0xd2: {  	(tm) =	ssettm $0x7FFFFFFF  }
0xd3: {  	_ =	shalt  }
tec
execute0_lowered:
.L_overlay_start_1:
0x0: {  	(tag) =	ssettag $0x1  }
0x1: {  	s1 =	rddreg [dreg:$0x0]  }
0x2: {  	s0 =	rddreg [dreg:$0x1]  }
0x3: {  	s3 =	rddreg [dreg:$0x2];
	s4 =	simm.s32 $0x0;
	s10 =	stileid.u32  }
0x4: {  	s2 =	srdreg.scid;
	s28 =	simm.s32 $0x2800;
	s29 =	simm.s32 $0x1  }
0x5: {  	s30 =	simm.s32 $0x300;
	s31 =	simm.s32 $0x3800;
	s11 =	simm.s32 $0x280  }
0x6: {  	s12 =	simm.s32 $0x600;
	s13 =	simm.s32 $0x380;
	s14 =	simm.s32 $0x700  }
0x7: {  	s15 =	simm.s32 $0x480;
	[smem:$0x7FF] =	sst s4;
	s2 =	sand.u32 $0x1, s2  }
0x8: {  	s5 =	smul.u32 $0x4E000, s10;
	s6 =	sshll.u32 s10, $0x9;
	s26 =	sadd.s32 $0x136800, s3  }
0x9: {  	_ =	strace $0x8000004A;
	s7 =	smul.u32 $0x27100, s2;
	s8 =	ssub.s32 $0x2, s2  }
0xa: {  	s9 =	sadd.s32 s6, s0;
	s2 =	sshll.u32 s2, $0x8;
	s5 =	sshrl.u32 s5, $0x2  }
0xb: {  	[dreg:$0xe] =	wrdreg s26;
	s2 =	sadd.s32 s2, s9;
	s5 =	sadd.s32 s5, s3  }
0xc: {  	p0 =	sne.s32 s10, $0xF;
	s2 =	sadd.s32 $0x15C00, s2;
	[dreg:$0x4] =	wrdreg s5  }
0xd: {  	p1 =	seq.s32 s10, $0xF;
	s18 =	sadd.s32 $0x2000, s5;
	[dreg:$0x11] =	wrdreg s2  }
0xe: {  	s6 =	sshll.u32 s10, $0x1;
	s19 =	sadd.s32 $0x4000, s5;
	[dreg:$0x5] =	wrdreg s18  }
0xf: {  	s26 =	simm.s32 $0x200;
	s20 =	sadd.s32 $0x6000, s5;
	[dreg:$0x6] =	wrdreg s19  }
0x10: {  	s16 =	sshrl.u32 s8, $0x1;
	s21 =	sadd.s32 $0x8000, s5;
	[dreg:$0x7] =	wrdreg s20  }
0x11: {  	s9 =	simm.s32 $0x2;
	s22 =	sadd.s32 $0xA000, s5;
	[dreg:$0x8] =	wrdreg s21  }
0x12: {  	s0 =	sadd.s32 s7, s0;
	s23 =	sadd.s32 $0xC000, s5;
	[dreg:$0x9] =	wrdreg s22  }
0x13: {  	s17 =	ssub.s32 s8, s16;
	s24 =	sadd.s32 $0xE000, s5;
	[dreg:$0xa] =	wrdreg s23  }
0x14: {  	s8 =	simm.s32 $0x180;
	s25 =	sadd.s32 $0x10000, s5;
	[dreg:$0xb] =	wrdreg s24  }
0x15: {  	s16 =	simm.s32 $0x580;
	s5 =	sadd.s32 $0x11800, s5;
	[dreg:$0xc] =	wrdreg s25  }
0x16: {  	s7 =	smax.u32 s17, $0x1;
	s2 =	simm.s32 $0x400;
	[dreg:$0xd] =	wrdreg s5  }
0x17: {  	s5 =	sadd.s32 $0x63E00, s0;
	s0 =	smul.u32 $0x2700, s10;
	[dreg:$0x10] =	wrdreg s7  }
.Ltmp0:
0x18: {  	s20 =	simm.s32 $0x800;
	s21 =	simm.s32 $0x3;
	(pc) =	sbr.rel .LBB2_1-.Ltmp0, $4  }
0x19: {  	s22 =	simm.s32 $0x20;
	s23 =	simm.s32 $0x100;
	s24 =	simm.s32 $0x1800  }
0x1a: {  	s7 =	simm.s32 $0x4800;
	s10 =	simm.s32 $0x500;
	s18 =	simm.s32 $0x680  }
0x1b: {  	s19 =	simm.s32 $0x780;
	[dreg:$0xf] =	wrdreg s5;
	s0 =	sadd.s32 @!p1 s0, s5  }
0x1c: {  	v0 =	vimm.f32 $0.0e+00;
	s25 =	simm.s32 $0x0;
	[dreg:$0x12] =	wrdreg s0;
	s0 =	simm.s32 $0x80  }
.LBB2_7:
0x1d: {  	[bflag:$0x0] =	sbarrier.arrive $0xFFFF  }
0x1e: {  	s5 =	rddreg [dreg:$0xf]  }
0x1f: {  	s23 =	rddreg [dreg:$0x4]  }
0x20: {  	s25 =	simm.s32 @p1 $0x1FC3;
	s5 =	sadd.s32 @p1 $0x24900, s5;
	s17 =	sshrl.u32 @p1 s23, $0x3  }
0x21: {  	[hbm:s5], [sflag:s25] =	dma.local @p1 [spmem:s17], $0x2800  }
0x22: {  	s5 =	simm.s32 @p1 $0x3  }
0x23: {  	s17 =	stileid.u32;
	_ =	swait.ge @p1 [sflag:s5], $0x2800  }
0x24: {  	s17 =	sshll.u32 @!p1 s17, $0x6;
	[sflag:s5] =	ssyncset.done @p1 $0x0;
	s25 =	rddreg [dreg:$0x12]  }
0x25: {  	[sflag:s5] =	ssyncadd.s32 @p1 $0xFFFFD800;
	s5 =	sor.u32 @!p1 $0x1C03, s17;
	s17 =	sshrl.u32 @!p1 s23, $0x3  }
0x26: {  	[hbm:s25], [sflag:s5] =	dma.local @!p1 [spmem:s17], $0x2700  }
0x27: {  	s5 =	simm.s32 @!p1 $0x3  }
0x28: {  	_ =	swait.ge @!p1 [sflag:s5], $0x2700  }
0x29: {  	s17 =	rddreg [dreg:$0x13]  }
0x2a: {  	s25 =	sadd.s32 $0x1, s17;
	s17 =	rddreg [dreg:$0x10]  }
0x2b: {  	p2 =	sne.s32 s25, s17  }
.Ltmp1:
0x2c: {  	_ = 	snop;
	(pc) =	sbr.rel @!p2 .LBB2_8-.Ltmp1, $3  }
0x2d: {  	_ =	sdelay $0x1  }
0x2e: {  	[sflag:s5] =	ssyncset.done @!p1 $0x0  }
0x2f: {  	s23 =	simm.s32 $0x100;
	[sflag:s5] =	ssyncadd.s32 @!p1 $0xFFFFD900  }
.LBB2_1:
0x30: {  	[dreg:$0x13] =	wrdreg s25;
	s5 =	simm.s32 $0x0;
	s25 =	simm.s32 $0x200  }
.LBB2_2:
0x31: {  	p2 =	sne.s32 s25, $0x7E00;
	[tilespmem:s5+$0x870] =	vst v0  }
0x32: {  	[tilespmem:s5+$0x800] =	vst v0  }
0x33: {  	[tilespmem:s5+$0x810] =	vst v0  }
.Ltmp2:
0x34: {  	[tilespmem:s5+$0x820] =	vst v0;
	(pc) =	sbr.rel @p2 .LBB2_2-.Ltmp2, $4  }
0x35: {  	[tilespmem:s5+$0x830] =	vst v0  }
0x36: {  	[tilespmem:s5+$0x840] =	vst v0  }
0x37: {  	[tilespmem:s5+$0x850] =	vst v0  }
0x38: {  	[tilespmem:s5+$0x860] =	vst v0;
	s5 =	sshra.s32 s25, $0x2;
	s25 =	sadd.s32 $0x200, s25  }
0x39: {  	[tilespmem:s5+$0x870] =	vst v0  }
0x3a: {  	[tilespmem:s5+$0x800] =	vst v0  }
0x3b: {  	[tilespmem:s5+$0x810] =	vst v0  }
0x3c: {  	[tilespmem:s5+$0x820] =	vst v0  }
0x3d: {  	[tilespmem:s5+$0x830] =	vst v0  }
0x3e: {  	[tilespmem:s5+$0x840] =	vst v0  }
0x3f: {  	[tilespmem:s5+$0x850] =	vst v0  }
0x40: {  	[tilespmem:s5+$0x860] =	vst v0;
	s17 =	rddreg [dreg:$0x4]  }
0x41: {  	[spmem:s17] =	stream.linear.scatter [tilespmem:s20], [sflag:$0x3], $0x2000, $0x38;
	[tilespmem:$0x19080] =	vst v63  }
0x42: {  	_ =	swait.ge [sflag:s21], $0x2000  }
0x43: {  	[sflag:s21] =	ssyncset.done $0x0  }
0x44: {  	s25 =	rddreg [dreg:$0x5];
	[sflag:s21] =	ssyncadd.s32 $0xFFFFE000  }
0x45: {  	[spmem:s25] =	stream.linear.scatter [tilespmem:s20], [sflag:$0x3], $0x2000, $0x38;
	[tilespmem:$0x19080] =	vst v63  }
0x46: {  	_ =	swait.ge [sflag:s21], $0x2000  }
0x47: {  	[sflag:s21] =	ssyncset.done $0x0  }
0x48: {  	s17 =	rddreg [dreg:$0x6];
	[sflag:s21] =	ssyncadd.s32 $0xFFFFE000  }
0x49: {  	[spmem:s17] =	stream.linear.scatter [tilespmem:s20], [sflag:$0x3], $0x2000, $0x38;
	[tilespmem:$0x19080] =	vst v63  }
0x4a: {  	_ =	swait.ge [sflag:s21], $0x2000  }
0x4b: {  	[sflag:s21] =	ssyncset.done $0x0  }
0x4c: {  	s25 =	rddreg [dreg:$0x7];
	[sflag:s21] =	ssyncadd.s32 $0xFFFFE000  }
0x4d: {  	[spmem:s25] =	stream.linear.scatter [tilespmem:s20], [sflag:$0x3], $0x2000, $0x38;
	[tilespmem:$0x19080] =	vst v63  }
0x4e: {  	_ =	swait.ge [sflag:s21], $0x2000  }
0x4f: {  	[sflag:s21] =	ssyncset.done $0x0  }
0x50: {  	s17 =	rddreg [dreg:$0x8];
	[sflag:s21] =	ssyncadd.s32 $0xFFFFE000  }
0x51: {  	[spmem:s17] =	stream.linear.scatter [tilespmem:s20], [sflag:$0x3], $0x2000, $0x38;
	[tilespmem:$0x19080] =	vst v63  }
0x52: {  	_ =	swait.ge [sflag:s21], $0x2000  }
0x53: {  	[sflag:s21] =	ssyncset.done $0x0  }
0x54: {  	s25 =	rddreg [dreg:$0x9];
	[sflag:s21] =	ssyncadd.s32 $0xFFFFE000  }
0x55: {  	[spmem:s25] =	stream.linear.scatter [tilespmem:s20], [sflag:$0x3], $0x2000, $0x38;
	[tilespmem:$0x19080] =	vst v63  }
0x56: {  	_ =	swait.ge [sflag:s21], $0x2000  }
0x57: {  	[sflag:s21] =	ssyncset.done $0x0  }
0x58: {  	s17 =	rddreg [dreg:$0xa];
	[sflag:s21] =	ssyncadd.s32 $0xFFFFE000  }
0x59: {  	[spmem:s17] =	stream.linear.scatter [tilespmem:s20], [sflag:$0x3], $0x2000, $0x38;
	[tilespmem:$0x19080] =	vst v63  }
0x5a: {  	_ =	swait.ge [sflag:s21], $0x2000  }
0x5b: {  	[sflag:s21] =	ssyncset.done $0x0  }
0x5c: {  	s25 =	rddreg [dreg:$0xb];
	[sflag:s21] =	ssyncadd.s32 $0xFFFFE000  }
0x5d: {  	[spmem:s25] =	stream.linear.scatter [tilespmem:s20], [sflag:$0x3], $0x2000, $0x38;
	[tilespmem:$0x19080] =	vst v63  }
0x5e: {  	_ =	swait.ge [sflag:s21], $0x2000  }
0x5f: {  	[sflag:s21] =	ssyncset.done $0x0  }
0x60: {  	s17 =	rddreg [dreg:$0xc];
	[sflag:s21] =	ssyncadd.s32 $0xFFFFE000  }
0x61: {  	[spmem:s17] =	stream.linear.scatter [tilespmem:s20], [sflag:$0x3], $0x2000, $0x38;
	[tilespmem:$0x19080] =	vst v63  }
0x62: {  	_ =	swait.ge [sflag:s21], $0x2000  }
0x63: {  	[sflag:s21] =	ssyncset.done $0x0  }
0x64: {  	s25 =	rddreg [dreg:$0xd];
	[sflag:s21] =	ssyncadd.s32 $0xFFFFE000  }
0x65: {  	[spmem:s25] =	stream.linear.scatter [tilespmem:s20], [sflag:$0x3], $0x2000, $0x38;
	[tilespmem:$0x19080] =	vst v63  }
0x66: {  	_ =	swait.ge [sflag:s21], $0x2000  }
0x67: {  	[sflag:s21] =	ssyncset.done $0x0  }
0x68: {  	s5 =	simm.s32 @!p0 $0x800;
	s17 =	rddreg [dreg:$0xe];
	[sflag:s21] =	ssyncadd.s32 $0xFFFFE000  }
0x69: {  	[spmem:s17] =	stream.linear.scatter @!p0 [tilespmem:s5], [sflag:$0x3], $0x2000, $0x38;
	[tilespmem:$0x19080] =	vst v63  }
0x6a: {  	s5 =	simm.s32 @!p0 $0x3  }
.Ltmp3:
0x6b: {  	_ =	swait.ge @!p0 [sflag:s5], $0x2000;
	(pc) =	sbr.rel .LBB2_4-.Ltmp3, $4  }
0x6c: {  	[sflag:s5] =	ssyncset.done @!p0 $0x0  }
0x6d: {  	[sflag:s5] =	ssyncadd.s32 @!p0 $0xFFFFE000  }
0x6e: {  	[bflag:$0x0] =	sbarrier.arrive $0xFFFF  }
0x6f: {  	s25 =	simm.s32 $0x0;
	s5 =	rddreg [dreg:$0x11]  }
.LBB2_6:
0x70: {  	s25 =	sadd.s32 $0x20, s25  }
0x71: {  	p2 =	sne.s32 s25, $0x500  }
.Ltmp4:
0x72: {  	_ = 	snop;
	(pc) =	sbr.rel @!p2 .LBB2_7-.Ltmp4, $2  }
0x73: {  	_ =	sdelay $0x2  }
0x74: {  	s5 =	sadd.s32 $0x2000, s5  }
.LBB2_4:
0x75: {  	s17 =	sadd.s32 s25, s6  }
0x76: {  	p2 =	sgt.u32 s17, $0x4E1  }
.Ltmp5:
0x77: {  	_ = 	snop;
	(pc) =	sbr.rel @p2 .LBB2_6-.Ltmp5, $1  }
0x78: {  	_ =	sdelay $0x3  }
0x79: {  	[tilespmem:s4], [sflag:$0x3] =	stream.linear.gather [hbm4b:s5+s4], $0x800, $0x38;
	[tilespmem:$0x19080] =	vst v63  }
0x7a: {  	_ =	swait.ge [sflag:s21], $0x800  }
0x7b: {  	[sflag:s21] =	ssyncset.done $0x0  }
0x7c: {  	[sflag:s21] =	ssyncadd.s32 $0xFFFFF800  }
0x7d: {  	[tilespmem:s20], [sflag:$0x1] =	stream.indirect.gather [hbm4b:s1+s22], $0x80, s4, s22, $0xb8;
	[tilespmem:$0x19080] =	vst v63  }
0x7e: {  	_ = 	snop  }
0x7f: {  	[tilespmem:s24], [sflag:$0x1] =	stream.indirect.gather [hbm4b:s1+s22], $0x80, s23, s22, $0xb8;
	[tilespmem:$0x19080] =	vst v63  }
0x80: {  	_ = 	snop  }
0x81: {  	[tilespmem:s28], [sflag:$0x1] =	stream.indirect.gather [hbm4b:s1+s22], $0x80, s26, s22, $0xb8;
	[tilespmem:$0x19080] =	vst v63  }
0x82: {  	_ =	swait.ge [sflag:s29], $0x1000  }
0x83: {  	[sflag:s29] =	ssyncset.done $0x0  }
0x84: {  	[sflag:s29] =	ssyncadd.s32 $0xFFFFF000  }
0x85: {  	[tilespmem:s31], [sflag:$0x1] =	stream.indirect.gather [hbm4b:s1+s22], $0x80, s30, s22, $0xb8;
	[tilespmem:$0x19080] =	vst v63  }
0x86: {  	_ = 	snop  }
0x87: {  	[spmem:s3] =	stream.indirect.scatter.add.f32 [tilespmem:s20], [sflag:$0x2], $0x80, s0, s22, $0xb8;
	[tilespmem:$0x19080] =	vst v63  }
0x88: {  	_ =	swait.ge [sflag:s29], $0x1000  }
0x89: {  	[sflag:s29] =	ssyncset.done $0x0  }
0x8a: {  	[sflag:s29] =	ssyncadd.s32 $0xFFFFF000  }
0x8b: {  	[tilespmem:s7], [sflag:$0x1] =	stream.indirect.gather [hbm4b:s1+s22], $0x80, s2, s22, $0xb8;
	[tilespmem:$0x19080] =	vst v63  }
0x8c: {  	_ = 	snop  }
0x8d: {  	[spmem:s3] =	stream.indirect.scatter.add.f32 [tilespmem:s24], [sflag:$0x2], $0x80, s8, s22, $0xb8;
	[tilespmem:$0x19080] =	vst v63  }
0x8e: {  	_ =	swait.ge [sflag:s29], $0x1000  }
0x8f: {  	[sflag:s29] =	ssyncset.done $0x0  }
0x90: {  	[sflag:s29] =	ssyncadd.s32 $0xFFFFF000  }
0x91: {  	_ =	swait.ge [sflag:s9], $0x1000  }
0x92: {  	[sflag:s9] =	ssyncset.done $0x0  }
0x93: {  	[sflag:s9] =	ssyncadd.s32 $0xFFFFF000  }
0x94: {  	[tilespmem:s20], [sflag:$0x1] =	stream.indirect.gather [hbm4b:s1+s22], $0x80, s10, s22, $0xb8;
	[tilespmem:$0x19080] =	vst v63  }
0x95: {  	_ = 	snop  }
0x96: {  	[spmem:s3] =	stream.indirect.scatter.add.f32 [tilespmem:s28], [sflag:$0x2], $0x80, s11, s22, $0xb8;
	[tilespmem:$0x19080] =	vst v63  }
0x97: {  	_ =	swait.ge [sflag:s29], $0x1000  }
0x98: {  	[sflag:s29] =	ssyncset.done $0x0  }
0x99: {  	[sflag:s29] =	ssyncadd.s32 $0xFFFFF000  }
0x9a: {  	_ =	swait.ge [sflag:s9], $0x1000  }
0x9b: {  	[sflag:s9] =	ssyncset.done $0x0  }
0x9c: {  	[sflag:s9] =	ssyncadd.s32 $0xFFFFF000  }
0x9d: {  	[tilespmem:s24], [sflag:$0x1] =	stream.indirect.gather [hbm4b:s1+s22], $0x80, s12, s22, $0xb8;
	[tilespmem:$0x19080] =	vst v63  }
0x9e: {  	_ = 	snop  }
0x9f: {  	[spmem:s3] =	stream.indirect.scatter.add.f32 [tilespmem:s31], [sflag:$0x2], $0x80, s13, s22, $0xb8;
	[tilespmem:$0x19080] =	vst v63  }
0xa0: {  	_ =	swait.ge [sflag:s29], $0x1000  }
0xa1: {  	[sflag:s29] =	ssyncset.done $0x0  }
0xa2: {  	[sflag:s29] =	ssyncadd.s32 $0xFFFFF000  }
0xa3: {  	_ =	swait.ge [sflag:s9], $0x1000  }
0xa4: {  	[sflag:s9] =	ssyncset.done $0x0  }
0xa5: {  	[sflag:s9] =	ssyncadd.s32 $0xFFFFF000  }
0xa6: {  	[tilespmem:s28], [sflag:$0x1] =	stream.indirect.gather [hbm4b:s1+s22], $0x80, s14, s22, $0xb8;
	[tilespmem:$0x19080] =	vst v63  }
0xa7: {  	_ = 	snop  }
0xa8: {  	[spmem:s3] =	stream.indirect.scatter.add.f32 [tilespmem:s7], [sflag:$0x2], $0x80, s15, s22, $0xb8;
	[tilespmem:$0x19080] =	vst v63  }
0xa9: {  	_ =	swait.ge [sflag:s29], $0x1000  }
0xaa: {  	[sflag:s29] =	ssyncset.done $0x0  }
0xab: {  	[sflag:s29] =	ssyncadd.s32 $0xFFFFF000  }
0xac: {  	[spmem:s3] =	stream.indirect.scatter.add.f32 [tilespmem:s20], [sflag:$0x2], $0x80, s16, s22, $0xb8;
	[tilespmem:$0x19080] =	vst v63  }
0xad: {  	_ =	swait.ge [sflag:s29], $0x1000  }
0xae: {  	[sflag:s29] =	ssyncset.done $0x0  }
0xaf: {  	[sflag:s29] =	ssyncadd.s32 $0xFFFFF000  }
0xb0: {  	[spmem:s3] =	stream.indirect.scatter.add.f32 [tilespmem:s24], [sflag:$0x2], $0x80, s18, s22, $0xb8;
	[tilespmem:$0x19080] =	vst v63  }
0xb1: {  	_ =	swait.ge [sflag:s29], $0x1000  }
0xb2: {  	[sflag:s29] =	ssyncset.done $0x0  }
0xb3: {  	[sflag:s29] =	ssyncadd.s32 $0xFFFFF000  }
0xb4: {  	[spmem:s3] =	stream.indirect.scatter.add.f32 [tilespmem:s28], [sflag:$0x2], $0x80, s19, s22, $0xb8;
	[tilespmem:$0x19080] =	vst v63  }
0xb5: {  	_ =	swait.ge [sflag:s9], $0x1000  }
0xb6: {  	[sflag:s9] =	ssyncset.done $0x0  }
0xb7: {  	[sflag:s9] =	ssyncadd.s32 $0xFFFFF000  }
0xb8: {  	_ =	swait.ge [sflag:s9], $0x1000  }
0xb9: {  	[sflag:s9] =	ssyncset.done $0x0  }
0xba: {  	[sflag:s9] =	ssyncadd.s32 $0xFFFFF000  }
0xbb: {  	_ =	swait.ge [sflag:s9], $0x1000  }
.Ltmp6:
0xbc: {  	[sflag:s9] =	ssyncset.done $0x0;
	(pc) =	sbr.rel .LBB2_6-.Ltmp6, $4  }
0xbd: {  	[sflag:s9] =	ssyncadd.s32 $0xFFFFF000  }
0xbe: {  	_ =	swait.ge [sflag:s9], $0x1000  }
0xbf: {  	[sflag:s9] =	ssyncset.done $0x0  }
0xc0: {  	[sflag:s9] =	ssyncadd.s32 $0xFFFFF000  }
.LBB2_8:
0xc1: {  	_ =	sfence.sel $0x180000  }
0xc2: {  	[bflag:$0x0] =	sbarrier.arrive $0xFFFF  }
0xc3: {  	_ =	strace $0x9000004A  }
0xc4: {  	s0 =	stileid.u32;
	[bflag:$0x2] =	sbarrier.arrive $0xFFFF  }
0xc5: {  	p0 =	sne.s32 s0, $0x0;
	s0 =	rddreg [dreg:$0x3]  }
0xc6: {  	s0 =	sadd.s32 @!p0 $0x100000, s0  }
0xc7: {  	[sflag:s0] =	ssyncadd.tile.s32 @!p0 $0x1;
	_ =	shalt  }
.Lfunc_end2:
_tile_overlayer_lowered:
.L_overlay_start_2:
0xc8: {  	(tag) =	ssettag $0x2  }
0xc9: {  	s0 =	rddreg [dreg:$0x0];
	s2 =	stileid.u32  }
0xca: {  	s1 =	rddreg [dreg:$0x1];
	p0 =	sne.s32 s2, $0x0  }
0xcb: {  	s3 =	rddreg [dreg:$0x2];
	[bflag:$0x3] =	sbarrier.arrive $0xFFFF;
	s2 =	simm.s32 @!p0 $0x1C03  }
0xcc: {  	[timem:s3], [sflag:s2] =	dma.local @!p0 [hbm:s0], s1  }
0xcd: {  	s0 =	simm.s32 @!p0 $0x3  }
0xce: {  	_ =	swait.ge @!p0 [sflag:s0], s1  }
0xcf: {  	s1 =	ssub.s32 @!p0 $0x0, s1;
	[sflag:s0] =	ssyncset.done @!p0 $0x0  }
0xd0: {  	[sflag:s0] =	ssyncadd.s32 @!p0 s1  }
0xd1: {  	[bflag:$0x3] =	sbarrier.arrive $0xFFFF  }
0xd2: {  	_ =	shalt  }

// kernel: kernel.13.cloned.1.call-start
scs
__scs_entry_jumppad:
0x0: {  	(pc) =	sbr.rel $0x88, $3  }
0x1: {  	(tag) =	ssettag $0x0;
	lr =	simm.s32 $0x1  }
0x2: {  	[smem:$0x3F99] =	sst lr;
	_ =	strace $0xD0000000  }
0x3: {  	_ = 	snop  }
0x4: {  	_ = 	snop  }
0x5: {  	_ = 	snop  }
0x6: {  	_ = 	snop  }
0x7: {  	_ = 	snop  }
__scs_overlays_trampoline_lowered:
0x8: {  	[smem:$0x3FA8] =	sst s0  }
0x9: {  	[smem:$0x3FA9] =	sst s1  }
0xa: {  	[smem:$0x3FAA] =	sst s2  }
0xb: {  	[smem:$0x3FAB] =	sst s3  }
0xc: {  	[smem:$0x3FAC] =	sst s4  }
0xd: {  	[smem:$0x3FAD] =	sst s5  }
0xe: {  	[smem:$0x3FAE] =	sst s6  }
0xf: {  	[smem:$0x3FAF] =	sst s7  }
0x10: {  	[smem:$0x3FB0] =	sst s8  }
0x11: {  	[smem:$0x3FB1] =	sst s9;
	s0 =	simm.s32 @!p0 $0x0  }
0x12: {  	s1 =	sld [smem:$0x3F97];
	s0 =	simm.s32 @p0 $0x1  }
0x13: {  	[smem:$0x3FB2] =	sst s0;
	s0 =	simm.s32 @!p1 $0x0  }
0x14: {  	s2 =	sld [smem:$0x3F96];
	s0 =	simm.s32 @p1 $0x1  }
0x15: {  	[smem:$0x3FB3] =	sst s0;
	s0 =	simm.s32 @!p2 $0x0  }
0x16: {  	s3 =	sld [smem:$0x3FDB];
	s0 =	simm.s32 @p2 $0x1  }
0x17: {  	s4 =	simm.s32 $0x1BF5;
	[smem:$0x3FB5] =	sst s0  }
0x18: {  	s0 =	sld [smem:$0x3F98];
	_ =	swait.ge [sflag:s4], $0x0  }
0x19: {  	s7 =	sld [smem:$0x3F99]  }
0x1a: {  	s8 =	sadd.s32 $0xFFFFE003, lr  }
0x1b: {  	s9 =	sadd.s32 $0xFFFFFEF7, lr;
	s5 =	simm.s32 $0xFFFFFFFF;
	p2 =	slt.u32 s8, $0xFFFFF086  }
0x1c: {  	p1 =	slt.u32 s9, $0xF7A;
	s5 =	simm.s32 @!p2 $0x0  }
0x1d: {  	s5 =	simm.s32 @p1 $0x1;
	p0 =	seq.s32 s7, s2  }
0x1e: {  	s7 =	smul.u32 @!p0 $0xF7A, s2;
	p2 =	seq.s32 @!p0 s5, $0x0  }
0x1f: {  	s9 =	smul.u32 $0xF7A, s1;
	s8 =	simm.s32 @!p0 $0x1BF5;
	p2 =	por !p2, p0  }
0x20: {  	[sflag:s8] =	ssyncset.s32 @!p0 $0xFFFFF086;
	s6 =	sadd.s32 @!p0 s3, s7;
	s7 =	simm.s32 @!p0 $0x108  }
0x21: {  	s3 =	sadd.s32 s3, s9;
	s6 =	sadd.s32 @!p0 $0x88, s6;
	s7 =	simm.s32 @p2 $0x1082  }
0x22: {  	[simem:s7], [sflag:s8] =	dma.local @!p0 [hbm:s6], $0xF7A  }
0x23: {  	s9 =	sor.u32 $0xD0000000, s2;
	s6 =	simm.s32 $0x108;
	_ =	swait.ge @!p0 [sflag:s8], $0x0  }
0x24: {  	s3 =	sadd.s32 $0x88, s3;
	s6 =	simm.s32 @!p1 $0x1082;
	[sflag:s4] =	ssyncset.s32 $0xFFFFF086  }
0x25: {  	[simem:s6], [sflag:s4] =	dma.local [hbm:s3], $0xF7A  }
0x26: {  	[smem:$0x3F99] =	sst s1;
	(tag) =	ssettag s2;
	_ =	strace s9  }
0x27: {  	s1 =	sld [smem:$0x3FA9]  }
0x28: {  	s2 =	sld [smem:$0x3FAA]  }
0x29: {  	s4 =	sld [smem:$0x3FAC]  }
0x2a: {  	p0 =	seq.s32 s5, $0x0;
	s5 =	sld [smem:$0x3FAD]  }
0x2b: {  	s6 =	sld [smem:$0x3FAE]  }
0x2c: {  	s7 =	sld [smem:$0x3FAF]  }
0x2d: {  	s3 =	simm.s32 $0x108;
	s8 =	sld [smem:$0x3FB0]  }
0x2e: {  	s3 =	simm.s32 @!p0 $0x1082;
	s9 =	sld [smem:$0x3FB1]  }
0x2f: {  	lr =	sadd.s32 s0, s3;
	s0 =	sld [smem:$0x3FA8]  }
0x30: {  	s3 =	sld [smem:$0x3FAB]  }
0x31: {  	[smem:$0x3FB4] =	sst s10  }
0x32: {  	s10 =	sld [smem:$0x3FB2];
	_ =	sdelay $0x3  }
0x33: {  	p0 =	seq.s32 s10, $0x1;
	s10 =	sld [smem:$0x3FB4];
	_ =	sdelay $0x3  }
0x34: {  	[smem:$0x3FB4] =	sst s10  }
0x35: {  	s10 =	sld [smem:$0x3FB3];
	_ =	sdelay $0x3  }
0x36: {  	p1 =	seq.s32 s10, $0x1;
	s10 =	sld [smem:$0x3FB4];
	_ =	sdelay $0x3  }
0x37: {  	[smem:$0x3FB4] =	sst s10  }
0x38: {  	s10 =	sld [smem:$0x3FB5]  }
0x39: {  	_ = 	snop;
	(pc) =	sbr.ind lr, $3  }
0x3a: {  	_ = 	snop  }
0x3b: {  	_ = 	snop  }
0x3c: {  	p2 =	seq.s32 s10, $0x1;
	s10 =	sld [smem:$0x3FB4]  }
0x3d: {  	_ =	shalt  }
0x3e: {  	_ =	shalt  }
0x3f: {  	_ =	shalt  }
0x40: {  	_ =	shalt  }
0x41: {  	_ =	shalt  }
0x42: {  	_ =	shalt  }
0x43: {  	_ =	shalt  }
0x44: {  	_ =	shalt  }
0x45: {  	_ =	shalt  }
0x46: {  	_ =	shalt  }
0x47: {  	_ =	shalt  }
0x48: {  	_ =	shalt  }
0x49: {  	_ =	shalt  }
0x4a: {  	_ =	shalt  }
0x4b: {  	_ =	shalt  }
0x4c: {  	_ =	shalt  }
0x4d: {  	_ =	shalt  }
0x4e: {  	_ =	shalt  }
0x4f: {  	_ =	shalt  }
0x50: {  	_ =	shalt  }
0x51: {  	_ =	shalt  }
0x52: {  	_ =	shalt  }
0x53: {  	_ =	shalt  }
0x54: {  	_ =	shalt  }
0x55: {  	_ =	shalt  }
0x56: {  	_ =	shalt  }
0x57: {  	_ =	shalt  }
0x58: {  	_ =	shalt  }
0x59: {  	_ =	shalt  }
0x5a: {  	_ =	shalt  }
0x5b: {  	_ =	shalt  }
0x5c: {  	_ =	shalt  }
0x5d: {  	_ =	shalt  }
0x5e: {  	_ =	shalt  }
0x5f: {  	_ =	shalt  }
0x60: {  	_ =	shalt  }
0x61: {  	_ =	shalt  }
0x62: {  	_ =	shalt  }
0x63: {  	_ =	shalt  }
0x64: {  	_ =	shalt  }
0x65: {  	_ =	shalt  }
0x66: {  	_ =	shalt  }
0x67: {  	_ =	shalt  }
0x68: {  	_ =	shalt  }
0x69: {  	_ =	shalt  }
0x6a: {  	_ =	shalt  }
0x6b: {  	_ =	shalt  }
0x6c: {  	_ =	shalt  }
0x6d: {  	_ =	shalt  }
0x6e: {  	_ =	shalt  }
0x6f: {  	_ =	shalt  }
0x70: {  	_ =	shalt  }
0x71: {  	_ =	shalt  }
0x72: {  	_ =	shalt  }
0x73: {  	_ =	shalt  }
0x74: {  	_ =	shalt  }
0x75: {  	_ =	shalt  }
0x76: {  	_ =	shalt  }
0x77: {  	_ =	shalt  }
0x78: {  	_ =	shalt  }
0x79: {  	_ =	shalt  }
0x7a: {  	_ =	shalt  }
0x7b: {  	_ =	shalt  }
0x7c: {  	_ =	shalt  }
0x7d: {  	_ =	shalt  }
0x7e: {  	_ =	shalt  }
0x7f: {  	_ =	shalt  }
0x80: {  	_ =	shalt  }
0x81: {  	_ =	shalt  }
0x82: {  	_ =	shalt  }
0x83: {  	_ =	shalt  }
0x84: {  	_ =	shalt  }
0x85: {  	_ =	shalt  }
0x86: {  	_ =	shalt  }
0x87: {  	_ =	shalt  }
.Lfunc_end0:
.L_simem_size_0:
called_computation.2_lowered:
.L_overlay_start_0:
0x88: {  	s2 =	sld [smem:$0x3FD9]  }
0x89: {  	s3 =	sld [smem:$0x3FFE];
	_ =	sdelay $0x1  }
0x8a: {  	s1 =	srdreg.scid  }
0x8b: {  	s0 =	sand.u32 $0x1, s1  }
0x8c: {  	s16 =	sshll.u32 s0, $0xA;
	s2 =	sadd.s32 s3, s2  }
0x8d: {  	s2 =	sadd.s32 s2, s16  }
0x8e: {  	[smem:$0x3FC0] =	sst s2  }
0x8f: {  	_ = 	snop  }
0x90: {  	(tm) =	ssettm $0x1  }
0x91: {  	s17 =	sld [smem:$0x3FFB];
	_ =	sdelay $0x3  }
0x92: {  	_ =	strace s17  }
0x93: {  	s2 =	sld [smem:$0x3FFC];
	_ =	sdelay $0x3  }
0x94: {  	_ =	strace s2  }
0x95: {  	s2 =	sld [smem:$0x3FFD];
	_ =	sdelay $0x3  }
0x96: {  	_ =	strace s2  }
0x97: {  	_ =	strace $0x8FFFFFFF  }
0x98: {  	s18 =	sld [smem:$0x3FDB];
	_ =	sdelay $0x1  }
0x99: {  	s19 =	simm.s32 $_scs_section_size  }
0x9a: {  	s4 =	simm.s32 $_size__tile_overlayer_lowered;
	s5 =	simm.s32 $_tile_overlayer_lowered  }
0x9b: {  	s22 =	simm.s32 $0x1BFF;
	s21 =	sshll.u32 s5, $0x1;
	s2 =	sadd.s32 s19, s18  }
0x9c: {  	s6 =	simm.s32 $0x0;
	s20 =	sshll.u32 s4, $0x1;
	s4 =	sadd.s32 s21, s2  }
0x9d: {  	[timem:s6], [sflag:s22] =	dma.local [hbm:s4], s20  }
0x9e: {  	_ =	swait.ge [sflag:s22], s20  }
0x9f: {  	s3 =	ssub.s32 $0x0, s20;
	[sflag:s22] =	ssyncset.done $0x0  }
0xa0: {  	[sflag:s22] =	ssyncadd.s32 s3;
	_ =	sdelay $0x1  }
0xa1: {  	s23 =	simm.s32 $0x1B8B  }
0xa2: {  	_ =	swait.ge [sflag:s23], $0x1  }
0xa3: {  	[sflag:s23] =	ssyncset.done $0x0  }
0xa4: {  	s25 =	simm.s32 $0x1B8E;
	s24 =	sld [smem:$0x3FFE];
	[sflag:s23] =	ssyncadd.s32 $0xFFFFFFFF  }
0xa5: {  	s26 =	simm.s32 $execute0_lowered;
	[smem:$0x3FD2] =	sst s25  }
0xa6: {  	s4 =	sshll.u32 s26, $0x1;
	_ =	strace $0x8000004C;
	[dreg:$0x1] =	wrdreg $0xFFFFFFFF  }
0xa7: {  	s28 =	simm.s32 $_size_execute0_lowered;
	s2 =	sadd.s32 s2, s4;
	[dreg:$0x0] =	wrdreg $0x0  }
0xa8: {  	s4 =	sshll.u32 s28, $0x1;
	[dreg:$0x2] =	wrdreg s2  }
0xa9: {  	[dreg:$0x3] =	wrdreg s4  }
0xaa: {  	[dreg:$0x4] =	wrdreg $0xC0  }
0xab: {  	_ =	task [dreg:s6], $0x5FFFF  }
0xac: {  	[dreg:$0x1] =	wrdreg $0xFFFFFFFF  }
0xad: {  	[dreg:$0x0] =	wrdreg $0x60  }
0xae: {  	[dreg:$0x2] =	wrdreg s24  }
0xaf: {  	[dreg:$0x3] =	wrdreg $0x58000  }
0xb0: {  	[dreg:$0x4] =	wrdreg $0x9  }
0xb1: {  	_ =	task.clear_ibuf [dreg:s6], $0x5FFFF;
	_ =	strace $0x9000004C  }
0xb2: {  	s29 =	simm.s32 $0x9;
	_ =	strace $0x8000004E  }
0xb3: {  	_ =	swait.ge [sflag:s29], $0x1  }
0xb4: {  	[sflag:s29] =	ssyncadd.s32 $0xFFFFFFFF  }
0xb5: {  	_ =	strace $0x9000004E  }
0xb6: {  	_ =	sfence  }
0xb7: {  	s30 =	sld [smem:$0x0];
	_ =	sdelay $0x2  }
0xb8: {  	s31 =	sshll.u32 s1, $0xD;
	s1 =	sshrl.u32 s1, $0x2  }
0xb9: {  	s3 =	sand.u32 $0x4000, s31;
	s1 =	sadd.s32 s1, s30  }
0xba: {  	s0 =	sor.u32 s3, s0;
	s1 =	sshll.u32 s1, $0x11  }
0xbb: {  	s0 =	sor.u32 s1, s0  }
0xbc: {  	s0 =	sadd.s32 $0x8F2B, s0  }
0xbd: {  	[sflag:s0] =	ssyncadd.remote.s32 $0x1  }
0xbe: {  	_ =	sfence.sel $0xFFFF  }
0xbf: {  	[dreg:$0x0] =	wrdreg $0xFFFFFFFF;
	(pc) =	sbr.abs _section_cstart, $3  }
0xc0: {  	[dreg:$0x1] =	wrdreg $0xFFFFFFFF  }
0xc1: {  	_ =	task.clear_ibuf [dreg:s6], $0x2FFFF;
	_ =	strace $0x9FFFFFFF  }
0xc2: {  	(tm) =	ssettm $0x7FFFFFFF  }
0xc3: {  	_ =	shalt  }
tec
execute0_lowered:
.L_overlay_start_1:
0x0: {  	(tag) =	ssettag $0x1  }
0x1: {  	s0 =	rddreg [dreg:$0x0]  }
0x2: {  	s1 =	rddreg [dreg:$0x1]  }
0x3: {  	s3 =	simm.s32 $0x0;
	s10 =	stileid.u32;
	s2 =	srdreg.scid  }
0x4: {  	s28 =	simm.s32 $0x2800;
	s29 =	simm.s32 $0x1;
	s30 =	simm.s32 $0x300  }
0x5: {  	s31 =	simm.s32 $0x3800;
	s11 =	simm.s32 $0x280;
	s12 =	simm.s32 $0x600  }
0x6: {  	s13 =	simm.s32 $0x380;
	s14 =	simm.s32 $0x700;
	s15 =	simm.s32 $0x480  }
0x7: {  	[smem:$0x7FF] =	sst s3;
	s4 =	sadd.s32 $0x63E00, s0;
	s2 =	sand.u32 $0x1, s2  }
0x8: {  	s5 =	smul.u32 $0x4E000, s10;
	s6 =	sshll.u32 s10, $0x9;
	s26 =	sadd.s32 $0x136800, s1  }
0x9: {  	_ =	strace $0x8000004D;
	s7 =	smul.u32 $0x27100, s2;
	s8 =	ssub.s32 $0x2, s2  }
0xa: {  	s9 =	sadd.s32 s6, s0;
	s2 =	sshll.u32 s2, $0x8;
	s5 =	sshrl.u32 s5, $0x2  }
0xb: {  	[dreg:$0xd] =	wrdreg s26;
	s2 =	sadd.s32 s2, s9;
	s5 =	sadd.s32 s5, s1  }
0xc: {  	p0 =	sne.s32 s10, $0xF;
	s2 =	sadd.s32 $0x15C00, s2;
	[dreg:$0x3] =	wrdreg s5  }
0xd: {  	p1 =	seq.s32 s10, $0xF;
	s18 =	sadd.s32 $0x2000, s5;
	[dreg:$0x10] =	wrdreg s2  }
0xe: {  	s6 =	sshll.u32 s10, $0x1;
	s19 =	sadd.s32 $0x4000, s5;
	[dreg:$0x4] =	wrdreg s18  }
0xf: {  	s26 =	simm.s32 $0x200;
	s20 =	sadd.s32 $0x6000, s5;
	[dreg:$0x5] =	wrdreg s19  }
0x10: {  	s16 =	sshrl.u32 s8, $0x1;
	s21 =	sadd.s32 $0x8000, s5;
	[dreg:$0x6] =	wrdreg s20  }
0x11: {  	s9 =	simm.s32 $0x2;
	s22 =	sadd.s32 $0xA000, s5;
	[dreg:$0x7] =	wrdreg s21  }
0x12: {  	s0 =	sadd.s32 s7, s0;
	s23 =	sadd.s32 $0xC000, s5;
	[dreg:$0x8] =	wrdreg s22  }
0x13: {  	s17 =	ssub.s32 s8, s16;
	s24 =	sadd.s32 $0xE000, s5;
	[dreg:$0x9] =	wrdreg s23  }
0x14: {  	s8 =	simm.s32 $0x180;
	s25 =	sadd.s32 $0x10000, s5;
	[dreg:$0xa] =	wrdreg s24  }
0x15: {  	s16 =	simm.s32 $0x580;
	s5 =	sadd.s32 $0x11800, s5;
	[dreg:$0xb] =	wrdreg s25  }
0x16: {  	s7 =	smax.u32 s17, $0x1;
	s2 =	simm.s32 $0x400;
	[dreg:$0xc] =	wrdreg s5  }
0x17: {  	s5 =	sadd.s32 $0x8B000, s0;
	s0 =	smul.u32 $0x2700, s10;
	[dreg:$0xf] =	wrdreg s7  }
.Ltmp0:
0x18: {  	s20 =	simm.s32 $0x800;
	s21 =	simm.s32 $0x3;
	(pc) =	sbr.rel .LBB2_1-.Ltmp0, $4  }
0x19: {  	s22 =	simm.s32 $0x20;
	s23 =	simm.s32 $0x100;
	s24 =	simm.s32 $0x1800  }
0x1a: {  	s7 =	simm.s32 $0x4800;
	s10 =	simm.s32 $0x500;
	s18 =	simm.s32 $0x680  }
0x1b: {  	s19 =	simm.s32 $0x780;
	[dreg:$0xe] =	wrdreg s5;
	s0 =	sadd.s32 @!p1 s0, s5  }
0x1c: {  	v0 =	vimm.f32 $0.0e+00;
	s25 =	simm.s32 $0x0;
	[dreg:$0x11] =	wrdreg s0;
	s0 =	simm.s32 $0x80  }
.LBB2_7:
0x1d: {  	[bflag:$0x0] =	sbarrier.arrive $0xFFFF  }
0x1e: {  	s5 =	rddreg [dreg:$0xe]  }
0x1f: {  	s23 =	rddreg [dreg:$0x3]  }
0x20: {  	s25 =	simm.s32 @p1 $0x1FC3;
	s5 =	sadd.s32 @p1 $0x24900, s5;
	s17 =	sshrl.u32 @p1 s23, $0x3  }
0x21: {  	[hbm:s5], [sflag:s25] =	dma.local @p1 [spmem:s17], $0x2800  }
0x22: {  	s5 =	simm.s32 @p1 $0x3  }
0x23: {  	s17 =	stileid.u32;
	_ =	swait.ge @p1 [sflag:s5], $0x2800  }
0x24: {  	s17 =	sshll.u32 @!p1 s17, $0x6;
	[sflag:s5] =	ssyncset.done @p1 $0x0;
	s25 =	rddreg [dreg:$0x11]  }
0x25: {  	[sflag:s5] =	ssyncadd.s32 @p1 $0xFFFFD800;
	s5 =	sor.u32 @!p1 $0x1C03, s17;
	s17 =	sshrl.u32 @!p1 s23, $0x3  }
0x26: {  	[hbm:s25], [sflag:s5] =	dma.local @!p1 [spmem:s17], $0x2700  }
0x27: {  	s5 =	simm.s32 @!p1 $0x3  }
0x28: {  	_ =	swait.ge @!p1 [sflag:s5], $0x2700  }
0x29: {  	s17 =	rddreg [dreg:$0x12]  }
0x2a: {  	s25 =	sadd.s32 $0x1, s17;
	s17 =	rddreg [dreg:$0xf]  }
0x2b: {  	p2 =	sne.s32 s25, s17  }
.Ltmp1:
0x2c: {  	_ = 	snop;
	(pc) =	sbr.rel @!p2 .LBB2_8-.Ltmp1, $3  }
0x2d: {  	_ =	sdelay $0x1  }
0x2e: {  	[sflag:s5] =	ssyncset.done @!p1 $0x0  }
0x2f: {  	s23 =	simm.s32 $0x100;
	[sflag:s5] =	ssyncadd.s32 @!p1 $0xFFFFD900  }
.LBB2_1:
0x30: {  	[dreg:$0x12] =	wrdreg s25;
	s5 =	simm.s32 $0x0;
	s25 =	simm.s32 $0x200  }
.LBB2_2:
0x31: {  	p2 =	sne.s32 s25, $0x7E00;
	[tilespmem:s5+$0x870] =	vst v0  }
0x32: {  	[tilespmem:s5+$0x800] =	vst v0  }
0x33: {  	[tilespmem:s5+$0x810] =	vst v0  }
.Ltmp2:
0x34: {  	[tilespmem:s5+$0x820] =	vst v0;
	(pc) =	sbr.rel @p2 .LBB2_2-.Ltmp2, $4  }
0x35: {  	[tilespmem:s5+$0x830] =	vst v0  }
0x36: {  	[tilespmem:s5+$0x840] =	vst v0  }
0x37: {  	[tilespmem:s5+$0x850] =	vst v0  }
0x38: {  	[tilespmem:s5+$0x860] =	vst v0;
	s5 =	sshra.s32 s25, $0x2;
	s25 =	sadd.s32 $0x200, s25  }
0x39: {  	[tilespmem:s5+$0x870] =	vst v0  }
0x3a: {  	[tilespmem:s5+$0x800] =	vst v0  }
0x3b: {  	[tilespmem:s5+$0x810] =	vst v0  }
0x3c: {  	[tilespmem:s5+$0x820] =	vst v0  }
0x3d: {  	[tilespmem:s5+$0x830] =	vst v0  }
0x3e: {  	[tilespmem:s5+$0x840] =	vst v0  }
0x3f: {  	[tilespmem:s5+$0x850] =	vst v0  }
0x40: {  	[tilespmem:s5+$0x860] =	vst v0;
	s17 =	rddreg [dreg:$0x3]  }
0x41: {  	[spmem:s17] =	stream.linear.scatter [tilespmem:s20], [sflag:$0x3], $0x2000, $0x38;
	[tilespmem:$0x19080] =	vst v63  }
0x42: {  	_ =	swait.ge [sflag:s21], $0x2000  }
0x43: {  	[sflag:s21] =	ssyncset.done $0x0  }
0x44: {  	s25 =	rddreg [dreg:$0x4];
	[sflag:s21] =	ssyncadd.s32 $0xFFFFE000  }
0x45: {  	[spmem:s25] =	stream.linear.scatter [tilespmem:s20], [sflag:$0x3], $0x2000, $0x38;
	[tilespmem:$0x19080] =	vst v63  }
0x46: {  	_ =	swait.ge [sflag:s21], $0x2000  }
0x47: {  	[sflag:s21] =	ssyncset.done $0x0  }
0x48: {  	s17 =	rddreg [dreg:$0x5];
	[sflag:s21] =	ssyncadd.s32 $0xFFFFE000  }
0x49: {  	[spmem:s17] =	stream.linear.scatter [tilespmem:s20], [sflag:$0x3], $0x2000, $0x38;
	[tilespmem:$0x19080] =	vst v63  }
0x4a: {  	_ =	swait.ge [sflag:s21], $0x2000  }
0x4b: {  	[sflag:s21] =	ssyncset.done $0x0  }
0x4c: {  	s25 =	rddreg [dreg:$0x6];
	[sflag:s21] =	ssyncadd.s32 $0xFFFFE000  }
0x4d: {  	[spmem:s25] =	stream.linear.scatter [tilespmem:s20], [sflag:$0x3], $0x2000, $0x38;
	[tilespmem:$0x19080] =	vst v63  }
0x4e: {  	_ =	swait.ge [sflag:s21], $0x2000  }
0x4f: {  	[sflag:s21] =	ssyncset.done $0x0  }
0x50: {  	s17 =	rddreg [dreg:$0x7];
	[sflag:s21] =	ssyncadd.s32 $0xFFFFE000  }
0x51: {  	[spmem:s17] =	stream.linear.scatter [tilespmem:s20], [sflag:$0x3], $0x2000, $0x38;
	[tilespmem:$0x19080] =	vst v63  }
0x52: {  	_ =	swait.ge [sflag:s21], $0x2000  }
0x53: {  	[sflag:s21] =	ssyncset.done $0x0  }
0x54: {  	s25 =	rddreg [dreg:$0x8];
	[sflag:s21] =	ssyncadd.s32 $0xFFFFE000  }
0x55: {  	[spmem:s25] =	stream.linear.scatter [tilespmem:s20], [sflag:$0x3], $0x2000, $0x38;
	[tilespmem:$0x19080] =	vst v63  }
0x56: {  	_ =	swait.ge [sflag:s21], $0x2000  }
0x57: {  	[sflag:s21] =	ssyncset.done $0x0  }
0x58: {  	s17 =	rddreg [dreg:$0x9];
	[sflag:s21] =	ssyncadd.s32 $0xFFFFE000  }
0x59: {  	[spmem:s17] =	stream.linear.scatter [tilespmem:s20], [sflag:$0x3], $0x2000, $0x38;
	[tilespmem:$0x19080] =	vst v63  }
0x5a: {  	_ =	swait.ge [sflag:s21], $0x2000  }
0x5b: {  	[sflag:s21] =	ssyncset.done $0x0  }
0x5c: {  	s25 =	rddreg [dreg:$0xa];
	[sflag:s21] =	ssyncadd.s32 $0xFFFFE000  }
0x5d: {  	[spmem:s25] =	stream.linear.scatter [tilespmem:s20], [sflag:$0x3], $0x2000, $0x38;
	[tilespmem:$0x19080] =	vst v63  }
0x5e: {  	_ =	swait.ge [sflag:s21], $0x2000  }
0x5f: {  	[sflag:s21] =	ssyncset.done $0x0  }
0x60: {  	s17 =	rddreg [dreg:$0xb];
	[sflag:s21] =	ssyncadd.s32 $0xFFFFE000  }
0x61: {  	[spmem:s17] =	stream.linear.scatter [tilespmem:s20], [sflag:$0x3], $0x2000, $0x38;
	[tilespmem:$0x19080] =	vst v63  }
0x62: {  	_ =	swait.ge [sflag:s21], $0x2000  }
0x63: {  	[sflag:s21] =	ssyncset.done $0x0  }
0x64: {  	s25 =	rddreg [dreg:$0xc];
	[sflag:s21] =	ssyncadd.s32 $0xFFFFE000  }
0x65: {  	[spmem:s25] =	stream.linear.scatter [tilespmem:s20], [sflag:$0x3], $0x2000, $0x38;
	[tilespmem:$0x19080] =	vst v63  }
0x66: {  	_ =	swait.ge [sflag:s21], $0x2000  }
0x67: {  	[sflag:s21] =	ssyncset.done $0x0  }
0x68: {  	s5 =	simm.s32 @!p0 $0x800;
	s17 =	rddreg [dreg:$0xd];
	[sflag:s21] =	ssyncadd.s32 $0xFFFFE000  }
0x69: {  	[spmem:s17] =	stream.linear.scatter @!p0 [tilespmem:s5], [sflag:$0x3], $0x2000, $0x38;
	[tilespmem:$0x19080] =	vst v63  }
0x6a: {  	s5 =	simm.s32 @!p0 $0x3  }
.Ltmp3:
0x6b: {  	_ =	swait.ge @!p0 [sflag:s5], $0x2000;
	(pc) =	sbr.rel .LBB2_4-.Ltmp3, $4  }
0x6c: {  	[sflag:s5] =	ssyncset.done @!p0 $0x0  }
0x6d: {  	[sflag:s5] =	ssyncadd.s32 @!p0 $0xFFFFE000  }
0x6e: {  	[bflag:$0x0] =	sbarrier.arrive $0xFFFF  }
0x6f: {  	s25 =	simm.s32 $0x0;
	s5 =	rddreg [dreg:$0x10]  }
.LBB2_6:
0x70: {  	s25 =	sadd.s32 $0x20, s25  }
0x71: {  	p2 =	sne.s32 s25, $0x500  }
.Ltmp4:
0x72: {  	_ = 	snop;
	(pc) =	sbr.rel @!p2 .LBB2_7-.Ltmp4, $2  }
0x73: {  	_ =	sdelay $0x2  }
0x74: {  	s5 =	sadd.s32 $0x2000, s5  }
.LBB2_4:
0x75: {  	s17 =	sadd.s32 s25, s6  }
0x76: {  	p2 =	sgt.u32 s17, $0x4E1  }
.Ltmp5:
0x77: {  	_ = 	snop;
	(pc) =	sbr.rel @p2 .LBB2_6-.Ltmp5, $1  }
0x78: {  	_ =	sdelay $0x3  }
0x79: {  	[tilespmem:s3], [sflag:$0x3] =	stream.linear.gather [hbm4b:s5+s3], $0x800, $0x38;
	[tilespmem:$0x19080] =	vst v63  }
0x7a: {  	_ =	swait.ge [sflag:s21], $0x800  }
0x7b: {  	[sflag:s21] =	ssyncset.done $0x0  }
0x7c: {  	[sflag:s21] =	ssyncadd.s32 $0xFFFFF800  }
0x7d: {  	[tilespmem:s20], [sflag:$0x1] =	stream.indirect.gather [hbm4b:s4+s22], $0x80, s3, s22, $0xb8;
	[tilespmem:$0x19080] =	vst v63  }
0x7e: {  	_ = 	snop  }
0x7f: {  	[tilespmem:s24], [sflag:$0x1] =	stream.indirect.gather [hbm4b:s4+s22], $0x80, s23, s22, $0xb8;
	[tilespmem:$0x19080] =	vst v63  }
0x80: {  	_ = 	snop  }
0x81: {  	[tilespmem:s28], [sflag:$0x1] =	stream.indirect.gather [hbm4b:s4+s22], $0x80, s26, s22, $0xb8;
	[tilespmem:$0x19080] =	vst v63  }
0x82: {  	_ =	swait.ge [sflag:s29], $0x1000  }
0x83: {  	[sflag:s29] =	ssyncset.done $0x0  }
0x84: {  	[sflag:s29] =	ssyncadd.s32 $0xFFFFF000  }
0x85: {  	[tilespmem:s31], [sflag:$0x1] =	stream.indirect.gather [hbm4b:s4+s22], $0x80, s30, s22, $0xb8;
	[tilespmem:$0x19080] =	vst v63  }
0x86: {  	_ = 	snop  }
0x87: {  	[spmem:s1] =	stream.indirect.scatter.add.f32 [tilespmem:s20], [sflag:$0x2], $0x80, s0, s22, $0xb8;
	[tilespmem:$0x19080] =	vst v63  }
0x88: {  	_ =	swait.ge [sflag:s29], $0x1000  }
0x89: {  	[sflag:s29] =	ssyncset.done $0x0  }
0x8a: {  	[sflag:s29] =	ssyncadd.s32 $0xFFFFF000  }
0x8b: {  	[tilespmem:s7], [sflag:$0x1] =	stream.indirect.gather [hbm4b:s4+s22], $0x80, s2, s22, $0xb8;
	[tilespmem:$0x19080] =	vst v63  }
0x8c: {  	_ = 	snop  }
0x8d: {  	[spmem:s1] =	stream.indirect.scatter.add.f32 [tilespmem:s24], [sflag:$0x2], $0x80, s8, s22, $0xb8;
	[tilespmem:$0x19080] =	vst v63  }
0x8e: {  	_ =	swait.ge [sflag:s29], $0x1000  }
0x8f: {  	[sflag:s29] =	ssyncset.done $0x0  }
0x90: {  	[sflag:s29] =	ssyncadd.s32 $0xFFFFF000  }
0x91: {  	_ =	swait.ge [sflag:s9], $0x1000  }
0x92: {  	[sflag:s9] =	ssyncset.done $0x0  }
0x93: {  	[sflag:s9] =	ssyncadd.s32 $0xFFFFF000  }
0x94: {  	[tilespmem:s20], [sflag:$0x1] =	stream.indirect.gather [hbm4b:s4+s22], $0x80, s10, s22, $0xb8;
	[tilespmem:$0x19080] =	vst v63  }
0x95: {  	_ = 	snop  }
0x96: {  	[spmem:s1] =	stream.indirect.scatter.add.f32 [tilespmem:s28], [sflag:$0x2], $0x80, s11, s22, $0xb8;
	[tilespmem:$0x19080] =	vst v63  }
0x97: {  	_ =	swait.ge [sflag:s29], $0x1000  }
0x98: {  	[sflag:s29] =	ssyncset.done $0x0  }
0x99: {  	[sflag:s29] =	ssyncadd.s32 $0xFFFFF000  }
0x9a: {  	_ =	swait.ge [sflag:s9], $0x1000  }
0x9b: {  	[sflag:s9] =	ssyncset.done $0x0  }
0x9c: {  	[sflag:s9] =	ssyncadd.s32 $0xFFFFF000  }
0x9d: {  	[tilespmem:s24], [sflag:$0x1] =	stream.indirect.gather [hbm4b:s4+s22], $0x80, s12, s22, $0xb8;
	[tilespmem:$0x19080] =	vst v63  }
0x9e: {  	_ = 	snop  }
0x9f: {  	[spmem:s1] =	stream.indirect.scatter.add.f32 [tilespmem:s31], [sflag:$0x2], $0x80, s13, s22, $0xb8;
	[tilespmem:$0x19080] =	vst v63  }
0xa0: {  	_ =	swait.ge [sflag:s29], $0x1000  }
0xa1: {  	[sflag:s29] =	ssyncset.done $0x0  }
0xa2: {  	[sflag:s29] =	ssyncadd.s32 $0xFFFFF000  }
0xa3: {  	_ =	swait.ge [sflag:s9], $0x1000  }
0xa4: {  	[sflag:s9] =	ssyncset.done $0x0  }
0xa5: {  	[sflag:s9] =	ssyncadd.s32 $0xFFFFF000  }
0xa6: {  	[tilespmem:s28], [sflag:$0x1] =	stream.indirect.gather [hbm4b:s4+s22], $0x80, s14, s22, $0xb8;
	[tilespmem:$0x19080] =	vst v63  }
0xa7: {  	_ = 	snop  }
0xa8: {  	[spmem:s1] =	stream.indirect.scatter.add.f32 [tilespmem:s7], [sflag:$0x2], $0x80, s15, s22, $0xb8;
	[tilespmem:$0x19080] =	vst v63  }
0xa9: {  	_ =	swait.ge [sflag:s29], $0x1000  }
0xaa: {  	[sflag:s29] =	ssyncset.done $0x0  }
0xab: {  	[sflag:s29] =	ssyncadd.s32 $0xFFFFF000  }
0xac: {  	[spmem:s1] =	stream.indirect.scatter.add.f32 [tilespmem:s20], [sflag:$0x2], $0x80, s16, s22, $0xb8;
	[tilespmem:$0x19080] =	vst v63  }
0xad: {  	_ =	swait.ge [sflag:s29], $0x1000  }
0xae: {  	[sflag:s29] =	ssyncset.done $0x0  }
0xaf: {  	[sflag:s29] =	ssyncadd.s32 $0xFFFFF000  }
0xb0: {  	[spmem:s1] =	stream.indirect.scatter.add.f32 [tilespmem:s24], [sflag:$0x2], $0x80, s18, s22, $0xb8;
	[tilespmem:$0x19080] =	vst v63  }
0xb1: {  	_ =	swait.ge [sflag:s29], $0x1000  }
0xb2: {  	[sflag:s29] =	ssyncset.done $0x0  }
0xb3: {  	[sflag:s29] =	ssyncadd.s32 $0xFFFFF000  }
0xb4: {  	[spmem:s1] =	stream.indirect.scatter.add.f32 [tilespmem:s28], [sflag:$0x2], $0x80, s19, s22, $0xb8;
	[tilespmem:$0x19080] =	vst v63  }
0xb5: {  	_ =	swait.ge [sflag:s9], $0x1000  }
0xb6: {  	[sflag:s9] =	ssyncset.done $0x0  }
0xb7: {  	[sflag:s9] =	ssyncadd.s32 $0xFFFFF000  }
0xb8: {  	_ =	swait.ge [sflag:s9], $0x1000  }
0xb9: {  	[sflag:s9] =	ssyncset.done $0x0  }
0xba: {  	[sflag:s9] =	ssyncadd.s32 $0xFFFFF000  }
0xbb: {  	_ =	swait.ge [sflag:s9], $0x1000  }
.Ltmp6:
0xbc: {  	[sflag:s9] =	ssyncset.done $0x0;
	(pc) =	sbr.rel .LBB2_6-.Ltmp6, $4  }
0xbd: {  	[sflag:s9] =	ssyncadd.s32 $0xFFFFF000  }
0xbe: {  	_ =	swait.ge [sflag:s9], $0x1000  }
0xbf: {  	[sflag:s9] =	ssyncset.done $0x0  }
0xc0: {  	[sflag:s9] =	ssyncadd.s32 $0xFFFFF000  }
.LBB2_8:
0xc1: {  	_ =	sfence.sel $0x180000  }
0xc2: {  	[bflag:$0x0] =	sbarrier.arrive $0xFFFF  }
0xc3: {  	_ =	strace $0x9000004D  }
0xc4: {  	s0 =	stileid.u32;
	[bflag:$0x2] =	sbarrier.arrive $0xFFFF  }
0xc5: {  	p0 =	sne.s32 s0, $0x0;
	s0 =	rddreg [dreg:$0x2]  }
0xc6: {  	s0 =	sadd.s32 @!p0 $0x100000, s0  }
0xc7: {  	[sflag:s0] =	ssyncadd.tile.s32 @!p0 $0x1;
	_ =	shalt  }
.Lfunc_end2:
_tile_overlayer_lowered:
.L_overlay_start_2:
0xc8: {  	(tag) =	ssettag $0x2  }
0xc9: {  	s0 =	rddreg [dreg:$0x0];
	s2 =	stileid.u32  }
0xca: {  	s1 =	rddreg [dreg:$0x1];
	p0 =	sne.s32 s2, $0x0  }
0xcb: {  	s3 =	rddreg [dreg:$0x2];
	[bflag:$0x3] =	sbarrier.arrive $0xFFFF;
	s2 =	simm.s32 @!p0 $0x1C03  }
0xcc: {  	[timem:s3], [sflag:s2] =	dma.local @!p0 [hbm:s0], s1  }
0xcd: {  	s0 =	simm.s32 @!p0 $0x3  }
0xce: {  	_ =	swait.ge @!p0 [sflag:s0], s1  }
0xcf: {  	s1 =	ssub.s32 @!p0 $0x0, s1;
	[sflag:s0] =	ssyncset.done @!p0 $0x0  }
0xd0: {  	[sflag:s0] =	ssyncadd.s32 @!p0 s1  }
0xd1: {  	[bflag:$0x3] =	sbarrier.arrive $0xFFFF  }
0xd2: {  	_ =	shalt  }

// kernel: kernel.7.cloned.1.call-start
scs
__scs_entry_jumppad:
0x0: {  	(pc) =	sbr.rel $0x88, $3  }
0x1: {  	(tag) =	ssettag $0x0;
	lr =	simm.s32 $0x1  }
0x2: {  	[smem:$0x3F99] =	sst lr;
	_ =	strace $0xD0000000  }
0x3: {  	_ = 	snop  }
0x4: {  	_ = 	snop  }
0x5: {  	_ = 	snop  }
0x6: {  	_ = 	snop  }
0x7: {  	_ = 	snop  }
__scs_overlays_trampoline_lowered:
0x8: {  	[smem:$0x3FA8] =	sst s0  }
0x9: {  	[smem:$0x3FA9] =	sst s1  }
0xa: {  	[smem:$0x3FAA] =	sst s2  }
0xb: {  	[smem:$0x3FAB] =	sst s3  }
0xc: {  	[smem:$0x3FAC] =	sst s4  }
0xd: {  	[smem:$0x3FAD] =	sst s5  }
0xe: {  	[smem:$0x3FAE] =	sst s6  }
0xf: {  	[smem:$0x3FAF] =	sst s7  }
0x10: {  	[smem:$0x3FB0] =	sst s8  }
0x11: {  	[smem:$0x3FB1] =	sst s9;
	s0 =	simm.s32 @!p0 $0x0  }
0x12: {  	s1 =	sld [smem:$0x3F97];
	s0 =	simm.s32 @p0 $0x1  }
0x13: {  	[smem:$0x3FB2] =	sst s0;
	s0 =	simm.s32 @!p1 $0x0  }
0x14: {  	s2 =	sld [smem:$0x3F96];
	s0 =	simm.s32 @p1 $0x1  }
0x15: {  	[smem:$0x3FB3] =	sst s0;
	s0 =	simm.s32 @!p2 $0x0  }
0x16: {  	s3 =	sld [smem:$0x3FDB];
	s0 =	simm.s32 @p2 $0x1  }
0x17: {  	s4 =	simm.s32 $0x1BF5;
	[smem:$0x3FB5] =	sst s0  }
0x18: {  	s0 =	sld [smem:$0x3F98];
	_ =	swait.ge [sflag:s4], $0x0  }
0x19: {  	s7 =	sld [smem:$0x3F99]  }
0x1a: {  	s8 =	sadd.s32 $0xFFFFE003, lr  }
0x1b: {  	s9 =	sadd.s32 $0xFFFFFEF7, lr;
	s5 =	simm.s32 $0xFFFFFFFF;
	p2 =	slt.u32 s8, $0xFFFFF086  }
0x1c: {  	p1 =	slt.u32 s9, $0xF7A;
	s5 =	simm.s32 @!p2 $0x0  }
0x1d: {  	s5 =	simm.s32 @p1 $0x1;
	p0 =	seq.s32 s7, s2  }
0x1e: {  	s7 =	smul.u32 @!p0 $0xF7A, s2;
	p2 =	seq.s32 @!p0 s5, $0x0  }
0x1f: {  	s9 =	smul.u32 $0xF7A, s1;
	s8 =	simm.s32 @!p0 $0x1BF5;
	p2 =	por !p2, p0  }
0x20: {  	[sflag:s8] =	ssyncset.s32 @!p0 $0xFFFFF086;
	s6 =	sadd.s32 @!p0 s3, s7;
	s7 =	simm.s32 @!p0 $0x108  }
0x21: {  	s3 =	sadd.s32 s3, s9;
	s6 =	sadd.s32 @!p0 $0x88, s6;
	s7 =	simm.s32 @p2 $0x1082  }
0x22: {  	[simem:s7], [sflag:s8] =	dma.local @!p0 [hbm:s6], $0xF7A  }
0x23: {  	s9 =	sor.u32 $0xD0000000, s2;
	s6 =	simm.s32 $0x108;
	_ =	swait.ge @!p0 [sflag:s8], $0x0  }
0x24: {  	s3 =	sadd.s32 $0x88, s3;
	s6 =	simm.s32 @!p1 $0x1082;
	[sflag:s4] =	ssyncset.s32 $0xFFFFF086  }
0x25: {  	[simem:s6], [sflag:s4] =	dma.local [hbm:s3], $0xF7A  }
0x26: {  	[smem:$0x3F99] =	sst s1;
	(tag) =	ssettag s2;
	_ =	strace s9  }
0x27: {  	s1 =	sld [smem:$0x3FA9]  }
0x28: {  	s2 =	sld [smem:$0x3FAA]  }
0x29: {  	s4 =	sld [smem:$0x3FAC]  }
0x2a: {  	p0 =	seq.s32 s5, $0x0;
	s5 =	sld [smem:$0x3FAD]  }
0x2b: {  	s6 =	sld [smem:$0x3FAE]  }
0x2c: {  	s7 =	sld [smem:$0x3FAF]  }
0x2d: {  	s3 =	simm.s32 $0x108;
	s8 =	sld [smem:$0x3FB0]  }
0x2e: {  	s3 =	simm.s32 @!p0 $0x1082;
	s9 =	sld [smem:$0x3FB1]  }
0x2f: {  	lr =	sadd.s32 s0, s3;
	s0 =	sld [smem:$0x3FA8]  }
0x30: {  	s3 =	sld [smem:$0x3FAB]  }
0x31: {  	[smem:$0x3FB4] =	sst s10  }
0x32: {  	s10 =	sld [smem:$0x3FB2];
	_ =	sdelay $0x3  }
0x33: {  	p0 =	seq.s32 s10, $0x1;
	s10 =	sld [smem:$0x3FB4];
	_ =	sdelay $0x3  }
0x34: {  	[smem:$0x3FB4] =	sst s10  }
0x35: {  	s10 =	sld [smem:$0x3FB3];
	_ =	sdelay $0x3  }
0x36: {  	p1 =	seq.s32 s10, $0x1;
	s10 =	sld [smem:$0x3FB4];
	_ =	sdelay $0x3  }
0x37: {  	[smem:$0x3FB4] =	sst s10  }
0x38: {  	s10 =	sld [smem:$0x3FB5]  }
0x39: {  	_ = 	snop;
	(pc) =	sbr.ind lr, $3  }
0x3a: {  	_ = 	snop  }
0x3b: {  	_ = 	snop  }
0x3c: {  	p2 =	seq.s32 s10, $0x1;
	s10 =	sld [smem:$0x3FB4]  }
0x3d: {  	_ =	shalt  }
0x3e: {  	_ =	shalt  }
0x3f: {  	_ =	shalt  }
0x40: {  	_ =	shalt  }
0x41: {  	_ =	shalt  }
0x42: {  	_ =	shalt  }
0x43: {  	_ =	shalt  }
0x44: {  	_ =	shalt  }
0x45: {  	_ =	shalt  }
0x46: {  	_ =	shalt  }
0x47: {  	_ =	shalt  }
0x48: {  	_ =	shalt  }
0x49: {  	_ =	shalt  }
0x4a: {  	_ =	shalt  }
0x4b: {  	_ =	shalt  }
0x4c: {  	_ =	shalt  }
0x4d: {  	_ =	shalt  }
0x4e: {  	_ =	shalt  }
0x4f: {  	_ =	shalt  }
0x50: {  	_ =	shalt  }
0x51: {  	_ =	shalt  }
0x52: {  	_ =	shalt  }
0x53: {  	_ =	shalt  }
0x54: {  	_ =	shalt  }
0x55: {  	_ =	shalt  }
0x56: {  	_ =	shalt  }
0x57: {  	_ =	shalt  }
0x58: {  	_ =	shalt  }
0x59: {  	_ =	shalt  }
0x5a: {  	_ =	shalt  }
0x5b: {  	_ =	shalt  }
0x5c: {  	_ =	shalt  }
0x5d: {  	_ =	shalt  }
0x5e: {  	_ =	shalt  }
0x5f: {  	_ =	shalt  }
0x60: {  	_ =	shalt  }
0x61: {  	_ =	shalt  }
0x62: {  	_ =	shalt  }
0x63: {  	_ =	shalt  }
0x64: {  	_ =	shalt  }
0x65: {  	_ =	shalt  }
0x66: {  	_ =	shalt  }
0x67: {  	_ =	shalt  }
0x68: {  	_ =	shalt  }
0x69: {  	_ =	shalt  }
0x6a: {  	_ =	shalt  }
0x6b: {  	_ =	shalt  }
0x6c: {  	_ =	shalt  }
0x6d: {  	_ =	shalt  }
0x6e: {  	_ =	shalt  }
0x6f: {  	_ =	shalt  }
0x70: {  	_ =	shalt  }
0x71: {  	_ =	shalt  }
0x72: {  	_ =	shalt  }
0x73: {  	_ =	shalt  }
0x74: {  	_ =	shalt  }
0x75: {  	_ =	shalt  }
0x76: {  	_ =	shalt  }
0x77: {  	_ =	shalt  }
0x78: {  	_ =	shalt  }
0x79: {  	_ =	shalt  }
0x7a: {  	_ =	shalt  }
0x7b: {  	_ =	shalt  }
0x7c: {  	_ =	shalt  }
0x7d: {  	_ =	shalt  }
0x7e: {  	_ =	shalt  }
0x7f: {  	_ =	shalt  }
0x80: {  	_ =	shalt  }
0x81: {  	_ =	shalt  }
0x82: {  	_ =	shalt  }
0x83: {  	_ =	shalt  }
0x84: {  	_ =	shalt  }
0x85: {  	_ =	shalt  }
0x86: {  	_ =	shalt  }
0x87: {  	_ =	shalt  }
.Lfunc_end0:
.L_simem_size_0:
called_computation_lowered:
.L_overlay_start_0:
0x88: {  	s2 =	sld [smem:$0x3FD9]  }
0x89: {  	s3 =	sld [smem:$0x3FFE];
	_ =	sdelay $0x1  }
0x8a: {  	s1 =	srdreg.scid  }
0x8b: {  	s0 =	sand.u32 $0x1, s1  }
0x8c: {  	s16 =	sshll.u32 s0, $0xA;
	s2 =	sadd.s32 s3, s2  }
0x8d: {  	s2 =	sadd.s32 s2, s16  }
0x8e: {  	[smem:$0x3FC0] =	sst s2  }
0x8f: {  	_ = 	snop  }
0x90: {  	(tm) =	ssettm $0x1  }
0x91: {  	s17 =	sld [smem:$0x3FFB];
	_ =	sdelay $0x3  }
0x92: {  	_ =	strace s17  }
0x93: {  	s2 =	sld [smem:$0x3FFC];
	_ =	sdelay $0x3  }
0x94: {  	_ =	strace s2  }
0x95: {  	s2 =	sld [smem:$0x3FFD];
	_ =	sdelay $0x3  }
0x96: {  	_ =	strace s2  }
0x97: {  	_ =	strace $0x8FFFFFFF  }
0x98: {  	s18 =	sld [smem:$0x3FDB];
	_ =	sdelay $0x1  }
0x99: {  	s19 =	simm.s32 $_scs_section_size  }
0x9a: {  	s4 =	simm.s32 $_size__tile_overlayer_lowered;
	s5 =	simm.s32 $_tile_overlayer_lowered  }
0x9b: {  	s22 =	simm.s32 $0x1BFF;
	s21 =	sshll.u32 s5, $0x1;
	s2 =	sadd.s32 s19, s18  }
0x9c: {  	s6 =	simm.s32 $0x0;
	s20 =	sshll.u32 s4, $0x1;
	s4 =	sadd.s32 s21, s2  }
0x9d: {  	[timem:s6], [sflag:s22] =	dma.local [hbm:s4], s20  }
0x9e: {  	_ =	swait.ge [sflag:s22], s20  }
0x9f: {  	s3 =	ssub.s32 $0x0, s20;
	[sflag:s22] =	ssyncset.done $0x0  }
0xa0: {  	[sflag:s22] =	ssyncadd.s32 s3;
	_ =	sdelay $0x1  }
0xa1: {  	s23 =	simm.s32 $0x1B8B  }
0xa2: {  	_ =	swait.ge [sflag:s23], $0x1  }
0xa3: {  	[sflag:s23] =	ssyncset.done $0x0  }
0xa4: {  	s25 =	simm.s32 $0x1B8E;
	s24 =	sld [smem:$0x3FFE];
	[sflag:s23] =	ssyncadd.s32 $0xFFFFFFFF  }
0xa5: {  	s26 =	simm.s32 $execute0_lowered;
	[smem:$0x3FD2] =	sst s25  }
0xa6: {  	s4 =	sshll.u32 s26, $0x1;
	_ =	strace $0x80000046;
	[dreg:$0x1] =	wrdreg $0xFFFFFFFF  }
0xa7: {  	s28 =	simm.s32 $_size_execute0_lowered;
	s2 =	sadd.s32 s2, s4;
	[dreg:$0x0] =	wrdreg $0x0  }
0xa8: {  	s4 =	sshll.u32 s28, $0x1;
	[dreg:$0x2] =	wrdreg s2  }
0xa9: {  	[dreg:$0x3] =	wrdreg s4  }
0xaa: {  	[dreg:$0x4] =	wrdreg $0xC0  }
0xab: {  	_ =	task [dreg:s6], $0x5FFFF  }
0xac: {  	[dreg:$0x1] =	wrdreg $0xFFFFFFFF  }
0xad: {  	[dreg:$0x0] =	wrdreg $0x60  }
0xae: {  	[dreg:$0x2] =	wrdreg s24  }
0xaf: {  	[dreg:$0x3] =	wrdreg $0x9  }
0xb0: {  	_ =	task.clear_ibuf [dreg:s6], $0x4FFFF;
	_ =	strace $0x90000046  }
0xb1: {  	s29 =	simm.s32 $0x9;
	_ =	strace $0x80000048  }
0xb2: {  	_ =	swait.ge [sflag:s29], $0x1  }
0xb3: {  	[sflag:s29] =	ssyncadd.s32 $0xFFFFFFFF  }
0xb4: {  	_ =	strace $0x90000048  }
0xb5: {  	_ =	sfence  }
0xb6: {  	s30 =	sld [smem:$0x0];
	_ =	sdelay $0x2  }
0xb7: {  	s31 =	sshll.u32 s1, $0xD;
	s1 =	sshrl.u32 s1, $0x2  }
0xb8: {  	s3 =	sand.u32 $0x4000, s31;
	s1 =	sadd.s32 s1, s30  }
0xb9: {  	s0 =	sor.u32 s3, s0;
	s1 =	sshll.u32 s1, $0x11  }
0xba: {  	s0 =	sor.u32 s1, s0  }
0xbb: {  	s0 =	sadd.s32 $0x8F2B, s0  }
0xbc: {  	[sflag:s0] =	ssyncadd.remote.s32 $0x1  }
0xbd: {  	_ =	sfence.sel $0xFFFF  }
0xbe: {  	[dreg:$0x0] =	wrdreg $0xFFFFFFFF;
	(pc) =	sbr.abs _section_cstart, $3  }
0xbf: {  	[dreg:$0x1] =	wrdreg $0xFFFFFFFF  }
0xc0: {  	_ =	task.clear_ibuf [dreg:s6], $0x2FFFF;
	_ =	strace $0x9FFFFFFF  }
0xc1: {  	(tm) =	ssettm $0x7FFFFFFF  }
tec
execute0_lowered:
.L_overlay_start_1:
0x0: {  	(tag) =	ssettag $0x1  }
0x1: {  	s5 =	rddreg [dreg:$0x0]  }
0x2: {  	s2 =	srdreg.scid;
	s1 =	stileid.u32  }
0x3: {  	s0 =	rddreg [dreg:$0x1];
	s10 =	simm.s32 $0x80;
	s6 =	sand.u32 $0x1, s2  }
0x4: {  	s3 =	sshll.u32 s1, $0x1;
	s2 =	simm.s32 $0x0;
	s4 =	sshrl.u32 s1, $0x2  }
0x5: {  	s3 =	sor.u32 s6, s3;
	[smem:$0x7FF] =	sst s2;
	s7 =	smul.u32 $0x13C00, s4  }
0x6: {  	s4 =	sadd.s32 $0x2000, s5;
	s29 =	sshll.u32 s3, $0x7;
	s3 =	smul.u32 $0x2710, s3  }
0x7: {  	s6 =	ssub.s32 $0x2, s6;
	_ =	strace $0x80000047;
	s8 =	sand.u32 $0x380, s29  }
0x8: {  	s30 =	sshrl.u32 s6, $0x1;
	s7 =	sor.u32 s7, s8;
	s9 =	sshrl.u32 s3, $0x3  }
0x9: {  	s8 =	ssub.s32 s6, s30;
	s7 =	sshrl.u32 s7, $0x3;
	s31 =	sadd.s32 s4, s9  }
0xa: {  	s9 =	simm.s32 $0x400;
	s7 =	sadd.s32 s7, s5;
	s5 =	sadd.s32 $0x480, s31  }
0xb: {  	v0 =	vimm.f32 $0.0e+00;
	v1 =	vimm.f32 $1.000000000e+00;
	s6 =	sadd.s32 $0xBE00, s7;
	s7 =	smax.u32 s8, $0x1;
	s8 =	simm.s32 $0x1  }
.LBB2_1:
0xc: {  	s11 =	simm.s32 $0x40;
	s12 =	simm.s32 $0x0  }
.LBB2_2:
0xd: {  	p0 =	sne.s32 s11, $0x9C00;
	[tilespmem:s12+$0x400] =	vst v0;
	s12 =	smov.u32 s11;
	s11 =	sadd.s32 $0x40, s11  }
.Ltmp0:
0xe: {  	(pc) =	sbr.rel @p0 .LBB2_2-.Ltmp0, $2  }
0xf: {  	_ =	sdelay $0x2  }
0x10: {  	s12 =	sshra.s32 s12, $0x2  }
0x11: {  	[tilespmem:s12+$0x400] =	vst v0;
	s11 =	simm.s32 $0x0;
	s12 =	simm.s32 $0x0  }
.LBB2_4:
0x12: {  	s13 =	sshll.u32 s12, $0xA  }
0x13: {  	s13 =	sadd.s32 s3, s13  }
0x14: {  	s13 =	sshrl.u32 s13, $0x3  }
0x15: {  	s13 =	sadd.s32 s4, s13  }
0x16: {  	[tilespmem:s11], [sflag:$0x1] =	stream.linear.gather [hbm4b:s13+s11], $0x400, $0x38;
	[tilespmem:$0x2B80] =	vst v63  }
0x17: {  	_ =	swait.ge [sflag:s8], $0x400  }
0x18: {  	[sflag:s8] =	ssyncset.done $0x0  }
0x19: {  	s14 =	simm.s32 $0x0;
	s13 =	simm.s32 $0x40;
	[sflag:s8] =	ssyncadd.s32 $0xFFFFFC00  }
.LBB2_5:
0x1a: {  	p0 =	sne.s32 s13, $0xFC0;
	v2 =	vld [tilespmem:s14+$0x0];
	_ =	sdelay $0x3  }
.Ltmp1:
0x1b: {  	(pc) =	sbr.rel @p0 .LBB2_5-.Ltmp1, $2  }
0x1c: {  	_ =	sdelay $0x2  }
0x1d: {  	s14 =	sshra.s32 s13, $0x2;
	s13 =	sadd.s32 $0x40, s13;
	[tilespmem:v2+s9+$0x0] =	vst.idx.add.f32.msk $0xffff, v1  }
0x1e: {  	v2 =	vld [tilespmem:s14+$0x0];
	_ =	sdelay $0x1  }
0x1f: {  	s12 =	sadd.s32 $0x1, s12  }
0x20: {  	p0 =	sne.s32 s12, $0x9  }
.Ltmp2:
0x21: {  	_ = 	snop;
	(pc) =	sbr.rel @p0 .LBB2_4-.Ltmp2, $2  }
0x22: {  	_ =	sdelay $0x2  }
0x23: {  	[tilespmem:v2+s9+$0x0] =	vst.idx.add.f32.msk $0xffff, v1  }
0x24: {  	s11 =	simm.s32 $0x0  }
0x25: {  	[tilespmem:s11], [sflag:$0x1] =	stream.linear.gather [hbm4b:s5+s11], $0x310, $0x38;
	[tilespmem:$0x2B80] =	vst v63  }
0x26: {  	_ =	swait.ge [sflag:s8], $0x310  }
0x27: {  	[sflag:s8] =	ssyncset.done $0x0  }
0x28: {  	s12 =	simm.s32 $0x0;
	s11 =	simm.s32 $0x40;
	[sflag:s8] =	ssyncadd.s32 $0xFFFFFCF0  }
.LBB2_8:
0x29: {  	p0 =	sne.s32 s11, $0xC00;
	v2 =	vld [tilespmem:s12+$0x0];
	_ =	sdelay $0x3  }
.Ltmp3:
0x2a: {  	(pc) =	sbr.rel @p0 .LBB2_8-.Ltmp3, $2  }
0x2b: {  	_ =	sdelay $0x2  }
0x2c: {  	s12 =	sshra.s32 s11, $0x2;
	s11 =	sadd.s32 $0x40, s11;
	[tilespmem:v2+s9+$0x0] =	vst.idx.add.f32.msk $0xffff, v1  }
0x2d: {  	v2 =	vld [tilespmem:s12+$0x0];
	_ =	sdelay $0x5  }
0x2e: {  	s2 =	sadd.s32 $0x1, s2  }
0x2f: {  	p0 =	sne.s32 s2, s7  }
.Ltmp4:
0x30: {  	[tilespmem:v2+s9+$0x0] =	vst.idx.add.f32.msk $0xffff, v1;
	(pc) =	sbr.rel @p0 .LBB2_1-.Ltmp4, $4  }
0x31: {  	[hbm4b:s6+s10] =	stream.strided.scatter [tilespmem:s9], [sflag:$0x1], $0x2780, s9, s10, $0x38;
	[tilespmem:$0x2B80] =	vst v63  }
0x32: {  	_ =	swait.ge [sflag:s8], $0x2780  }
0x33: {  	[sflag:s8] =	ssyncset.done $0x0  }
0x34: {  	[sflag:s8] =	ssyncadd.s32 $0xFFFFD880  }
0x35: {  	_ =	sfence.sel $0x180000  }
0x36: {  	[bflag:$0x0] =	sbarrier.arrive $0xFFFF  }
0x37: {  	p0 =	sne.s32 s1, $0x0;
	_ =	strace $0x90000047  }
0x38: {  	s0 =	sadd.s32 @!p0 $0x100000, s0;
	[bflag:$0x2] =	sbarrier.arrive $0xFFFF  }
0x39: {  	[sflag:s0] =	ssyncadd.tile.s32 @!p0 $0x1;
	_ =	shalt  }
.Lfunc_end2:
_tile_overlayer_lowered:
.L_overlay_start_2:
0x3a: {  	(tag) =	ssettag $0x2  }
0x3b: {  	s0 =	rddreg [dreg:$0x0];
	s2 =	stileid.u32  }
0x3c: {  	s1 =	rddreg [dreg:$0x1];
	p0 =	sne.s32 s2, $0x0  }
0x3d: {  	s3 =	rddreg [dreg:$0x2];
	[bflag:$0x3] =	sbarrier.arrive $0xFFFF;
	s2 =	simm.s32 @!p0 $0x1C01  }
0x3e: {  	[timem:s3], [sflag:s2] =	dma.local @!p0 [hbm:s0], s1  }
0x3f: {  	s0 =	simm.s32 @!p0 $0x1  }
0x40: {  	_ =	swait.ge @!p0 [sflag:s0], s1  }
0x41: {  	s1 =	ssub.s32 @!p0 $0x0, s1;
	[sflag:s0] =	ssyncset.done @!p0 $0x0  }
0x42: {  	[sflag:s0] =	ssyncadd.s32 @!p0 s1  }
0x43: {  	[bflag:$0x3] =	sbarrier.arrive $0xFFFF  }
0x44: {  	_ =	shalt  }

</sc_bundles>
